<compile_context>
chip_gen: v7x
topology: tpu7x:2x2x1
jax: 0.10.2.dev20260603
libtpu: 0.0.44.dev20260713+nightly
codegen_flags: <defaults>
</compile_context>

<pallas_src>
import functools

import jax
import jax.numpy as jnp
from jax import lax
from jax.experimental import pallas as pl
from jax.experimental.pallas import tpu as pltpu
from jax.experimental.pallas import tpu_sc as plsc

_N, _D, _K, _S = 10000, 256, 8, 1250
_NE = 125
_TH = 12
_CP = 128
_B = _K * _CP
_NC, _NS = 2, 16
_NW = _NC * _NS
_BW = _B // _NW
_BLK = 2048
_G = 5
_NP = _G * _BLK
_MP = 1024
_MBUF = 10240
_EPS_PD = 1e-6
_EPS_COS = 1e-8
_HI = lax.Precision.HIGHEST


def _sc_gather_mask(node_fea, allidx):
    mesh = plsc.VectorSubcoreMesh(
        core_axis_name="c", subcore_axis_name="s",
        num_cores=_NC, num_subcores=_NS)

    @functools.partial(
        pl.kernel,
        out_type=(jax.ShapeDtypeStruct((_B, _D), jnp.float32),
                  jax.ShapeDtypeStruct((_NP,), jnp.float32)),
        mesh=mesh,
        scratch_types=[
            pltpu.VMEM((_BW,), jnp.int32),
            pltpu.VMEM((_BW, _D), jnp.float32),
            pltpu.SemaphoreType.DMA,
            pltpu.VMEM((_MBUF,), jnp.float32),
            pltpu.VMEM((_MP,), jnp.int32),
        ],
        compiler_params=pltpu.CompilerParams(needs_layout_passes=False),
    )
    def sc_k(table_hbm, allidx_hbm, fea_out, mask_out,
             idx_v, rows_v, sem, mbuf, midx_v):
        wid = lax.axis_index("s") * _NC + lax.axis_index("c")
        base = wid * _BW
        pltpu.sync_copy(allidx_hbm.at[pl.ds(base, _BW)], idx_v)
        pltpu.async_copy(table_hbm.at[idx_v], rows_v, sem).wait()
        pltpu.sync_copy(rows_v, fea_out.at[pl.ds(base, _BW)])

        @pl.when(wid == 1)
        def _mask_work():
            zeros16 = jnp.zeros((16,), jnp.float32)
            ones16 = jnp.ones((16,), jnp.float32)

            def zbody(i, carry):
                mbuf[pl.ds(i * 16, 16)] = zeros16
                return carry

            lax.fori_loop(0, _MBUF // 16, zbody, 0)
            pltpu.sync_copy(allidx_hbm.at[pl.ds(_B, _MP)], midx_v)

            def sbody(j, carry):
                idx16 = midx_v[pl.ds(j * 16, 16)]
                plsc.store_scatter(mbuf, [idx16], ones16)
                return carry

            lax.fori_loop(0, _MP // 16, sbody, 0)
            pltpu.sync_copy(mbuf, mask_out)

    return sc_k(node_fea, allidx)


def _tc_a_body(x_ref, lab_ref, cent_ref, base_ref, d_ref):
    i = pl.program_id(0)

    @pl.when(i == 0)
    def _init():
        base_ref[...] = jnp.zeros((1, 1), jnp.float32)

    x = x_ref[...]
    lab_col = lab_ref[...].astype(jnp.float32).reshape(_BLK, 1)
    oh = (lab_col == lax.broadcasted_iota(jnp.int32, (_BLK, _K), 1
                                          ).astype(jnp.float32))
    csel = lax.dot_general(oh.astype(jnp.float32), cent_ref[...],
                           (((1,), (0,)), ((), ())))
    df = x - csel + _EPS_PD
    ssq = jnp.sum(df * df, axis=1, keepdims=True)
    valid = (i * _BLK
             + lax.broadcasted_iota(jnp.int32, (_BLK, 1), 0)) < _N
    dd = jnp.where(valid, jnp.sqrt(ssq), 0.0)
    d_ref[...] = dd.reshape(_BLK)
    part = jnp.sum(dd, axis=0, keepdims=True)
    base_ref[...] = base_ref[...] + part


def _tc_a(x, allidx, cent):
    return pl.pallas_call(
        _tc_a_body,
        grid=(_G,),
        in_specs=[
            pl.BlockSpec((_BLK, _D), lambda i: (i, 0)),
            pl.BlockSpec((_BLK,), lambda i: (i + 1,)),
            pl.BlockSpec((_K, _D), lambda i: (0, 0)),
        ],
        out_specs=[
            pl.BlockSpec((1, 1), lambda i: (0, 0)),
            pl.BlockSpec((_BLK,), lambda i: (i,)),
        ],
        out_shape=[
            jax.ShapeDtypeStruct((1, 1), jnp.float32),
            jax.ShapeDtypeStruct((_NP,), jnp.float32),
        ],
    )(x, allidx, cent)


def _tc_b_body(base_ref, d_ref, mask_ref, fea_ref, cent_ref, scale_ref,
               out_ref):
    prod = (d_ref[...] * mask_ref[...]).reshape(_NP // 128, 128)
    msum = jnp.sum(jnp.sum(prod, axis=1, keepdims=True),
                   axis=0, keepdims=True)
    total = base_ref[...] + scale_ref[0, 0] * msum

    fea = fea_ref[...]
    cent = cent_ref[...]
    at = lax.dot_general(cent, fea,
                         (((1,), (1,)), ((), ())))
    ones_row = jnp.ones((1, _D), jnp.float32)
    eye = (lax.broadcasted_iota(jnp.int32, (_CP, _CP), 0)
           == lax.broadcasted_iota(jnp.int32, (_CP, _CP), 1)
           ).astype(jnp.float32)
    valid_row = lax.broadcasted_iota(jnp.int32, (1, _CP), 1) < _NE
    valid_col = lax.broadcasted_iota(jnp.int32, (_CP, 1), 0) < _NE
    zrow = jnp.zeros((1, _CP), jnp.float32)
    means = []
    cnts = []
    for c in range(_K):
        fc = lax.slice(fea, (c * _CP, 0), ((c + 1) * _CP, _D))
        atc = lax.slice(at, (0, c * _CP), (_K, (c + 1) * _CP))
        n2 = lax.dot_general(ones_row, fc * fc,
                             (((1,), (1,)), ((), ())))
        invn = 1.0 / jnp.maximum(jnp.sqrt(n2), _EPS_COS)
        srow = (lax.slice(atc, (c, 0), (c + 1, _CP)) - atc) * invn
        keeps = []
        for j in range(_K):
            if j == c:
                keeps.append(zrow)
                continue
            srow_j = lax.slice(srow, (j, 0), (j + 1, _CP))
            scol_j = lax.dot_general(eye, srow_j,
                                     (((1,), (1,)), ((), ())))
            less = (scol_j < srow_j) & valid_col
            cntr = jnp.sum(less.astype(jnp.float32), axis=0,
                           keepdims=True)
            kj = (cntr >= float(_TH + 1)) & valid_row
            keeps.append(kj.astype(jnp.float32))
        keep_c = jnp.concatenate(keeps, axis=0)
        ck = jnp.sum(keep_c, axis=1, keepdims=True)
        ms = lax.dot_general(keep_c, fc,
                             (((1,), (0,)), ((), ())))
        means.append(ms / jnp.maximum(ck, 1.0))
        cnts.append(ck)
    l2 = jnp.zeros((1, 1), jnp.float32)
    for a in range(_K):
        for b in range(a + 1, _K):
            mi = lax.slice(means[a], (b, 0), (b + 1, _D))
            mj = lax.slice(means[b], (a, 0), (a + 1, _D))
            dfp = mi - mj + _EPS_PD
            dist = jnp.sqrt(jnp.sum(dfp * dfp, axis=1, keepdims=True))
            ca = lax.slice(cnts[a], (b, 0), (b + 1, 1))
            cb = lax.slice(cnts[b], (a, 0), (a + 1, 1))
            ok = (ca > 0.0) & (cb > 0.0)
            l2 = l2 + jnp.where(ok, dist, 0.0)
    out_ref[...] = total - l2


def _tc_b(base, d3, mask3, fea, cent, scale):
    return pl.pallas_call(
        _tc_b_body,
        in_specs=[
            pl.BlockSpec((1, 1), lambda: (0, 0)),
            pl.BlockSpec((_NP,), lambda: (0,)),
            pl.BlockSpec((_NP,), lambda: (0,)),
            pl.BlockSpec((_B, _D), lambda: (0, 0)),
            pl.BlockSpec((_K, _D), lambda: (0, 0)),
            pl.BlockSpec(memory_space=pltpu.SMEM),
        ],
        out_specs=pl.BlockSpec((1, 1), lambda: (0, 0)),
        out_shape=jax.ShapeDtypeStruct((1, 1), jnp.float32),
    )(base, d3, mask3, fea, cent, scale)


def kernel(node_fea, clu_label, center_fea, mask_nodes, mask_weight,
           sort_idx_rst):
    node_fea = node_fea.astype(jnp.float32)
    center_fea = center_fea.astype(jnp.float32)
    edge_idx = sort_idx_rst[:, _S - _NE:].astype(jnp.int32)
    gidx = jnp.pad(edge_idx, ((0, 0), (0, _CP - _NE))).reshape(_B)
    m = mask_nodes.shape[0]
    allidx = jnp.concatenate([
        gidx,
        mask_nodes.astype(jnp.int32),
        jnp.full((_MP - m,), _MBUF - 8, jnp.int32),
        clu_label.astype(jnp.int32),
        jnp.zeros((_NP - _N,), jnp.int32),
    ])
    fea_pad, mask = _sc_gather_mask(node_fea, allidx)
    scale = (jnp.asarray(mask_weight, jnp.float32) + 1.0).reshape(1, 1)
    base, d1 = _tc_a(node_fea, allidx, center_fea)
    out = _tc_b(base, d1, mask, fea_pad, center_fea, scale)
    return out.reshape(1)

# --- scband reference (transcript-rebuilt; emitter-appended) ---
"""Pipeline reference for scband-myloss-16862041604208 (READ-ONLY COPY).

The authoritative reference and input builder live on the scoring server;
editing this copy changes nothing except your own understanding.
"""

import jax, jax.numpy as jnp
import numpy as np

N, D, K, M, S = 10000, 256, 8, 1000, 1250
EPS_PD = 1e-6
EPS_COS = 1e-8


def setup_inputs(seed: int = 0) -> dict:
    key = jax.random.key(seed)
    k1, k2, k3, k4, k5 = jax.random.split(key, 5)
    node_fea = jax.random.normal(k1, (N, D), dtype=jnp.float32)
    clu_label = jax.random.randint(k2, (N,), 0, K)
    center_fea = jax.random.normal(k3, (K, D), dtype=jnp.float32)
    mask_nodes = jax.random.randint(k4, (M,), 0, N)
    sort_idx_rst = jax.random.randint(k5, (K, S), 0, N)
    mask_weight = 1
    return {
        'node_fea': node_fea,
        'clu_label': clu_label,
        'center_fea': center_fea,
        'mask_nodes': mask_nodes,
        'mask_weight': mask_weight,
        'sort_idx_rst': sort_idx_rst,
    }


def _pairwise_dist(a, b):
    # torch.nn.functional.pairwise_distance(p=2, eps=1e-6): ||a - b + eps||_2
    d = a - b + EPS_PD
    return jnp.sqrt(jnp.sum(d * d, axis=-1))


def _cos_sim(t, feas):
    # torch cosine_similarity with eps=1e-8
    tn = jnp.maximum(jnp.linalg.norm(t), EPS_COS)
    fn = jnp.maximum(jnp.linalg.norm(feas, axis=-1), EPS_COS)
    return (feas @ t) / (tn * fn)


def _forward(node_fea, center_fea, clu_label, mask_nodes, mask_weight, sort_idx_rst):
    n = node_fea.shape[0]
    # ---- inner cluster loss ----
    d_i = _pairwise_dist(node_fea, center_fea[clu_label])  # [N]
    base = jnp.sum(d_i)
    is_masked = jnp.isin(jnp.arange(n), mask_nodes)
    masked_sum = jnp.sum(jnp.where(is_masked, d_i, 0.0))
    inner = base + (1 + mask_weight) * masked_sum

    # ---- inter cluster loss ----
    k = center_fea.shape[0]
    s = sort_idx_rst.shape[1]
    n_edge = int(s * 0.1)
    th_pos = int(n_edge * 0.1)
    L2 = jnp.float32(0.0)
    for i in range(k):
        for j in range(i + 1, k):
            t = center_fea[i] - center_fea[j]
            idx_i = sort_idx_rst[i][-n_edge:]
            idx_j = sort_idx_rst[j][-n_edge:]
            fea_i = node_fea[idx_i]  # [n_edge, D]
            fea_j = node_fea[idx_j]
            cos_i = _cos_sim(t, fea_i)
            cos_j = _cos_sim(t, fea_j)
            th_i = jnp.sort(cos_i)[th_pos]
            th_j = jnp.sort(cos_j)[th_pos]
            keep_i = cos_i > th_i
            keep_j = cos_j > th_j
            cnt_i = jnp.sum(keep_i)
            cnt_j = jnp.sum(keep_j)
            mean_i = jnp.sum(fea_i * keep_i[:, None], axis=0) / jnp.maximum(cnt_i, 1)
            mean_j = jnp.sum(fea_j * keep_j[:, None], axis=0) / jnp.maximum(cnt_j, 1)
            dist = _pairwise_dist(mean_i, mean_j)
            L2 = L2 + jnp.where((cnt_i > 0) & (cnt_j > 0), dist, 0.0)
    inter = -L2
    total = inner + inter
    return jnp.reshape(total, (1,))


def reference(node_fea, clu_label, center_fea, mask_nodes, mask_weight, sort_idx_rst):
    return _forward(node_fea, center_fea, clu_label, mask_nodes, mask_weight, sort_idx_rst)

if __name__ == "__main__":
    import jax
    _d = setup_inputs()
    print(jax.jit(kernel)(*tuple(_d.values())))

</pallas_src>

<mosaic_0001>
#map = affine_map<(d0, d1) -> (0, 0)>
#map1 = affine_map<(d0, d1) -> (0)>
module attributes {stable_mosaic.version = 14 : i64} {
  func.func @sc_k(%arg0: i32, %arg1: i32, %arg2: memref<10000x256xf32, #tpu.memory_space<hbm>>, %arg3: memref<12288xi32, #tpu.memory_space<hbm>>, %arg4: memref<1024x256xf32, #tpu.memory_space<hbm>>, %arg5: memref<10240xf32, #tpu.memory_space<hbm>>, %arg6: memref<32xi32, #tpu.memory_space<vmem>>, %arg7: memref<32x256xf32, #tpu.memory_space<vmem>>, %arg8: memref<!tpu.dma_semaphore, #tpu.memory_space<semaphore_mem>>, %arg9: memref<10240xf32, #tpu.memory_space<vmem>>, %arg10: memref<1024xi32, #tpu.memory_space<vmem>>) attributes {dimension_semantics = [#tpu.dimension_semantics<core_parallel>, #tpu.dimension_semantics<subcore_parallel>], iteration_bounds = array<i64: 2, 16>, scalar_prefetch = 0 : i64, scratch_operands = 5 : i64, tpu.core_type = #tpu.core_type<sc_vector_subcore>, window_params = [{transform_indices = #map}, {transform_indices = #map1}, {transform_indices = #map}, {transform_indices = #map1}]} {
    %mul3A = arith.constant 2 : i32
    %mul3A_0 = arith.muli %arg1, %mul3A : i32
    %add3A = arith.addi %mul3A_0, %arg0 : i32
    %mul3A_1 = arith.constant 32 : i32
    %mul3A_2 = arith.muli %add3A, %mul3A_1 : i32
    "tpu.region"() ({
      %run_scoped3A = tpu.sem_alloc : memref<!tpu.dma_semaphore, #tpu.memory_space<semaphore_mem>>
      %dma_start3A_9 = tpu.memref_slice %arg3[%mul3A_2] : memref<12288xi32, #tpu.memory_space<hbm>> -> memref<32xi32, #tpu.memory_space<hbm>>
      %dma_start3A_10 = tpu.memref_slice %arg3[%mul3A_2] : memref<12288xi32, #tpu.memory_space<hbm>> -> memref<32xi32, #tpu.memory_space<hbm>>
      tpu.enqueue_dma source(%dma_start3A_10 : memref<32xi32, #tpu.memory_space<hbm>>) target(%arg6 : memref<32xi32, #tpu.memory_space<vmem>>) target_semaphore(%run_scoped3A : memref<!tpu.dma_semaphore, #tpu.memory_space<semaphore_mem>>)
      %dma_wait3A_11 = tpu.memref_slice %arg3[%mul3A_2] : memref<12288xi32, #tpu.memory_space<hbm>> -> memref<32xi32, #tpu.memory_space<hbm>>
      %dma_wait3A_12 = tpu.memref_slice %arg3[%mul3A_2] : memref<12288xi32, #tpu.memory_space<hbm>> -> memref<32xi32, #tpu.memory_space<hbm>>
      tpu.wait_dma2 semaphore(%run_scoped3A : memref<!tpu.dma_semaphore, #tpu.memory_space<semaphore_mem>>) src(%dma_wait3A_12 : memref<32xi32, #tpu.memory_space<hbm>>) dst(%arg6 : memref<32xi32, #tpu.memory_space<vmem>>)
      tpu.yield
    }) : () -> ()
    %dma_start3A = arith.constant 0 : i32
    %dma_start3A_3 = arith.constant 0 : i32
    %dma_start3A_4 = tpu.memref_slice %arg2[%dma_start3A, %dma_start3A_3] : memref<10000x256xf32, #tpu.memory_space<hbm>> -> memref<10000x256xf32, #tpu.memory_space<hbm>>
    tpu.enqueue_indirect_dma source(%dma_start3A_4 : memref<10000x256xf32, #tpu.memory_space<hbm>>) target(%arg7 : memref<32x256xf32, #tpu.memory_space<vmem>>) offsets(%arg6 : memref<32xi32, #tpu.memory_space<vmem>>) semaphore(%arg8 : memref<!tpu.dma_semaphore, #tpu.memory_space<semaphore_mem>>)
    %dma_wait3A = arith.constant 0 : i32
    %dma_wait3A_5 = arith.constant 0 : i32
    %dma_wait3A_6 = tpu.memref_slice %arg2[%dma_wait3A, %dma_wait3A_5] : memref<10000x256xf32, #tpu.memory_space<hbm>> -> memref<10000x256xf32, #tpu.memory_space<hbm>>
    tpu.wait_indirect_dma semaphore(%arg8 : memref<!tpu.dma_semaphore, #tpu.memory_space<semaphore_mem>>) src(%dma_wait3A_6 : memref<10000x256xf32, #tpu.memory_space<hbm>>) dst(%arg7 : memref<32x256xf32, #tpu.memory_space<vmem>>)
    "tpu.region"() ({
      %run_scoped3A = tpu.sem_alloc : memref<!tpu.dma_semaphore, #tpu.memory_space<semaphore_mem>>
      %dma_start3A_9 = arith.constant 0 : i32
      %dma_start3A_10 = tpu.memref_slice %arg4[%mul3A_2, %dma_start3A_9] : memref<1024x256xf32, #tpu.memory_space<hbm>> -> memref<32x256xf32, #tpu.memory_space<hbm>>
      %dma_start3A_11 = arith.constant 0 : i32
      %dma_start3A_12 = tpu.memref_slice %arg4[%mul3A_2, %dma_start3A_11] : memref<1024x256xf32, #tpu.memory_space<hbm>> -> memref<32x256xf32, #tpu.memory_space<hbm>>
      tpu.enqueue_dma source(%arg7 : memref<32x256xf32, #tpu.memory_space<vmem>>) target(%dma_start3A_12 : memref<32x256xf32, #tpu.memory_space<hbm>>) target_semaphore(%run_scoped3A : memref<!tpu.dma_semaphore, #tpu.memory_space<semaphore_mem>>)
      %dma_wait3A_13 = arith.constant 0 : i32
      %dma_wait3A_14 = tpu.memref_slice %arg4[%mul3A_2, %dma_wait3A_13] : memref<1024x256xf32, #tpu.memory_space<hbm>> -> memref<32x256xf32, #tpu.memory_space<hbm>>
      %dma_wait3A_15 = arith.constant 0 : i32
      %dma_wait3A_16 = tpu.memref_slice %arg4[%mul3A_2, %dma_wait3A_15] : memref<1024x256xf32, #tpu.memory_space<hbm>> -> memref<32x256xf32, #tpu.memory_space<hbm>>
      tpu.wait_dma2 semaphore(%run_scoped3A : memref<!tpu.dma_semaphore, #tpu.memory_space<semaphore_mem>>) src(%arg7 : memref<32x256xf32, #tpu.memory_space<vmem>>) dst(%dma_wait3A_16 : memref<32x256xf32, #tpu.memory_space<hbm>>)
      tpu.yield
    }) : () -> ()
    %eq3A = arith.constant 1 : i32
    %eq3A_7 = arith.cmpi eq, %add3A, %eq3A : i32
    %convert_element_type3A = arith.extui %eq3A_7 : i1 to i32
    %cond3A = arith.constant 0 : i32
    %cond3A_8 = arith.cmpi ne, %convert_element_type3A, %cond3A : i32
    scf.if %cond3A_8 {
      %broadcast_in_dim3A = arith.constant 0.000000e+00 : f32
      %broadcast_in_dim3A_9 = vector.broadcast %broadcast_in_dim3A : f32 to vector<16xf32>
      %broadcast_in_dim3A_10 = arith.constant 1.000000e+00 : f32
      %broadcast_in_dim3A_11 = vector.broadcast %broadcast_in_dim3A_10 : f32 to vector<16xf32>
      %scan3A = arith.constant 0 : i32
      %scan3A_12 = arith.constant 0 : i32
      %scan3A_13 = arith.constant 640 : i32
      %scan3A_14 = arith.addi %scan3A_12, %scan3A_13 : i32
      %scan3A_15 = arith.constant 1 : i32
      scf.for %scan3A_23 = %scan3A_12 to %scan3A_14 step %scan3A_15  : i32 {
        %mul3A_24 = arith.constant 16 : i32
        %mul3A_25 = arith.muli %scan3A_23, %mul3A_24 : i32
        %swap3A = arith.index_cast %mul3A_25 : i32 to index
        %swap3A_26 = tpu.vector_load %arg9[%swap3A] {strides = array<i32>} : memref<10240xf32, #tpu.memory_space<vmem>>, vector<16xf32>,
        tpu.vector_store %arg9[%swap3A], %broadcast_in_dim3A_9 {strides = array<i32>} : memref<10240xf32, #tpu.memory_space<vmem>>, vector<16xf32>,
      }
      %scan3A_16 = arith.constant 640 : i32
      "tpu.region"() ({
        %run_scoped3A = tpu.sem_alloc : memref<!tpu.dma_semaphore, #tpu.memory_space<semaphore_mem>>
        %dma_start3A_23 = arith.constant 1024 : i32
        %dma_start3A_24 = tpu.memref_slice %arg3[%dma_start3A_23] : memref<12288xi32, #tpu.memory_space<hbm>> -> memref<1024xi32, #tpu.memory_space<hbm>>
        %dma_start3A_25 = arith.constant 1024 : i32
        %dma_start3A_26 = tpu.memref_slice %arg3[%dma_start3A_25] : memref<12288xi32, #tpu.memory_space<hbm>> -> memref<1024xi32, #tpu.memory_space<hbm>>
        tpu.enqueue_dma source(%dma_start3A_26 : memref<1024xi32, #tpu.memory_space<hbm>>) target(%arg10 : memref<1024xi32, #tpu.memory_space<vmem>>) target_semaphore(%run_scoped3A : memref<!tpu.dma_semaphore, #tpu.memory_space<semaphore_mem>>)
        %dma_wait3A_27 = arith.constant 1024 : i32
        %dma_wait3A_28 = tpu.memref_slice %arg3[%dma_wait3A_27] : memref<12288xi32, #tpu.memory_space<hbm>> -> memref<1024xi32, #tpu.memory_space<hbm>>
        %dma_wait3A_29 = arith.constant 1024 : i32
        %dma_wait3A_30 = tpu.memref_slice %arg3[%dma_wait3A_29] : memref<12288xi32, #tpu.memory_space<hbm>> -> memref<1024xi32, #tpu.memory_space<hbm>>
        tpu.wait_dma2 semaphore(%run_scoped3A : memref<!tpu.dma_semaphore, #tpu.memory_space<semaphore_mem>>) src(%dma_wait3A_30 : memref<1024xi32, #tpu.memory_space<hbm>>) dst(%arg10 : memref<1024xi32, #tpu.memory_space<vmem>>)
        tpu.yield
      }) : () -> ()
      %scan3A_17 = arith.constant 0 : i32
      %scan3A_18 = arith.constant 0 : i32
      %scan3A_19 = arith.constant 64 : i32
      %scan3A_20 = arith.addi %scan3A_18, %scan3A_19 : i32
      %scan3A_21 = arith.constant 1 : i32
      scf.for %scan3A_23 = %scan3A_18 to %scan3A_20 step %scan3A_21  : i32 {
        %mul3A_24 = arith.constant 16 : i32
        %mul3A_25 = arith.muli %scan3A_23, %mul3A_24 : i32
        %get3A = arith.index_cast %mul3A_25 : i32 to index
        %get3A_26 = tpu.vector_load %arg10[%get3A] {strides = array<i32>} : memref<1024xi32, #tpu.memory_space<vmem>>, vector<16xi32>,
        tpu.vector_store_idx %arg9[%get3A_26], %broadcast_in_dim3A_11 : memref<10240xf32, #tpu.memory_space<vmem>>[vector<16xi32>], vector<16xf32>,
      }
      %scan3A_22 = arith.constant 64 : i32
      "tpu.region"() ({
        %run_scoped3A = tpu.sem_alloc : memref<!tpu.dma_semaphore, #tpu.memory_space<semaphore_mem>>
        tpu.enqueue_dma source(%arg9 : memref<10240xf32, #tpu.memory_space<vmem>>) target(%arg5 : memref<10240xf32, #tpu.memory_space<hbm>>) target_semaphore(%run_scoped3A : memref<!tpu.dma_semaphore, #tpu.memory_space<semaphore_mem>>)
        tpu.wait_dma2 semaphore(%run_scoped3A : memref<!tpu.dma_semaphore, #tpu.memory_space<semaphore_mem>>) src(%arg9 : memref<10240xf32, #tpu.memory_space<vmem>>) dst(%arg5 : memref<10240xf32, #tpu.memory_space<hbm>>)
        tpu.yield
      }) : () -> ()
    } else {
    }
    return
  }
}

module attributes {stable_mosaic.version = 14 : i64} {
  func.func @_tc_a_body(%arg0: i32, %arg1: memref<2048x256xf32, #tpu.memory_space<vmem>>, %arg2: memref<2048xi32, #tpu.memory_space<vmem>>, %arg3: memref<8x256xf32, #tpu.memory_space<vmem>>, %arg4: memref<1x1xf32, #tpu.memory_space<vmem>>, %arg5: memref<2048xf32, #tpu.memory_space<vmem>>) attributes {dimension_semantics = [#tpu.dimension_semantics<arbitrary>], iteration_bounds = array<i64: 5>, scalar_prefetch = 0 : i64, scratch_operands = 0 : i64, tpu.core_type = #tpu.core_type<tc>, window_params = [{transform_indices = @transform_0, window_bounds = array<i64: 2048, 256>}, {transform_indices = @transform_1, window_bounds = array<i64: 2048>}, {pipeline_mode = #tpu.pipeline_mode<synchronous>, transform_indices = @transform_2, window_bounds = array<i64: 8, 256>}, {pipeline_mode = #tpu.pipeline_mode<synchronous>, transform_indices = @transform_3, window_bounds = array<i64: 1, 1>}, {transform_indices = @transform_4, window_bounds = array<i64: 2048>}]} {
    %eq3A = arith.constant 0 : i32
    %eq3A_0 = arith.cmpi eq, %arg0, %eq3A : i32
    %convert_element_type3A = arith.extui %eq3A_0 : i1 to i32
    %cond3A = arith.constant 0 : i32
    %cond3A_1 = arith.cmpi ne, %convert_element_type3A, %cond3A : i32
    scf.if %cond3A_1 {
      %broadcast_in_dim3A_39 = arith.constant 0.000000e+00 : f32
      %broadcast_in_dim3A_40 = vector.broadcast %broadcast_in_dim3A_39 : f32 to vector<1x1xf32>
      %swap3A_41 = arith.constant 0 : index
      %swap3A_42 = arith.constant 0 : index
      %swap3A_43 = vector.load %arg4[%swap3A_41, %swap3A_42] : memref<1x1xf32, #tpu.memory_space<vmem>>, vector<1x1xf32>
      tpu.vector_store %arg4[%swap3A_41, %swap3A_42], %broadcast_in_dim3A_40 {strides = array<i32>} : memref<1x1xf32, #tpu.memory_space<vmem>>, vector<1x1xf32>,
    } else {
    }
    %get3A = arith.constant 0 : index
    %get3A_2 = arith.constant 0 : index
    %get3A_3 = vector.load %arg1[%get3A, %get3A_2] : memref<2048x256xf32, #tpu.memory_space<vmem>>, vector<2048x256xf32>
    %get3A_4 = arith.constant 0 : index
    %get3A_5 = vector.load %arg2[%get3A_4] : memref<2048xi32, #tpu.memory_space<vmem>>, vector<2048xi32>
    %convert_element_type3A_6 = arith.sitofp %get3A_5 : vector<2048xi32> to vector<2048xf32>
    %reshape3A = vector.shape_cast %convert_element_type3A_6 : vector<2048xf32> to vector<2048x1xf32>
    %iota3A = tpu.iota {dimensions = array<i32: 1>} : vector<2048x8xi32>
    %convert_element_type3A_7 = arith.sitofp %iota3A : vector<2048x8xi32> to vector<2048x8xf32>
    %eq3A_8 = vector.broadcast %reshape3A : vector<2048x1xf32> to vector<2048x8xf32>
    %eq3A_9 = arith.cmpf oeq, %eq3A_8, %convert_element_type3A_7 : vector<2048x8xf32>
    %convert_element_type3A_10 = arith.extui %eq3A_9 : vector<2048x8xi1> to vector<2048x8xi32>
    %convert_element_type3A_11 = arith.sitofp %convert_element_type3A_10 : vector<2048x8xi32> to vector<2048x8xf32>
    %get3A_12 = arith.constant 0 : index
    %get3A_13 = arith.constant 0 : index
    %get3A_14 = vector.load %arg3[%get3A_12, %get3A_13] : memref<8x256xf32, #tpu.memory_space<vmem>>, vector<8x256xf32>
    %dot_general3A = arith.constant dense<0.000000e+00> : vector<2048x256xf32>
    %dot_general3A_15 = tpu.matmul %convert_element_type3A_11, %get3A_14, %dot_general3A {dimension_numbers = #tpu.dot_dimension_numbers<[1], [0], [0], [1], [0, 0, 1, 1], [], []>, transpose_lhs_hint = false} : vector<2048x8xf32>, vector<8x256xf32>, vector<2048x256xf32> -> vector<2048x256xf32>
    %sub3A = arith.subf %get3A_3, %dot_general3A_15 : vector<2048x256xf32>
    %add3A = arith.constant 9.99999997E-7 : f32
    %add3A_16 = vector.broadcast %add3A : f32 to vector<2048x256xf32>
    %add3A_17 = arith.addf %sub3A, %add3A_16 : vector<2048x256xf32>
    %mul3A = arith.mulf %add3A_17, %add3A_17 : vector<2048x256xf32>
    %reduce_sum3A = arith.constant dense<0.000000e+00> : vector<2048xf32>
    %reduce_sum3A_18 = vector.multi_reduction <add>, %mul3A, %reduce_sum3A [1] : vector<2048x256xf32> to vector<2048xf32>
    %broadcast_in_dim3A = vector.shape_cast %reduce_sum3A_18 : vector<2048xf32> to vector<2048x1xf32>
    %mul3A_19 = arith.constant 2048 : i32
    %mul3A_20 = arith.muli %arg0, %mul3A_19 : i32
    %iota3A_21 = tpu.iota {dimensions = array<i32: 0>} : vector<2048x1xi32>
    %add3A_22 = vector.broadcast %mul3A_20 : i32 to vector<2048x1xi32>
    %add3A_23 = arith.addi %add3A_22, %iota3A_21 : vector<2048x1xi32>
    %lt3A = arith.constant 10000 : i32
    %lt3A_24 = vector.broadcast %lt3A : i32 to vector<2048x1xi32>
    %lt3A_25 = arith.cmpi slt, %add3A_23, %lt3A_24 : vector<2048x1xi32>
    %sqrt3A = math.sqrt %broadcast_in_dim3A : vector<2048x1xf32>
    %jit3A = arith.constant 0.000000e+00 : f32
    %broadcast_in_dim3A_26 = vector.broadcast %jit3A : f32 to vector<2048x1xf32>
    %select_n3A = arith.select %lt3A_25, %sqrt3A, %broadcast_in_dim3A_26 : vector<2048x1xi1>, vector<2048x1xf32>
    %reshape3A_27 = vector.shape_cast %select_n3A : vector<2048x1xf32> to vector<2048xf32>
    %swap3A = arith.constant 0 : index
    %swap3A_28 = vector.load %arg5[%swap3A] : memref<2048xf32, #tpu.memory_space<vmem>>, vector<2048xf32>
    tpu.vector_store %arg5[%swap3A], %reshape3A_27 {strides = array<i32>} : memref<2048xf32, #tpu.memory_space<vmem>>, vector<2048xf32>,
    %reduce_sum3A_29 = arith.constant dense<0.000000e+00> : vector<1xf32>
    %reduce_sum3A_30 = vector.multi_reduction <add>, %select_n3A, %reduce_sum3A_29 [0] : vector<2048x1xf32> to vector<1xf32>
    %broadcast_in_dim3A_31 = vector.shape_cast %reduce_sum3A_30 : vector<1xf32> to vector<1x1xf32>
    %get3A_32 = arith.constant 0 : index
    %get3A_33 = arith.constant 0 : index
    %get3A_34 = vector.load %arg4[%get3A_32, %get3A_33] : memref<1x1xf32, #tpu.memory_space<vmem>>, vector<1x1xf32>
    %add3A_35 = arith.addf %get3A_34, %broadcast_in_dim3A_31 : vector<1x1xf32>
    %swap3A_36 = arith.constant 0 : index
    %swap3A_37 = arith.constant 0 : index
    %swap3A_38 = vector.load %arg4[%swap3A_36, %swap3A_37] : memref<1x1xf32, #tpu.memory_space<vmem>>, vector<1x1xf32>
    tpu.vector_store %arg4[%swap3A_36, %swap3A_37], %add3A_35 {strides = array<i32>} : memref<1x1xf32, #tpu.memory_space<vmem>>, vector<1x1xf32>,
    return
  }
  func.func @transform_0(%arg0: i32) -> (i32, i32) {
    %c0_i32 = arith.constant 0 : i32
    %c0_i32_0 = arith.constant 0 : i32
    return %arg0, %c0_i32 : i32, i32
  }
  func.func @transform_1(%arg0: i32) -> i32 {
    %add3A = arith.constant 1 : i32
    %add3A_0 = arith.addi %arg0, %add3A : i32
    %c0_i32 = arith.constant 0 : i32
    return %add3A_0 : i32
  }
  func.func @transform_2(%arg0: i32) -> (i32, i32) {
    %c0_i32 = arith.constant 0 : i32
    %c0_i32_0 = arith.constant 0 : i32
    %c0_i32_1 = arith.constant 0 : i32
    return %c0_i32, %c0_i32_0 : i32, i32
  }
  func.func @transform_3(%arg0: i32) -> (i32, i32) {
    %c0_i32 = arith.constant 0 : i32
    %c0_i32_0 = arith.constant 0 : i32
    %c0_i32_1 = arith.constant 0 : i32
    return %c0_i32, %c0_i32_0 : i32, i32
  }
  func.func @transform_4(%arg0: i32) -> i32 {
    %c0_i32 = arith.constant 0 : i32
    return %arg0 : i32
  }
}

module attributes {stable_mosaic.version = 14 : i64} {
  func.func @_tc_b_body(%arg0: memref<1x1xf32, #tpu.memory_space<vmem>>, %arg1: memref<10240xf32, #tpu.memory_space<vmem>>, %arg2: memref<10240xf32, #tpu.memory_space<vmem>>, %arg3: memref<1024x256xf32, #tpu.memory_space<vmem>>, %arg4: memref<8x256xf32, #tpu.memory_space<vmem>>, %arg5: memref<1x1xf32, #tpu.memory_space<smem>>, %arg6: memref<1x1xf32, #tpu.memory_space<vmem>>) attributes {dimension_semantics = [], scalar_prefetch = 0 : i64, scratch_operands = 0 : i64, tpu.core_type = #tpu.core_type<tc>} {
    %get3A = arith.constant 0 : index
    %get3A_0 = vector.load %arg1[%get3A] : memref<10240xf32, #tpu.memory_space<vmem>>, vector<10240xf32>
    %get3A_1 = arith.constant 0 : index
    %get3A_2 = vector.load %arg2[%get3A_1] : memref<10240xf32, #tpu.memory_space<vmem>>, vector<10240xf32>
    %mul3A = arith.mulf %get3A_0, %get3A_2 : vector<10240xf32>
    %reshape3A = vector.shape_cast %mul3A : vector<10240xf32> to vector<80x128xf32>
    %reduce_sum3A = arith.constant dense<0.000000e+00> : vector<80xf32>
    %reduce_sum3A_3 = vector.multi_reduction <add>, %reshape3A, %reduce_sum3A [1] : vector<80x128xf32> to vector<80xf32>
    %broadcast_in_dim3A = vector.shape_cast %reduce_sum3A_3 : vector<80xf32> to vector<80x1xf32>
    %reduce_sum3A_4 = arith.constant dense<0.000000e+00> : vector<1xf32>
    %reduce_sum3A_5 = vector.multi_reduction <add>, %broadcast_in_dim3A, %reduce_sum3A_4 [0] : vector<80x1xf32> to vector<1xf32>
    %broadcast_in_dim3A_6 = vector.shape_cast %reduce_sum3A_5 : vector<1xf32> to vector<1x1xf32>
    %get3A_7 = arith.constant 0 : index
    %get3A_8 = arith.constant 0 : index
    %get3A_9 = vector.load %arg0[%get3A_7, %get3A_8] : memref<1x1xf32, #tpu.memory_space<vmem>>, vector<1x1xf32>
    %get3A_10 = arith.constant 0 : index
    %get3A_11 = arith.constant 0 : index
    %get3A_12 = memref.load %arg5[%get3A_10, %get3A_11] : memref<1x1xf32, #tpu.memory_space<smem>>
    %mul3A_13 = vector.broadcast %get3A_12 : f32 to vector<1x1xf32>
    %mul3A_14 = arith.mulf %mul3A_13, %broadcast_in_dim3A_6 : vector<1x1xf32>
    %add3A = arith.addf %get3A_9, %mul3A_14 : vector<1x1xf32>
    %get3A_15 = arith.constant 0 : index
    %get3A_16 = arith.constant 0 : index
    %get3A_17 = vector.load %arg3[%get3A_15, %get3A_16] : memref<1024x256xf32, #tpu.memory_space<vmem>>, vector<1024x256xf32>
    %get3A_18 = arith.constant 0 : index
    %get3A_19 = arith.constant 0 : index
    %get3A_20 = vector.load %arg4[%get3A_18, %get3A_19] : memref<8x256xf32, #tpu.memory_space<vmem>>, vector<8x256xf32>
    %dot_general3A = arith.constant dense<0.000000e+00> : vector<8x1024xf32>
    %dot_general3A_21 = tpu.matmul %get3A_20, %get3A_17, %dot_general3A {dimension_numbers = #tpu.dot_dimension_numbers<[1], [1], [0], [0], [0, 0, 1, 0], [], []>, transpose_lhs_hint = false} : vector<8x256xf32>, vector<1024x256xf32>, vector<8x1024xf32> -> vector<8x1024xf32>
    %broadcast_in_dim3A_22 = arith.constant 1.000000e+00 : f32
    %broadcast_in_dim3A_23 = vector.broadcast %broadcast_in_dim3A_22 : f32 to vector<1x256xf32>
    %iota3A = tpu.iota {dimensions = array<i32: 0>} : vector<128x128xi32>
    %iota3A_24 = tpu.iota {dimensions = array<i32: 1>} : vector<128x128xi32>
    %eq3A = arith.cmpi eq, %iota3A, %iota3A_24 : vector<128x128xi32>
    %convert_element_type3A = arith.extui %eq3A : vector<128x128xi1> to vector<128x128xi32>
    %convert_element_type3A_25 = arith.sitofp %convert_element_type3A : vector<128x128xi32> to vector<128x128xf32>
    %iota3A_26 = tpu.iota {dimensions = array<i32: 1>} : vector<1x128xi32>
    %lt3A = arith.constant 125 : i32
    %lt3A_27 = vector.broadcast %lt3A : i32 to vector<1x128xi32>
    %lt3A_28 = arith.cmpi slt, %iota3A_26, %lt3A_27 : vector<1x128xi32>
    %iota3A_29 = tpu.iota {dimensions = array<i32: 0>} : vector<128x1xi32>
    %lt3A_30 = arith.constant 125 : i32
    %lt3A_31 = vector.broadcast %lt3A_30 : i32 to vector<128x1xi32>
    %lt3A_32 = arith.cmpi slt, %iota3A_29, %lt3A_31 : vector<128x1xi32>
    %broadcast_in_dim3A_33 = arith.constant 0.000000e+00 : f32
    %broadcast_in_dim3A_34 = vector.broadcast %broadcast_in_dim3A_33 : f32 to vector<1x128xf32>
    %slice3A = vector.extract_strided_slice %get3A_17 {offsets = [0, 0], sizes = [128, 256], strides = [1, 1]} : vector<1024x256xf32> to vector<128x256xf32>
    %slice3A_35 = vector.extract_strided_slice %dot_general3A_21 {offsets = [0, 0], sizes = [8, 128], strides = [1, 1]} : vector<8x1024xf32> to vector<8x128xf32>
    %mul3A_36 = arith.mulf %slice3A, %slice3A : vector<128x256xf32>
    %dot_general3A_37 = arith.constant dense<0.000000e+00> : vector<1x128xf32>
    %dot_general3A_38 = tpu.matmul %broadcast_in_dim3A_23, %mul3A_36, %dot_general3A_37 {dimension_numbers = #tpu.dot_dimension_numbers<[1], [1], [0], [0], [0, 0, 1, 0], [], []>, transpose_lhs_hint = false} : vector<1x256xf32>, vector<128x256xf32>, vector<1x128xf32> -> vector<1x128xf32>
    %sqrt3A = math.sqrt %dot_general3A_38 : vector<1x128xf32>
    %max3A = arith.constant 9.99999993E-9 : f32
    %max3A_39 = vector.broadcast %max3A : f32 to vector<1x128xf32>
    %max3A_40 = arith.maximumf %sqrt3A, %max3A_39 : vector<1x128xf32>
    %div3A = arith.constant 1.000000e+00 : f32
    %div3A_41 = vector.broadcast %div3A : f32 to vector<1x128xf32>
    %div3A_42 = arith.divf %div3A_41, %max3A_40 : vector<1x128xf32>
    %slice3A_43 = vector.extract_strided_slice %slice3A_35 {offsets = [0, 0], sizes = [1, 128], strides = [1, 1]} : vector<8x128xf32> to vector<1x128xf32>
    %sub3A = vector.broadcast %slice3A_43 : vector<1x128xf32> to vector<8x128xf32>
    %sub3A_44 = arith.subf %sub3A, %slice3A_35 : vector<8x128xf32>
    %mul3A_45 = vector.broadcast %div3A_42 : vector<1x128xf32> to vector<8x128xf32>
    %mul3A_46 = arith.mulf %sub3A_44, %mul3A_45 : vector<8x128xf32>
    %slice3A_47 = vector.extract_strided_slice %mul3A_46 {offsets = [1, 0], sizes = [1, 128], strides = [1, 1]} : vector<8x128xf32> to vector<1x128xf32>
    %dot_general3A_48 = arith.constant dense<0.000000e+00> : vector<128x1xf32>
    %dot_general3A_49 = tpu.matmul %convert_element_type3A_25, %slice3A_47, %dot_general3A_48 {dimension_numbers = #tpu.dot_dimension_numbers<[1], [1], [0], [0], [0, 0, 1, 0], [], []>, transpose_lhs_hint = false} : vector<128x128xf32>, vector<1x128xf32>, vector<128x1xf32> -> vector<128x1xf32>
    %lt3A_50 = vector.broadcast %dot_general3A_49 : vector<128x1xf32> to vector<128x128xf32>
    %lt3A_51 = vector.broadcast %slice3A_47 : vector<1x128xf32> to vector<128x128xf32>
    %lt3A_52 = arith.cmpf olt, %lt3A_50, %lt3A_51 : vector<128x128xf32>
    %and3A = vector.broadcast %lt3A_32 : vector<128x1xi1> to vector<128x128xi1>
    %and3A_53 = arith.andi %lt3A_52, %and3A : vector<128x128xi1>
    %convert_element_type3A_54 = arith.extui %and3A_53 : vector<128x128xi1> to vector<128x128xi32>
    %convert_element_type3A_55 = arith.sitofp %convert_element_type3A_54 : vector<128x128xi32> to vector<128x128xf32>
    %reduce_sum3A_56 = arith.constant dense<0.000000e+00> : vector<128xf32>
    %reduce_sum3A_57 = vector.multi_reduction <add>, %convert_element_type3A_55, %reduce_sum3A_56 [0] : vector<128x128xf32> to vector<128xf32>
    %broadcast_in_dim3A_58 = vector.shape_cast %reduce_sum3A_57 : vector<128xf32> to vector<1x128xf32>
    %ge3A = arith.constant 1.300000e+01 : f32
    %ge3A_59 = vector.broadcast %ge3A : f32 to vector<1x128xf32>
    %ge3A_60 = arith.cmpf oge, %broadcast_in_dim3A_58, %ge3A_59 : vector<1x128xf32>
    %and3A_61 = arith.andi %ge3A_60, %lt3A_28 : vector<1x128xi1>
    %convert_element_type3A_62 = arith.extui %and3A_61 : vector<1x128xi1> to vector<1x128xi32>
    %convert_element_type3A_63 = arith.sitofp %convert_element_type3A_62 : vector<1x128xi32> to vector<1x128xf32>
    %slice3A_64 = vector.extract_strided_slice %mul3A_46 {offsets = [2, 0], sizes = [1, 128], strides = [1, 1]} : vector<8x128xf32> to vector<1x128xf32>
    %dot_general3A_65 = arith.constant dense<0.000000e+00> : vector<128x1xf32>
    %dot_general3A_66 = tpu.matmul %convert_element_type3A_25, %slice3A_64, %dot_general3A_65 {dimension_numbers = #tpu.dot_dimension_numbers<[1], [1], [0], [0], [0, 0, 1, 0], [], []>, transpose_lhs_hint = false} : vector<128x128xf32>, vector<1x128xf32>, vector<128x1xf32> -> vector<128x1xf32>
    %lt3A_67 = vector.broadcast %dot_general3A_66 : vector<128x1xf32> to vector<128x128xf32>
    %lt3A_68 = vector.broadcast %slice3A_64 : vector<1x128xf32> to vector<128x128xf32>
    %lt3A_69 = arith.cmpf olt, %lt3A_67, %lt3A_68 : vector<128x128xf32>
    %and3A_70 = vector.broadcast %lt3A_32 : vector<128x1xi1> to vector<128x128xi1>
    %and3A_71 = arith.andi %lt3A_69, %and3A_70 : vector<128x128xi1>
    %convert_element_type3A_72 = arith.extui %and3A_71 : vector<128x128xi1> to vector<128x128xi32>
    %convert_element_type3A_73 = arith.sitofp %convert_element_type3A_72 : vector<128x128xi32> to vector<128x128xf32>
    %reduce_sum3A_74 = arith.constant dense<0.000000e+00> : vector<128xf32>
    %reduce_sum3A_75 = vector.multi_reduction <add>, %convert_element_type3A_73, %reduce_sum3A_74 [0] : vector<128x128xf32> to vector<128xf32>
    %broadcast_in_dim3A_76 = vector.shape_cast %reduce_sum3A_75 : vector<128xf32> to vector<1x128xf32>
    %ge3A_77 = arith.constant 1.300000e+01 : f32
    %ge3A_78 = vector.broadcast %ge3A_77 : f32 to vector<1x128xf32>
    %ge3A_79 = arith.cmpf oge, %broadcast_in_dim3A_76, %ge3A_78 : vector<1x128xf32>
    %and3A_80 = arith.andi %ge3A_79, %lt3A_28 : vector<1x128xi1>
    %convert_element_type3A_81 = arith.extui %and3A_80 : vector<1x128xi1> to vector<1x128xi32>
    %convert_element_type3A_82 = arith.sitofp %convert_element_type3A_81 : vector<1x128xi32> to vector<1x128xf32>
    %slice3A_83 = vector.extract_strided_slice %mul3A_46 {offsets = [3, 0], sizes = [1, 128], strides = [1, 1]} : vector<8x128xf32> to vector<1x128xf32>
    %dot_general3A_84 = arith.constant dense<0.000000e+00> : vector<128x1xf32>
    %dot_general3A_85 = tpu.matmul %convert_element_type3A_25, %slice3A_83, %dot_general3A_84 {dimension_numbers = #tpu.dot_dimension_numbers<[1], [1], [0], [0], [0, 0, 1, 0], [], []>, transpose_lhs_hint = false} : vector<128x128xf32>, vector<1x128xf32>, vector<128x1xf32> -> vector<128x1xf32>
    %lt3A_86 = vector.broadcast %dot_general3A_85 : vector<128x1xf32> to vector<128x128xf32>
    %lt3A_87 = vector.broadcast %slice3A_83 : vector<1x128xf32> to vector<128x128xf32>
    %lt3A_88 = arith.cmpf olt, %lt3A_86, %lt3A_87 : vector<128x128xf32>
    %and3A_89 = vector.broadcast %lt3A_32 : vector<128x1xi1> to vector<128x128xi1>
    %and3A_90 = arith.andi %lt3A_88, %and3A_89 : vector<128x128xi1>
    %convert_element_type3A_91 = arith.extui %and3A_90 : vector<128x128xi1> to vector<128x128xi32>
    %convert_element_type3A_92 = arith.sitofp %convert_element_type3A_91 : vector<128x128xi32> to vector<128x128xf32>
    %reduce_sum3A_93 = arith.constant dense<0.000000e+00> : vector<128xf32>
    %reduce_sum3A_94 = vector.multi_reduction <add>, %convert_element_type3A_92, %reduce_sum3A_93 [0] : vector<128x128xf32> to vector<128xf32>
    %broadcast_in_dim3A_95 = vector.shape_cast %reduce_sum3A_94 : vector<128xf32> to vector<1x128xf32>
    %ge3A_96 = arith.constant 1.300000e+01 : f32
    %ge3A_97 = vector.broadcast %ge3A_96 : f32 to vector<1x128xf32>
    %ge3A_98 = arith.cmpf oge, %broadcast_in_dim3A_95, %ge3A_97 : vector<1x128xf32>
    %and3A_99 = arith.andi %ge3A_98, %lt3A_28 : vector<1x128xi1>
    %convert_element_type3A_100 = arith.extui %and3A_99 : vector<1x128xi1> to vector<1x128xi32>
    %convert_element_type3A_101 = arith.sitofp %convert_element_type3A_100 : vector<1x128xi32> to vector<1x128xf32>
    %slice3A_102 = vector.extract_strided_slice %mul3A_46 {offsets = [4, 0], sizes = [1, 128], strides = [1, 1]} : vector<8x128xf32> to vector<1x128xf32>
    %dot_general3A_103 = arith.constant dense<0.000000e+00> : vector<128x1xf32>
    %dot_general3A_104 = tpu.matmul %convert_element_type3A_25, %slice3A_102, %dot_general3A_103 {dimension_numbers = #tpu.dot_dimension_numbers<[1], [1], [0], [0], [0, 0, 1, 0], [], []>, transpose_lhs_hint = false} : vector<128x128xf32>, vector<1x128xf32>, vector<128x1xf32> -> vector<128x1xf32>
    %lt3A_105 = vector.broadcast %dot_general3A_104 : vector<128x1xf32> to vector<128x128xf32>
    %lt3A_106 = vector.broadcast %slice3A_102 : vector<1x128xf32> to vector<128x128xf32>
    %lt3A_107 = arith.cmpf olt, %lt3A_105, %lt3A_106 : vector<128x128xf32>
    %and3A_108 = vector.broadcast %lt3A_32 : vector<128x1xi1> to vector<128x128xi1>
    %and3A_109 = arith.andi %lt3A_107, %and3A_108 : vector<128x128xi1>
    %convert_element_type3A_110 = arith.extui %and3A_109 : vector<128x128xi1> to vector<128x128xi32>
    %convert_element_type3A_111 = arith.sitofp %convert_element_type3A_110 : vector<128x128xi32> to vector<128x128xf32>
    %reduce_sum3A_112 = arith.constant dense<0.000000e+00> : vector<128xf32>
    %reduce_sum3A_113 = vector.multi_reduction <add>, %convert_element_type3A_111, %reduce_sum3A_112 [0] : vector<128x128xf32> to vector<128xf32>
    %broadcast_in_dim3A_114 = vector.shape_cast %reduce_sum3A_113 : vector<128xf32> to vector<1x128xf32>
    %ge3A_115 = arith.constant 1.300000e+01 : f32
    %ge3A_116 = vector.broadcast %ge3A_115 : f32 to vector<1x128xf32>
    %ge3A_117 = arith.cmpf oge, %broadcast_in_dim3A_114, %ge3A_116 : vector<1x128xf32>
    %and3A_118 = arith.andi %ge3A_117, %lt3A_28 : vector<1x128xi1>
    %convert_element_type3A_119 = arith.extui %and3A_118 : vector<1x128xi1> to vector<1x128xi32>
    %convert_element_type3A_120 = arith.sitofp %convert_element_type3A_119 : vector<1x128xi32> to vector<1x128xf32>
    %slice3A_121 = vector.extract_strided_slice %mul3A_46 {offsets = [5, 0], sizes = [1, 128], strides = [1, 1]} : vector<8x128xf32> to vector<1x128xf32>
    %dot_general3A_122 = arith.constant dense<0.000000e+00> : vector<128x1xf32>
    %dot_general3A_123 = tpu.matmul %convert_element_type3A_25, %slice3A_121, %dot_general3A_122 {dimension_numbers = #tpu.dot_dimension_numbers<[1], [1], [0], [0], [0, 0, 1, 0], [], []>, transpose_lhs_hint = false} : vector<128x128xf32>, vector<1x128xf32>, vector<128x1xf32> -> vector<128x1xf32>
    %lt3A_124 = vector.broadcast %dot_general3A_123 : vector<128x1xf32> to vector<128x128xf32>
    %lt3A_125 = vector.broadcast %slice3A_121 : vector<1x128xf32> to vector<128x128xf32>
    %lt3A_126 = arith.cmpf olt, %lt3A_124, %lt3A_125 : vector<128x128xf32>
    %and3A_127 = vector.broadcast %lt3A_32 : vector<128x1xi1> to vector<128x128xi1>
    %and3A_128 = arith.andi %lt3A_126, %and3A_127 : vector<128x128xi1>
    %convert_element_type3A_129 = arith.extui %and3A_128 : vector<128x128xi1> to vector<128x128xi32>
    %convert_element_type3A_130 = arith.sitofp %convert_element_type3A_129 : vector<128x128xi32> to vector<128x128xf32>
    %reduce_sum3A_131 = arith.constant dense<0.000000e+00> : vector<128xf32>
    %reduce_sum3A_132 = vector.multi_reduction <add>, %convert_element_type3A_130, %reduce_sum3A_131 [0] : vector<128x128xf32> to vector<128xf32>
    %broadcast_in_dim3A_133 = vector.shape_cast %reduce_sum3A_132 : vector<128xf32> to vector<1x128xf32>
    %ge3A_134 = arith.constant 1.300000e+01 : f32
    %ge3A_135 = vector.broadcast %ge3A_134 : f32 to vector<1x128xf32>
    %ge3A_136 = arith.cmpf oge, %broadcast_in_dim3A_133, %ge3A_135 : vector<1x128xf32>
    %and3A_137 = arith.andi %ge3A_136, %lt3A_28 : vector<1x128xi1>
    %convert_element_type3A_138 = arith.extui %and3A_137 : vector<1x128xi1> to vector<1x128xi32>
    %convert_element_type3A_139 = arith.sitofp %convert_element_type3A_138 : vector<1x128xi32> to vector<1x128xf32>
    %slice3A_140 = vector.extract_strided_slice %mul3A_46 {offsets = [6, 0], sizes = [1, 128], strides = [1, 1]} : vector<8x128xf32> to vector<1x128xf32>
    %dot_general3A_141 = arith.constant dense<0.000000e+00> : vector<128x1xf32>
    %dot_general3A_142 = tpu.matmul %convert_element_type3A_25, %slice3A_140, %dot_general3A_141 {dimension_numbers = #tpu.dot_dimension_numbers<[1], [1], [0], [0], [0, 0, 1, 0], [], []>, transpose_lhs_hint = false} : vector<128x128xf32>, vector<1x128xf32>, vector<128x1xf32> -> vector<128x1xf32>
    %lt3A_143 = vector.broadcast %dot_general3A_142 : vector<128x1xf32> to vector<128x128xf32>
    %lt3A_144 = vector.broadcast %slice3A_140 : vector<1x128xf32> to vector<128x128xf32>
    %lt3A_145 = arith.cmpf olt, %lt3A_143, %lt3A_144 : vector<128x128xf32>
    %and3A_146 = vector.broadcast %lt3A_32 : vector<128x1xi1> to vector<128x128xi1>
    %and3A_147 = arith.andi %lt3A_145, %and3A_146 : vector<128x128xi1>
    %convert_element_type3A_148 = arith.extui %and3A_147 : vector<128x128xi1> to vector<128x128xi32>
    %convert_element_type3A_149 = arith.sitofp %convert_element_type3A_148 : vector<128x128xi32> to vector<128x128xf32>
    %reduce_sum3A_150 = arith.constant dense<0.000000e+00> : vector<128xf32>
    %reduce_sum3A_151 = vector.multi_reduction <add>, %convert_element_type3A_149, %reduce_sum3A_150 [0] : vector<128x128xf32> to vector<128xf32>
    %broadcast_in_dim3A_152 = vector.shape_cast %reduce_sum3A_151 : vector<128xf32> to vector<1x128xf32>
    %ge3A_153 = arith.constant 1.300000e+01 : f32
    %ge3A_154 = vector.broadcast %ge3A_153 : f32 to vector<1x128xf32>
    %ge3A_155 = arith.cmpf oge, %broadcast_in_dim3A_152, %ge3A_154 : vector<1x128xf32>
    %and3A_156 = arith.andi %ge3A_155, %lt3A_28 : vector<1x128xi1>
    %convert_element_type3A_157 = arith.extui %and3A_156 : vector<1x128xi1> to vector<1x128xi32>
    %convert_element_type3A_158 = arith.sitofp %convert_element_type3A_157 : vector<1x128xi32> to vector<1x128xf32>
    %slice3A_159 = vector.extract_strided_slice %mul3A_46 {offsets = [7, 0], sizes = [1, 128], strides = [1, 1]} : vector<8x128xf32> to vector<1x128xf32>
    %dot_general3A_160 = arith.constant dense<0.000000e+00> : vector<128x1xf32>
    %dot_general3A_161 = tpu.matmul %convert_element_type3A_25, %slice3A_159, %dot_general3A_160 {dimension_numbers = #tpu.dot_dimension_numbers<[1], [1], [0], [0], [0, 0, 1, 0], [], []>, transpose_lhs_hint = false} : vector<128x128xf32>, vector<1x128xf32>, vector<128x1xf32> -> vector<128x1xf32>
    %lt3A_162 = vector.broadcast %dot_general3A_161 : vector<128x1xf32> to vector<128x128xf32>
    %lt3A_163 = vector.broadcast %slice3A_159 : vector<1x128xf32> to vector<128x128xf32>
    %lt3A_164 = arith.cmpf olt, %lt3A_162, %lt3A_163 : vector<128x128xf32>
    %and3A_165 = vector.broadcast %lt3A_32 : vector<128x1xi1> to vector<128x128xi1>
    %and3A_166 = arith.andi %lt3A_164, %and3A_165 : vector<128x128xi1>
    %convert_element_type3A_167 = arith.extui %and3A_166 : vector<128x128xi1> to vector<128x128xi32>
    %convert_element_type3A_168 = arith.sitofp %convert_element_type3A_167 : vector<128x128xi32> to vector<128x128xf32>
    %reduce_sum3A_169 = arith.constant dense<0.000000e+00> : vector<128xf32>
    %reduce_sum3A_170 = vector.multi_reduction <add>, %convert_element_type3A_168, %reduce_sum3A_169 [0] : vector<128x128xf32> to vector<128xf32>
    %broadcast_in_dim3A_171 = vector.shape_cast %reduce_sum3A_170 : vector<128xf32> to vector<1x128xf32>
    %ge3A_172 = arith.constant 1.300000e+01 : f32
    %ge3A_173 = vector.broadcast %ge3A_172 : f32 to vector<1x128xf32>
    %ge3A_174 = arith.cmpf oge, %broadcast_in_dim3A_171, %ge3A_173 : vector<1x128xf32>
    %and3A_175 = arith.andi %ge3A_174, %lt3A_28 : vector<1x128xi1>
    %convert_element_type3A_176 = arith.extui %and3A_175 : vector<1x128xi1> to vector<1x128xi32>
    %convert_element_type3A_177 = arith.sitofp %convert_element_type3A_176 : vector<1x128xi32> to vector<1x128xf32>
    %concatenate3A = tpu.concatenate %broadcast_in_dim3A_34, %convert_element_type3A_63, %convert_element_type3A_82, %convert_element_type3A_101, %convert_element_type3A_120, %convert_element_type3A_139, %convert_element_type3A_158, %convert_element_type3A_177 in 0 : vector<1x128xf32>, vector<1x128xf32>, vector<1x128xf32>, vector<1x128xf32>, vector<1x128xf32>, vector<1x128xf32>, vector<1x128xf32>, vector<1x128xf32> -> vector<8x128xf32>
    %reduce_sum3A_178 = arith.constant dense<0.000000e+00> : vector<8xf32>
    %reduce_sum3A_179 = vector.multi_reduction <add>, %concatenate3A, %reduce_sum3A_178 [1] : vector<8x128xf32> to vector<8xf32>
    %broadcast_in_dim3A_180 = vector.shape_cast %reduce_sum3A_179 : vector<8xf32> to vector<8x1xf32>
    %dot_general3A_181 = arith.constant dense<0.000000e+00> : vector<8x256xf32>
    %dot_general3A_182 = tpu.matmul %concatenate3A, %slice3A, %dot_general3A_181 {dimension_numbers = #tpu.dot_dimension_numbers<[1], [0], [0], [1], [0, 0, 1, 1], [], []>, transpose_lhs_hint = false} : vector<8x128xf32>, vector<128x256xf32>, vector<8x256xf32> -> vector<8x256xf32>
    %max3A_183 = arith.constant 1.000000e+00 : f32
    %max3A_184 = vector.broadcast %max3A_183 : f32 to vector<8x1xf32>
    %max3A_185 = arith.maximumf %broadcast_in_dim3A_180, %max3A_184 : vector<8x1xf32>
    %div3A_186 = vector.broadcast %max3A_185 : vector<8x1xf32> to vector<8x256xf32>
    %div3A_187 = arith.divf %dot_general3A_182, %div3A_186 : vector<8x256xf32>
    %slice3A_188 = vector.extract_strided_slice %get3A_17 {offsets = [128, 0], sizes = [128, 256], strides = [1, 1]} : vector<1024x256xf32> to vector<128x256xf32>
    %slice3A_189 = vector.extract_strided_slice %dot_general3A_21 {offsets = [0, 128], sizes = [8, 128], strides = [1, 1]} : vector<8x1024xf32> to vector<8x128xf32>
    %mul3A_190 = arith.mulf %slice3A_188, %slice3A_188 : vector<128x256xf32>
    %dot_general3A_191 = arith.constant dense<0.000000e+00> : vector<1x128xf32>
    %dot_general3A_192 = tpu.matmul %broadcast_in_dim3A_23, %mul3A_190, %dot_general3A_191 {dimension_numbers = #tpu.dot_dimension_numbers<[1], [1], [0], [0], [0, 0, 1, 0], [], []>, transpose_lhs_hint = false} : vector<1x256xf32>, vector<128x256xf32>, vector<1x128xf32> -> vector<1x128xf32>
    %sqrt3A_193 = math.sqrt %dot_general3A_192 : vector<1x128xf32>
    %max3A_194 = arith.constant 9.99999993E-9 : f32
    %max3A_195 = vector.broadcast %max3A_194 : f32 to vector<1x128xf32>
    %max3A_196 = arith.maximumf %sqrt3A_193, %max3A_195 : vector<1x128xf32>
    %div3A_197 = arith.constant 1.000000e+00 : f32
    %div3A_198 = vector.broadcast %div3A_197 : f32 to vector<1x128xf32>
    %div3A_199 = arith.divf %div3A_198, %max3A_196 : vector<1x128xf32>
    %slice3A_200 = vector.extract_strided_slice %slice3A_189 {offsets = [1, 0], sizes = [1, 128], strides = [1, 1]} : vector<8x128xf32> to vector<1x128xf32>
    %sub3A_201 = vector.broadcast %slice3A_200 : vector<1x128xf32> to vector<8x128xf32>
    %sub3A_202 = arith.subf %sub3A_201, %slice3A_189 : vector<8x128xf32>
    %mul3A_203 = vector.broadcast %div3A_199 : vector<1x128xf32> to vector<8x128xf32>
    %mul3A_204 = arith.mulf %sub3A_202, %mul3A_203 : vector<8x128xf32>
    %slice3A_205 = vector.extract_strided_slice %mul3A_204 {offsets = [0, 0], sizes = [1, 128], strides = [1, 1]} : vector<8x128xf32> to vector<1x128xf32>
    %dot_general3A_206 = arith.constant dense<0.000000e+00> : vector<128x1xf32>
    %dot_general3A_207 = tpu.matmul %convert_element_type3A_25, %slice3A_205, %dot_general3A_206 {dimension_numbers = #tpu.dot_dimension_numbers<[1], [1], [0], [0], [0, 0, 1, 0], [], []>, transpose_lhs_hint = false} : vector<128x128xf32>, vector<1x128xf32>, vector<128x1xf32> -> vector<128x1xf32>
    %lt3A_208 = vector.broadcast %dot_general3A_207 : vector<128x1xf32> to vector<128x128xf32>
    %lt3A_209 = vector.broadcast %slice3A_205 : vector<1x128xf32> to vector<128x128xf32>
    %lt3A_210 = arith.cmpf olt, %lt3A_208, %lt3A_209 : vector<128x128xf32>
    %and3A_211 = vector.broadcast %lt3A_32 : vector<128x1xi1> to vector<128x128xi1>
    %and3A_212 = arith.andi %lt3A_210, %and3A_211 : vector<128x128xi1>
    %convert_element_type3A_213 = arith.extui %and3A_212 : vector<128x128xi1> to vector<128x128xi32>
    %convert_element_type3A_214 = arith.sitofp %convert_element_type3A_213 : vector<128x128xi32> to vector<128x128xf32>
    %reduce_sum3A_215 = arith.constant dense<0.000000e+00> : vector<128xf32>
    %reduce_sum3A_216 = vector.multi_reduction <add>, %convert_element_type3A_214, %reduce_sum3A_215 [0] : vector<128x128xf32> to vector<128xf32>
    %broadcast_in_dim3A_217 = vector.shape_cast %reduce_sum3A_216 : vector<128xf32> to vector<1x128xf32>
    %ge3A_218 = arith.constant 1.300000e+01 : f32
    %ge3A_219 = vector.broadcast %ge3A_218 : f32 to vector<1x128xf32>
    %ge3A_220 = arith.cmpf oge, %broadcast_in_dim3A_217, %ge3A_219 : vector<1x128xf32>
    %and3A_221 = arith.andi %ge3A_220, %lt3A_28 : vector<1x128xi1>
    %convert_element_type3A_222 = arith.extui %and3A_221 : vector<1x128xi1> to vector<1x128xi32>
    %convert_element_type3A_223 = arith.sitofp %convert_element_type3A_222 : vector<1x128xi32> to vector<1x128xf32>
    %slice3A_224 = vector.extract_strided_slice %mul3A_204 {offsets = [2, 0], sizes = [1, 128], strides = [1, 1]} : vector<8x128xf32> to vector<1x128xf32>
    %dot_general3A_225 = arith.constant dense<0.000000e+00> : vector<128x1xf32>
    %dot_general3A_226 = tpu.matmul %convert_element_type3A_25, %slice3A_224, %dot_general3A_225 {dimension_numbers = #tpu.dot_dimension_numbers<[1], [1], [0], [0], [0, 0, 1, 0], [], []>, transpose_lhs_hint = false} : vector<128x128xf32>, vector<1x128xf32>, vector<128x1xf32> -> vector<128x1xf32>
    %lt3A_227 = vector.broadcast %dot_general3A_226 : vector<128x1xf32> to vector<128x128xf32>
    %lt3A_228 = vector.broadcast %slice3A_224 : vector<1x128xf32> to vector<128x128xf32>
    %lt3A_229 = arith.cmpf olt, %lt3A_227, %lt3A_228 : vector<128x128xf32>
    %and3A_230 = vector.broadcast %lt3A_32 : vector<128x1xi1> to vector<128x128xi1>
    %and3A_231 = arith.andi %lt3A_229, %and3A_230 : vector<128x128xi1>
    %convert_element_type3A_232 = arith.extui %and3A_231 : vector<128x128xi1> to vector<128x128xi32>
    %convert_element_type3A_233 = arith.sitofp %convert_element_type3A_232 : vector<128x128xi32> to vector<128x128xf32>
    %reduce_sum3A_234 = arith.constant dense<0.000000e+00> : vector<128xf32>
    %reduce_sum3A_235 = vector.multi_reduction <add>, %convert_element_type3A_233, %reduce_sum3A_234 [0] : vector<128x128xf32> to vector<128xf32>
    %broadcast_in_dim3A_236 = vector.shape_cast %reduce_sum3A_235 : vector<128xf32> to vector<1x128xf32>
    %ge3A_237 = arith.constant 1.300000e+01 : f32
    %ge3A_238 = vector.broadcast %ge3A_237 : f32 to vector<1x128xf32>
    %ge3A_239 = arith.cmpf oge, %broadcast_in_dim3A_236, %ge3A_238 : vector<1x128xf32>
    %and3A_240 = arith.andi %ge3A_239, %lt3A_28 : vector<1x128xi1>
    %convert_element_type3A_241 = arith.extui %and3A_240 : vector<1x128xi1> to vector<1x128xi32>
    %convert_element_type3A_242 = arith.sitofp %convert_element_type3A_241 : vector<1x128xi32> to vector<1x128xf32>
    %slice3A_243 = vector.extract_strided_slice %mul3A_204 {offsets = [3, 0], sizes = [1, 128], strides = [1, 1]} : vector<8x128xf32> to vector<1x128xf32>
    %dot_general3A_244 = arith.constant dense<0.000000e+00> : vector<128x1xf32>
    %dot_general3A_245 = tpu.matmul %convert_element_type3A_25, %slice3A_243, %dot_general3A_244 {dimension_numbers = #tpu.dot_dimension_numbers<[1], [1], [0], [0], [0, 0, 1, 0], [], []>, transpose_lhs_hint = false} : vector<128x128xf32>, vector<1x128xf32>, vector<128x1xf32> -> vector<128x1xf32>
    %lt3A_246 = vector.broadcast %dot_general3A_245 : vector<128x1xf32> to vector<128x128xf32>
    %lt3A_247 = vector.broadcast %slice3A_243 : vector<1x128xf32> to vector<128x128xf32>
    %lt3A_248 = arith.cmpf olt, %lt3A_246, %lt3A_247 : vector<128x128xf32>
    %and3A_249 = vector.broadcast %lt3A_32 : vector<128x1xi1> to vector<128x128xi1>
    %and3A_250 = arith.andi %lt3A_248, %and3A_249 : vector<128x128xi1>
    %convert_element_type3A_251 = arith.extui %and3A_250 : vector<128x128xi1> to vector<128x128xi32>
    %convert_element_type3A_252 = arith.sitofp %convert_element_type3A_251 : vector<128x128xi32> to vector<128x128xf32>
    %reduce_sum3A_253 = arith.constant dense<0.000000e+00> : vector<128xf32>
    %reduce_sum3A_254 = vector.multi_reduction <add>, %convert_element_type3A_252, %reduce_sum3A_253 [0] : vector<128x128xf32> to vector<128xf32>
    %broadcast_in_dim3A_255 = vector.shape_cast %reduce_sum3A_254 : vector<128xf32> to vector<1x128xf32>
    %ge3A_256 = arith.constant 1.300000e+01 : f32
    %ge3A_257 = vector.broadcast %ge3A_256 : f32 to vector<1x128xf32>
    %ge3A_258 = arith.cmpf oge, %broadcast_in_dim3A_255, %ge3A_257 : vector<1x128xf32>
    %and3A_259 = arith.andi %ge3A_258, %lt3A_28 : vector<1x128xi1>
    %convert_element_type3A_260 = arith.extui %and3A_259 : vector<1x128xi1> to vector<1x128xi32>
    %convert_element_type3A_261 = arith.sitofp %convert_element_type3A_260 : vector<1x128xi32> to vector<1x128xf32>
    %slice3A_262 = vector.extract_strided_slice %mul3A_204 {offsets = [4, 0], sizes = [1, 128], strides = [1, 1]} : vector<8x128xf32> to vector<1x128xf32>
    %dot_general3A_263 = arith.constant dense<0.000000e+00> : vector<128x1xf32>
    %dot_general3A_264 = tpu.matmul %convert_element_type3A_25, %slice3A_262, %dot_general3A_263 {dimension_numbers = #tpu.dot_dimension_numbers<[1], [1], [0], [0], [0, 0, 1, 0], [], []>, transpose_lhs_hint = false} : vector<128x128xf32>, vector<1x128xf32>, vector<128x1xf32> -> vector<128x1xf32>
    %lt3A_265 = vector.broadcast %dot_general3A_264 : vector<128x1xf32> to vector<128x128xf32>
    %lt3A_266 = vector.broadcast %slice3A_262 : vector<1x128xf32> to vector<128x128xf32>
    %lt3A_267 = arith.cmpf olt, %lt3A_265, %lt3A_266 : vector<128x128xf32>
    %and3A_268 = vector.broadcast %lt3A_32 : vector<128x1xi1> to vector<128x128xi1>
    %and3A_269 = arith.andi %lt3A_267, %and3A_268 : vector<128x128xi1>
    %convert_element_type3A_270 = arith.extui %and3A_269 : vector<128x128xi1> to vector<128x128xi32>
    %convert_element_type3A_271 = arith.sitofp %convert_element_type3A_270 : vector<128x128xi32> to vector<128x128xf32>
    %reduce_sum3A_272 = arith.constant dense<0.000000e+00> : vector<128xf32>
    %reduce_sum3A_273 = vector.multi_reduction <add>, %convert_element_type3A_271, %reduce_sum3A_272 [0] : vector<128x128xf32> to vector<128xf32>
    %broadcast_in_dim3A_274 = vector.shape_cast %reduce_sum3A_273 : vector<128xf32> to vector<1x128xf32>
    %ge3A_275 = arith.constant 1.300000e+01 : f32
    %ge3A_276 = vector.broadcast %ge3A_275 : f32 to vector<1x128xf32>
    %ge3A_277 = arith.cmpf oge, %broadcast_in_dim3A_274, %ge3A_276 : vector<1x128xf32>
    %and3A_278 = arith.andi %ge3A_277, %lt3A_28 : vector<1x128xi1>
    %convert_element_type3A_279 = arith.extui %and3A_278 : vector<1x128xi1> to vector<1x128xi32>
    %convert_element_type3A_280 = arith.sitofp %convert_element_type3A_279 : vector<1x128xi32> to vector<1x128xf32>
    %slice3A_281 = vector.extract_strided_slice %mul3A_204 {offsets = [5, 0], sizes = [1, 128], strides = [1, 1]} : vector<8x128xf32> to vector<1x128xf32>
    %dot_general3A_282 = arith.constant dense<0.000000e+00> : vector<128x1xf32>
    %dot_general3A_283 = tpu.matmul %convert_element_type3A_25, %slice3A_281, %dot_general3A_282 {dimension_numbers = #tpu.dot_dimension_numbers<[1], [1], [0], [0], [0, 0, 1, 0], [], []>, transpose_lhs_hint = false} : vector<128x128xf32>, vector<1x128xf32>, vector<128x1xf32> -> vector<128x1xf32>
    %lt3A_284 = vector.broadcast %dot_general3A_283 : vector<128x1xf32> to vector<128x128xf32>
    %lt3A_285 = vector.broadcast %slice3A_281 : vector<1x128xf32> to vector<128x128xf32>
    %lt3A_286 = arith.cmpf olt, %lt3A_284, %lt3A_285 : vector<128x128xf32>
    %and3A_287 = vector.broadcast %lt3A_32 : vector<128x1xi1> to vector<128x128xi1>
    %and3A_288 = arith.andi %lt3A_286, %and3A_287 : vector<128x128xi1>
    %convert_element_type3A_289 = arith.extui %and3A_288 : vector<128x128xi1> to vector<128x128xi32>
    %convert_element_type3A_290 = arith.sitofp %convert_element_type3A_289 : vector<128x128xi32> to vector<128x128xf32>
    %reduce_sum3A_291 = arith.constant dense<0.000000e+00> : vector<128xf32>
    %reduce_sum3A_292 = vector.multi_reduction <add>, %convert_element_type3A_290, %reduce_sum3A_291 [0] : vector<128x128xf32> to vector<128xf32>
    %broadcast_in_dim3A_293 = vector.shape_cast %reduce_sum3A_292 : vector<128xf32> to vector<1x128xf32>
    %ge3A_294 = arith.constant 1.300000e+01 : f32
    %ge3A_295 = vector.broadcast %ge3A_294 : f32 to vector<1x128xf32>
    %ge3A_296 = arith.cmpf oge, %broadcast_in_dim3A_293, %ge3A_295 : vector<1x128xf32>
    %and3A_297 = arith.andi %ge3A_296, %lt3A_28 : vector<1x128xi1>
    %convert_element_type3A_298 = arith.extui %and3A_297 : vector<1x128xi1> to vector<1x128xi32>
    %convert_element_type3A_299 = arith.sitofp %convert_element_type3A_298 : vector<1x128xi32> to vector<1x128xf32>
    %slice3A_300 = vector.extract_strided_slice %mul3A_204 {offsets = [6, 0], sizes = [1, 128], strides = [1, 1]} : vector<8x128xf32> to vector<1x128xf32>
    %dot_general3A_301 = arith.constant dense<0.000000e+00> : vector<128x1xf32>
    %dot_general3A_302 = tpu.matmul %convert_element_type3A_25, %slice3A_300, %dot_general3A_301 {dimension_numbers = #tpu.dot_dimension_numbers<[1], [1], [0], [0], [0, 0, 1, 0], [], []>, transpose_lhs_hint = false} : vector<128x128xf32>, vector<1x128xf32>, vector<128x1xf32> -> vector<128x1xf32>
    %lt3A_303 = vector.broadcast %dot_general3A_302 : vector<128x1xf32> to vector<128x128xf32>
    %lt3A_304 = vector.broadcast %slice3A_300 : vector<1x128xf32> to vector<128x128xf32>
    %lt3A_305 = arith.cmpf olt, %lt3A_303, %lt3A_304 : vector<128x128xf32>
    %and3A_306 = vector.broadcast %lt3A_32 : vector<128x1xi1> to vector<128x128xi1>
    %and3A_307 = arith.andi %lt3A_305, %and3A_306 : vector<128x128xi1>
    %convert_element_type3A_308 = arith.extui %and3A_307 : vector<128x128xi1> to vector<128x128xi32>
    %convert_element_type3A_309 = arith.sitofp %convert_element_type3A_308 : vector<128x128xi32> to vector<128x128xf32>
    %reduce_sum3A_310 = arith.constant dense<0.000000e+00> : vector<128xf32>
    %reduce_sum3A_311 = vector.multi_reduction <add>, %convert_element_type3A_309, %reduce_sum3A_310 [0] : vector<128x128xf32> to vector<128xf32>
    %broadcast_in_dim3A_312 = vector.shape_cast %reduce_sum3A_311 : vector<128xf32> to vector<1x128xf32>
    %ge3A_313 = arith.constant 1.300000e+01 : f32
    %ge3A_314 = vector.broadcast %ge3A_313 : f32 to vector<1x128xf32>
    %ge3A_315 = arith.cmpf oge, %broadcast_in_dim3A_312, %ge3A_314 : vector<1x128xf32>
    %and3A_316 = arith.andi %ge3A_315, %lt3A_28 : vector<1x128xi1>
    %convert_element_type3A_317 = arith.extui %and3A_316 : vector<1x128xi1> to vector<1x128xi32>
    %convert_element_type3A_318 = arith.sitofp %convert_element_type3A_317 : vector<1x128xi32> to vector<1x128xf32>
    %slice3A_319 = vector.extract_strided_slice %mul3A_204 {offsets = [7, 0], sizes = [1, 128], strides = [1, 1]} : vector<8x128xf32> to vector<1x128xf32>
    %dot_general3A_320 = arith.constant dense<0.000000e+00> : vector<128x1xf32>
    %dot_general3A_321 = tpu.matmul %convert_element_type3A_25, %slice3A_319, %dot_general3A_320 {dimension_numbers = #tpu.dot_dimension_numbers<[1], [1], [0], [0], [0, 0, 1, 0], [], []>, transpose_lhs_hint = false} : vector<128x128xf32>, vector<1x128xf32>, vector<128x1xf32> -> vector<128x1xf32>
    %lt3A_322 = vector.broadcast %dot_general3A_321 : vector<128x1xf32> to vector<128x128xf32>
    %lt3A_323 = vector.broadcast %slice3A_319 : vector<1x128xf32> to vector<128x128xf32>
    %lt3A_324 = arith.cmpf olt, %lt3A_322, %lt3A_323 : vector<128x128xf32>
    %and3A_325 = vector.broadcast %lt3A_32 : vector<128x1xi1> to vector<128x128xi1>
    %and3A_326 = arith.andi %lt3A_324, %and3A_325 : vector<128x128xi1>
    %convert_element_type3A_327 = arith.extui %and3A_326 : vector<128x128xi1> to vector<128x128xi32>
    %convert_element_type3A_328 = arith.sitofp %convert_element_type3A_327 : vector<128x128xi32> to vector<128x128xf32>
    %reduce_sum3A_329 = arith.constant dense<0.000000e+00> : vector<128xf32>
    %reduce_sum3A_330 = vector.multi_reduction <add>, %convert_element_type3A_328, %reduce_sum3A_329 [0] : vector<128x128xf32> to vector<128xf32>
    %broadcast_in_dim3A_331 = vector.shape_cast %reduce_sum3A_330 : vector<128xf32> to vector<1x128xf32>
    %ge3A_332 = arith.constant 1.300000e+01 : f32
    %ge3A_333 = vector.broadcast %ge3A_332 : f32 to vector<1x128xf32>
    %ge3A_334 = arith.cmpf oge, %broadcast_in_dim3A_331, %ge3A_333 : vector<1x128xf32>
    %and3A_335 = arith.andi %ge3A_334, %lt3A_28 : vector<1x128xi1>
    %convert_element_type3A_336 = arith.extui %and3A_335 : vector<1x128xi1> to vector<1x128xi32>
    %convert_element_type3A_337 = arith.sitofp %convert_element_type3A_336 : vector<1x128xi32> to vector<1x128xf32>
    %concatenate3A_338 = tpu.concatenate %convert_element_type3A_223, %broadcast_in_dim3A_34, %convert_element_type3A_242, %convert_element_type3A_261, %convert_element_type3A_280, %convert_element_type3A_299, %convert_element_type3A_318, %convert_element_type3A_337 in 0 : vector<1x128xf32>, vector<1x128xf32>, vector<1x128xf32>, vector<1x128xf32>, vector<1x128xf32>, vector<1x128xf32>, vector<1x128xf32>, vector<1x128xf32> -> vector<8x128xf32>
    %reduce_sum3A_339 = arith.constant dense<0.000000e+00> : vector<8xf32>
    %reduce_sum3A_340 = vector.multi_reduction <add>, %concatenate3A_338, %reduce_sum3A_339 [1] : vector<8x128xf32> to vector<8xf32>
    %broadcast_in_dim3A_341 = vector.shape_cast %reduce_sum3A_340 : vector<8xf32> to vector<8x1xf32>
    %dot_general3A_342 = arith.constant dense<0.000000e+00> : vector<8x256xf32>
    %dot_general3A_343 = tpu.matmul %concatenate3A_338, %slice3A_188, %dot_general3A_342 {dimension_numbers = #tpu.dot_dimension_numbers<[1], [0], [0], [1], [0, 0, 1, 1], [], []>, transpose_lhs_hint = false} : vector<8x128xf32>, vector<128x256xf32>, vector<8x256xf32> -> vector<8x256xf32>
    %max3A_344 = arith.constant 1.000000e+00 : f32
    %max3A_345 = vector.broadcast %max3A_344 : f32 to vector<8x1xf32>
    %max3A_346 = arith.maximumf %broadcast_in_dim3A_341, %max3A_345 : vector<8x1xf32>
    %div3A_347 = vector.broadcast %max3A_346 : vector<8x1xf32> to vector<8x256xf32>
    %div3A_348 = arith.divf %dot_general3A_343, %div3A_347 : vector<8x256xf32>
    %slice3A_349 = vector.extract_strided_slice %get3A_17 {offsets = [256, 0], sizes = [128, 256], strides = [1, 1]} : vector<1024x256xf32> to vector<128x256xf32>
    %slice3A_350 = vector.extract_strided_slice %dot_general3A_21 {offsets = [0, 256], sizes = [8, 128], strides = [1, 1]} : vector<8x1024xf32> to vector<8x128xf32>
    %mul3A_351 = arith.mulf %slice3A_349, %slice3A_349 : vector<128x256xf32>
    %dot_general3A_352 = arith.constant dense<0.000000e+00> : vector<1x128xf32>
    %dot_general3A_353 = tpu.matmul %broadcast_in_dim3A_23, %mul3A_351, %dot_general3A_352 {dimension_numbers = #tpu.dot_dimension_numbers<[1], [1], [0], [0], [0, 0, 1, 0], [], []>, transpose_lhs_hint = false} : vector<1x256xf32>, vector<128x256xf32>, vector<1x128xf32> -> vector<1x128xf32>
    %sqrt3A_354 = math.sqrt %dot_general3A_353 : vector<1x128xf32>
    %max3A_355 = arith.constant 9.99999993E-9 : f32
    %max3A_356 = vector.broadcast %max3A_355 : f32 to vector<1x128xf32>
    %max3A_357 = arith.maximumf %sqrt3A_354, %max3A_356 : vector<1x128xf32>
    %div3A_358 = arith.constant 1.000000e+00 : f32
    %div3A_359 = vector.broadcast %div3A_358 : f32 to vector<1x128xf32>
    %div3A_360 = arith.divf %div3A_359, %max3A_357 : vector<1x128xf32>
    %slice3A_361 = vector.extract_strided_slice %slice3A_350 {offsets = [2, 0], sizes = [1, 128], strides = [1, 1]} : vector<8x128xf32> to vector<1x128xf32>
    %sub3A_362 = vector.broadcast %slice3A_361 : vector<1x128xf32> to vector<8x128xf32>
    %sub3A_363 = arith.subf %sub3A_362, %slice3A_350 : vector<8x128xf32>
    %mul3A_364 = vector.broadcast %div3A_360 : vector<1x128xf32> to vector<8x128xf32>
    %mul3A_365 = arith.mulf %sub3A_363, %mul3A_364 : vector<8x128xf32>
    %slice3A_366 = vector.extract_strided_slice %mul3A_365 {offsets = [0, 0], sizes = [1, 128], strides = [1, 1]} : vector<8x128xf32> to vector<1x128xf32>
    %dot_general3A_367 = arith.constant dense<0.000000e+00> : vector<128x1xf32>
    %dot_general3A_368 = tpu.matmul %convert_element_type3A_25, %slice3A_366, %dot_general3A_367 {dimension_numbers = #tpu.dot_dimension_numbers<[1], [1], [0], [0], [0, 0, 1, 0], [], []>, transpose_lhs_hint = false} : vector<128x128xf32>, vector<1x128xf32>, vector<128x1xf32> -> vector<128x1xf32>
    %lt3A_369 = vector.broadcast %dot_general3A_368 : vector<128x1xf32> to vector<128x128xf32>
    %lt3A_370 = vector.broadcast %slice3A_366 : vector<1x128xf32> to vector<128x128xf32>
    %lt3A_371 = arith.cmpf olt, %lt3A_369, %lt3A_370 : vector<128x128xf32>
    %and3A_372 = vector.broadcast %lt3A_32 : vector<128x1xi1> to vector<128x128xi1>
    %and3A_373 = arith.andi %lt3A_371, %and3A_372 : vector<128x128xi1>
    %convert_element_type3A_374 = arith.extui %and3A_373 : vector<128x128xi1> to vector<128x128xi32>
    %convert_element_type3A_375 = arith.sitofp %convert_element_type3A_374 : vector<128x128xi32> to vector<128x128xf32>
    %reduce_sum3A_376 = arith.constant dense<0.000000e+00> : vector<128xf32>
    %reduce_sum3A_377 = vector.multi_reduction <add>, %convert_element_type3A_375, %reduce_sum3A_376 [0] : vector<128x128xf32> to vector<128xf32>
    %broadcast_in_dim3A_378 = vector.shape_cast %reduce_sum3A_377 : vector<128xf32> to vector<1x128xf32>
    %ge3A_379 = arith.constant 1.300000e+01 : f32
    %ge3A_380 = vector.broadcast %ge3A_379 : f32 to vector<1x128xf32>
    %ge3A_381 = arith.cmpf oge, %broadcast_in_dim3A_378, %ge3A_380 : vector<1x128xf32>
    %and3A_382 = arith.andi %ge3A_381, %lt3A_28 : vector<1x128xi1>
    %convert_element_type3A_383 = arith.extui %and3A_382 : vector<1x128xi1> to vector<1x128xi32>
    %convert_element_type3A_384 = arith.sitofp %convert_element_type3A_383 : vector<1x128xi32> to vector<1x128xf32>
    %slice3A_385 = vector.extract_strided_slice %mul3A_365 {offsets = [1, 0], sizes = [1, 128], strides = [1, 1]} : vector<8x128xf32> to vector<1x128xf32>
    %dot_general3A_386 = arith.constant dense<0.000000e+00> : vector<128x1xf32>
    %dot_general3A_387 = tpu.matmul %convert_element_type3A_25, %slice3A_385, %dot_general3A_386 {dimension_numbers = #tpu.dot_dimension_numbers<[1], [1], [0], [0], [0, 0, 1, 0], [], []>, transpose_lhs_hint = false} : vector<128x128xf32>, vector<1x128xf32>, vector<128x1xf32> -> vector<128x1xf32>
    %lt3A_388 = vector.broadcast %dot_general3A_387 : vector<128x1xf32> to vector<128x128xf32>
    %lt3A_389 = vector.broadcast %slice3A_385 : vector<1x128xf32> to vector<128x128xf32>
    %lt3A_390 = arith.cmpf olt, %lt3A_388, %lt3A_389 : vector<128x128xf32>
    %and3A_391 = vector.broadcast %lt3A_32 : vector<128x1xi1> to vector<128x128xi1>
    %and3A_392 = arith.andi %lt3A_390, %and3A_391 : vector<128x128xi1>
    %convert_element_type3A_393 = arith.extui %and3A_392 : vector<128x128xi1> to vector<128x128xi32>
    %convert_element_type3A_394 = arith.sitofp %convert_element_type3A_393 : vector<128x128xi32> to vector<128x128xf32>
    %reduce_sum3A_395 = arith.constant dense<0.000000e+00> : vector<128xf32>
    %reduce_sum3A_396 = vector.multi_reduction <add>, %convert_element_type3A_394, %reduce_sum3A_395 [0] : vector<128x128xf32> to vector<128xf32>
    %broadcast_in_dim3A_397 = vector.shape_cast %reduce_sum3A_396 : vector<128xf32> to vector<1x128xf32>
    %ge3A_398 = arith.constant 1.300000e+01 : f32
    %ge3A_399 = vector.broadcast %ge3A_398 : f32 to vector<1x128xf32>
    %ge3A_400 = arith.cmpf oge, %broadcast_in_dim3A_397, %ge3A_399 : vector<1x128xf32>
    %and3A_401 = arith.andi %ge3A_400, %lt3A_28 : vector<1x128xi1>
    %convert_element_type3A_402 = arith.extui %and3A_401 : vector<1x128xi1> to vector<1x128xi32>
    %convert_element_type3A_403 = arith.sitofp %convert_element_type3A_402 : vector<1x128xi32> to vector<1x128xf32>
    %slice3A_404 = vector.extract_strided_slice %mul3A_365 {offsets = [3, 0], sizes = [1, 128], strides = [1, 1]} : vector<8x128xf32> to vector<1x128xf32>
    %dot_general3A_405 = arith.constant dense<0.000000e+00> : vector<128x1xf32>
    %dot_general3A_406 = tpu.matmul %convert_element_type3A_25, %slice3A_404, %dot_general3A_405 {dimension_numbers = #tpu.dot_dimension_numbers<[1], [1], [0], [0], [0, 0, 1, 0], [], []>, transpose_lhs_hint = false} : vector<128x128xf32>, vector<1x128xf32>, vector<128x1xf32> -> vector<128x1xf32>
    %lt3A_407 = vector.broadcast %dot_general3A_406 : vector<128x1xf32> to vector<128x128xf32>
    %lt3A_408 = vector.broadcast %slice3A_404 : vector<1x128xf32> to vector<128x128xf32>
    %lt3A_409 = arith.cmpf olt, %lt3A_407, %lt3A_408 : vector<128x128xf32>
    %and3A_410 = vector.broadcast %lt3A_32 : vector<128x1xi1> to vector<128x128xi1>
    %and3A_411 = arith.andi %lt3A_409, %and3A_410 : vector<128x128xi1>
    %convert_element_type3A_412 = arith.extui %and3A_411 : vector<128x128xi1> to vector<128x128xi32>
    %convert_element_type3A_413 = arith.sitofp %convert_element_type3A_412 : vector<128x128xi32> to vector<128x128xf32>
    %reduce_sum3A_414 = arith.constant dense<0.000000e+00> : vector<128xf32>
    %reduce_sum3A_415 = vector.multi_reduction <add>, %convert_element_type3A_413, %reduce_sum3A_414 [0] : vector<128x128xf32> to vector<128xf32>
    %broadcast_in_dim3A_416 = vector.shape_cast %reduce_sum3A_415 : vector<128xf32> to vector<1x128xf32>
    %ge3A_417 = arith.constant 1.300000e+01 : f32
    %ge3A_418 = vector.broadcast %ge3A_417 : f32 to vector<1x128xf32>
    %ge3A_419 = arith.cmpf oge, %broadcast_in_dim3A_416, %ge3A_418 : vector<1x128xf32>
    %and3A_420 = arith.andi %ge3A_419, %lt3A_28 : vector<1x128xi1>
    %convert_element_type3A_421 = arith.extui %and3A_420 : vector<1x128xi1> to vector<1x128xi32>
    %convert_element_type3A_422 = arith.sitofp %convert_element_type3A_421 : vector<1x128xi32> to vector<1x128xf32>
    %slice3A_423 = vector.extract_strided_slice %mul3A_365 {offsets = [4, 0], sizes = [1, 128], strides = [1, 1]} : vector<8x128xf32> to vector<1x128xf32>
    %dot_general3A_424 = arith.constant dense<0.000000e+00> : vector<128x1xf32>
    %dot_general3A_425 = tpu.matmul %convert_element_type3A_25, %slice3A_423, %dot_general3A_424 {dimension_numbers = #tpu.dot_dimension_numbers<[1], [1], [0], [0], [0, 0, 1, 0], [], []>, transpose_lhs_hint = false} : vector<128x128xf32>, vector<1x128xf32>, vector<128x1xf32> -> vector<128x1xf32>
    %lt3A_426 = vector.broadcast %dot_general3A_425 : vector<128x1xf32> to vector<128x128xf32>
    %lt3A_427 = vector.broadcast %slice3A_423 : vector<1x128xf32> to vector<128x128xf32>
    %lt3A_428 = arith.cmpf olt, %lt3A_426, %lt3A_427 : vector<128x128xf32>
    %and3A_429 = vector.broadcast %lt3A_32 : vector<128x1xi1> to vector<128x128xi1>
    %and3A_430 = arith.andi %lt3A_428, %and3A_429 : vector<128x128xi1>
    %convert_element_type3A_431 = arith.extui %and3A_430 : vector<128x128xi1> to vector<128x128xi32>
    %convert_element_type3A_432 = arith.sitofp %convert_element_type3A_431 : vector<128x128xi32> to vector<128x128xf32>
    %reduce_sum3A_433 = arith.constant dense<0.000000e+00> : vector<128xf32>
    %reduce_sum3A_434 = vector.multi_reduction <add>, %convert_element_type3A_432, %reduce_sum3A_433 [0] : vector<128x128xf32> to vector<128xf32>
    %broadcast_in_dim3A_435 = vector.shape_cast %reduce_sum3A_434 : vector<128xf32> to vector<1x128xf32>
    %ge3A_436 = arith.constant 1.300000e+01 : f32
    %ge3A_437 = vector.broadcast %ge3A_436 : f32 to vector<1x128xf32>
    %ge3A_438 = arith.cmpf oge, %broadcast_in_dim3A_435, %ge3A_437 : vector<1x128xf32>
    %and3A_439 = arith.andi %ge3A_438, %lt3A_28 : vector<1x128xi1>
    %convert_element_type3A_440 = arith.extui %and3A_439 : vector<1x128xi1> to vector<1x128xi32>
    %convert_element_type3A_441 = arith.sitofp %convert_element_type3A_440 : vector<1x128xi32> to vector<1x128xf32>
    %slice3A_442 = vector.extract_strided_slice %mul3A_365 {offsets = [5, 0], sizes = [1, 128], strides = [1, 1]} : vector<8x128xf32> to vector<1x128xf32>
    %dot_general3A_443 = arith.constant dense<0.000000e+00> : vector<128x1xf32>
    %dot_general3A_444 = tpu.matmul %convert_element_type3A_25, %slice3A_442, %dot_general3A_443 {dimension_numbers = #tpu.dot_dimension_numbers<[1], [1], [0], [0], [0, 0, 1, 0], [], []>, transpose_lhs_hint = false} : vector<128x128xf32>, vector<1x128xf32>, vector<128x1xf32> -> vector<128x1xf32>
    %lt3A_445 = vector.broadcast %dot_general3A_444 : vector<128x1xf32> to vector<128x128xf32>
    %lt3A_446 = vector.broadcast %slice3A_442 : vector<1x128xf32> to vector<128x128xf32>
    %lt3A_447 = arith.cmpf olt, %lt3A_445, %lt3A_446 : vector<128x128xf32>
    %and3A_448 = vector.broadcast %lt3A_32 : vector<128x1xi1> to vector<128x128xi1>
    %and3A_449 = arith.andi %lt3A_447, %and3A_448 : vector<128x128xi1>
    %convert_element_type3A_450 = arith.extui %and3A_449 : vector<128x128xi1> to vector<128x128xi32>
    %convert_element_type3A_451 = arith.sitofp %convert_element_type3A_450 : vector<128x128xi32> to vector<128x128xf32>
    %reduce_sum3A_452 = arith.constant dense<0.000000e+00> : vector<128xf32>
    %reduce_sum3A_453 = vector.multi_reduction <add>, %convert_element_type3A_451, %reduce_sum3A_452 [0] : vector<128x128xf32> to vector<128xf32>
    %broadcast_in_dim3A_454 = vector.shape_cast %reduce_sum3A_453 : vector<128xf32> to vector<1x128xf32>
    %ge3A_455 = arith.constant 1.300000e+01 : f32
    %ge3A_456 = vector.broadcast %ge3A_455 : f32 to vector<1x128xf32>
    %ge3A_457 = arith.cmpf oge, %broadcast_in_dim3A_454, %ge3A_456 : vector<1x128xf32>
    %and3A_458 = arith.andi %ge3A_457, %lt3A_28 : vector<1x128xi1>
    %convert_element_type3A_459 = arith.extui %and3A_458 : vector<1x128xi1> to vector<1x128xi32>
    %convert_element_type3A_460 = arith.sitofp %convert_element_type3A_459 : vector<1x128xi32> to vector<1x128xf32>
    %slice3A_461 = vector.extract_strided_slice %mul3A_365 {offsets = [6, 0], sizes = [1, 128], strides = [1, 1]} : vector<8x128xf32> to vector<1x128xf32>
    %dot_general3A_462 = arith.constant dense<0.000000e+00> : vector<128x1xf32>
    %dot_general3A_463 = tpu.matmul %convert_element_type3A_25, %slice3A_461, %dot_general3A_462 {dimension_numbers = #tpu.dot_dimension_numbers<[1], [1], [0], [0], [0, 0, 1, 0], [], []>, transpose_lhs_hint = false} : vector<128x128xf32>, vector<1x128xf32>, vector<128x1xf32> -> vector<128x1xf32>
    %lt3A_464 = vector.broadcast %dot_general3A_463 : vector<128x1xf32> to vector<128x128xf32>
    %lt3A_465 = vector.broadcast %slice3A_461 : vector<1x128xf32> to vector<128x128xf32>
    %lt3A_466 = arith.cmpf olt, %lt3A_464, %lt3A_465 : vector<128x128xf32>
    %and3A_467 = vector.broadcast %lt3A_32 : vector<128x1xi1> to vector<128x128xi1>
    %and3A_468 = arith.andi %lt3A_466, %and3A_467 : vector<128x128xi1>
    %convert_element_type3A_469 = arith.extui %and3A_468 : vector<128x128xi1> to vector<128x128xi32>
    %convert_element_type3A_470 = arith.sitofp %convert_element_type3A_469 : vector<128x128xi32> to vector<128x128xf32>
    %reduce_sum3A_471 = arith.constant dense<0.000000e+00> : vector<128xf32>
    %reduce_sum3A_472 = vector.multi_reduction <add>, %convert_element_type3A_470, %reduce_sum3A_471 [0] : vector<128x128xf32> to vector<128xf32>
    %broadcast_in_dim3A_473 = vector.shape_cast %reduce_sum3A_472 : vector<128xf32> to vector<1x128xf32>
    %ge3A_474 = arith.constant 1.300000e+01 : f32
    %ge3A_475 = vector.broadcast %ge3A_474 : f32 to vector<1x128xf32>
    %ge3A_476 = arith.cmpf oge, %broadcast_in_dim3A_473, %ge3A_475 : vector<1x128xf32>
    %and3A_477 = arith.andi %ge3A_476, %lt3A_28 : vector<1x128xi1>
    %convert_element_type3A_478 = arith.extui %and3A_477 : vector<1x128xi1> to vector<1x128xi32>
    %convert_element_type3A_479 = arith.sitofp %convert_element_type3A_478 : vector<1x128xi32> to vector<1x128xf32>
    %slice3A_480 = vector.extract_strided_slice %mul3A_365 {offsets = [7, 0], sizes = [1, 128], strides = [1, 1]} : vector<8x128xf32> to vector<1x128xf32>
    %dot_general3A_481 = arith.constant dense<0.000000e+00> : vector<128x1xf32>
    %dot_general3A_482 = tpu.matmul %convert_element_type3A_25, %slice3A_480, %dot_general3A_481 {dimension_numbers = #tpu.dot_dimension_numbers<[1], [1], [0], [0], [0, 0, 1, 0], [], []>, transpose_lhs_hint = false} : vector<128x128xf32>, vector<1x128xf32>, vector<128x1xf32> -> vector<128x1xf32>
    %lt3A_483 = vector.broadcast %dot_general3A_482 : vector<128x1xf32> to vector<128x128xf32>
    %lt3A_484 = vector.broadcast %slice3A_480 : vector<1x128xf32> to vector<128x128xf32>
    %lt3A_485 = arith.cmpf olt, %lt3A_483, %lt3A_484 : vector<128x128xf32>
    %and3A_486 = vector.broadcast %lt3A_32 : vector<128x1xi1> to vector<128x128xi1>
    %and3A_487 = arith.andi %lt3A_485, %and3A_486 : vector<128x128xi1>
    %convert_element_type3A_488 = arith.extui %and3A_487 : vector<128x128xi1> to vector<128x128xi32>
    %convert_element_type3A_489 = arith.sitofp %convert_element_type3A_488 : vector<128x128xi32> to vector<128x128xf32>
    %reduce_sum3A_490 = arith.constant dense<0.000000e+00> : vector<128xf32>
    %reduce_sum3A_491 = vector.multi_reduction <add>, %convert_element_type3A_489, %reduce_sum3A_490 [0] : vector<128x128xf32> to vector<128xf32>
    %broadcast_in_dim3A_492 = vector.shape_cast %reduce_sum3A_491 : vector<128xf32> to vector<1x128xf32>
    %ge3A_493 = arith.constant 1.300000e+01 : f32
    %ge3A_494 = vector.broadcast %ge3A_493 : f32 to vector<1x128xf32>
    %ge3A_495 = arith.cmpf oge, %broadcast_in_dim3A_492, %ge3A_494 : vector<1x128xf32>
    %and3A_496 = arith.andi %ge3A_495, %lt3A_28 : vector<1x128xi1>
    %convert_element_type3A_497 = arith.extui %and3A_496 : vector<1x128xi1> to vector<1x128xi32>
    %convert_element_type3A_498 = arith.sitofp %convert_element_type3A_497 : vector<1x128xi32> to vector<1x128xf32>
    %concatenate3A_499 = tpu.concatenate %convert_element_type3A_384, %convert_element_type3A_403, %broadcast_in_dim3A_34, %convert_element_type3A_422, %convert_element_type3A_441, %convert_element_type3A_460, %convert_element_type3A_479, %convert_element_type3A_498 in 0 : vector<1x128xf32>, vector<1x128xf32>, vector<1x128xf32>, vector<1x128xf32>, vector<1x128xf32>, vector<1x128xf32>, vector<1x128xf32>, vector<1x128xf32> -> vector<8x128xf32>
    %reduce_sum3A_500 = arith.constant dense<0.000000e+00> : vector<8xf32>
    %reduce_sum3A_501 = vector.multi_reduction <add>, %concatenate3A_499, %reduce_sum3A_500 [1] : vector<8x128xf32> to vector<8xf32>
    %broadcast_in_dim3A_502 = vector.shape_cast %reduce_sum3A_501 : vector<8xf32> to vector<8x1xf32>
    %dot_general3A_503 = arith.constant dense<0.000000e+00> : vector<8x256xf32>
    %dot_general3A_504 = tpu.matmul %concatenate3A_499, %slice3A_349, %dot_general3A_503 {dimension_numbers = #tpu.dot_dimension_numbers<[1], [0], [0], [1], [0, 0, 1, 1], [], []>, transpose_lhs_hint = false} : vector<8x128xf32>, vector<128x256xf32>, vector<8x256xf32> -> vector<8x256xf32>
    %max3A_505 = arith.constant 1.000000e+00 : f32
    %max3A_506 = vector.broadcast %max3A_505 : f32 to vector<8x1xf32>
    %max3A_507 = arith.maximumf %broadcast_in_dim3A_502, %max3A_506 : vector<8x1xf32>
    %div3A_508 = vector.broadcast %max3A_507 : vector<8x1xf32> to vector<8x256xf32>
    %div3A_509 = arith.divf %dot_general3A_504, %div3A_508 : vector<8x256xf32>
    %slice3A_510 = vector.extract_strided_slice %get3A_17 {offsets = [384, 0], sizes = [128, 256], strides = [1, 1]} : vector<1024x256xf32> to vector<128x256xf32>
    %slice3A_511 = vector.extract_strided_slice %dot_general3A_21 {offsets = [0, 384], sizes = [8, 128], strides = [1, 1]} : vector<8x1024xf32> to vector<8x128xf32>
    %mul3A_512 = arith.mulf %slice3A_510, %slice3A_510 : vector<128x256xf32>
    %dot_general3A_513 = arith.constant dense<0.000000e+00> : vector<1x128xf32>
    %dot_general3A_514 = tpu.matmul %broadcast_in_dim3A_23, %mul3A_512, %dot_general3A_513 {dimension_numbers = #tpu.dot_dimension_numbers<[1], [1], [0], [0], [0, 0, 1, 0], [], []>, transpose_lhs_hint = false} : vector<1x256xf32>, vector<128x256xf32>, vector<1x128xf32> -> vector<1x128xf32>
    %sqrt3A_515 = math.sqrt %dot_general3A_514 : vector<1x128xf32>
    %max3A_516 = arith.constant 9.99999993E-9 : f32
    %max3A_517 = vector.broadcast %max3A_516 : f32 to vector<1x128xf32>
    %max3A_518 = arith.maximumf %sqrt3A_515, %max3A_517 : vector<1x128xf32>
    %div3A_519 = arith.constant 1.000000e+00 : f32
    %div3A_520 = vector.broadcast %div3A_519 : f32 to vector<1x128xf32>
    %div3A_521 = arith.divf %div3A_520, %max3A_518 : vector<1x128xf32>
    %slice3A_522 = vector.extract_strided_slice %slice3A_511 {offsets = [3, 0], sizes = [1, 128], strides = [1, 1]} : vector<8x128xf32> to vector<1x128xf32>
    %sub3A_523 = vector.broadcast %slice3A_522 : vector<1x128xf32> to vector<8x128xf32>
    %sub3A_524 = arith.subf %sub3A_523, %slice3A_511 : vector<8x128xf32>
    %mul3A_525 = vector.broadcast %div3A_521 : vector<1x128xf32> to vector<8x128xf32>
    %mul3A_526 = arith.mulf %sub3A_524, %mul3A_525 : vector<8x128xf32>
    %slice3A_527 = vector.extract_strided_slice %mul3A_526 {offsets = [0, 0], sizes = [1, 128], strides = [1, 1]} : vector<8x128xf32> to vector<1x128xf32>
    %dot_general3A_528 = arith.constant dense<0.000000e+00> : vector<128x1xf32>
    %dot_general3A_529 = tpu.matmul %convert_element_type3A_25, %slice3A_527, %dot_general3A_528 {dimension_numbers = #tpu.dot_dimension_numbers<[1], [1], [0], [0], [0, 0, 1, 0], [], []>, transpose_lhs_hint = false} : vector<128x128xf32>, vector<1x128xf32>, vector<128x1xf32> -> vector<128x1xf32>
    %lt3A_530 = vector.broadcast %dot_general3A_529 : vector<128x1xf32> to vector<128x128xf32>
    %lt3A_531 = vector.broadcast %slice3A_527 : vector<1x128xf32> to vector<128x128xf32>
    %lt3A_532 = arith.cmpf olt, %lt3A_530, %lt3A_531 : vector<128x128xf32>
    %and3A_533 = vector.broadcast %lt3A_32 : vector<128x1xi1> to vector<128x128xi1>
    %and3A_534 = arith.andi %lt3A_532, %and3A_533 : vector<128x128xi1>
    %convert_element_type3A_535 = arith.extui %and3A_534 : vector<128x128xi1> to vector<128x128xi32>
    %convert_element_type3A_536 = arith.sitofp %convert_element_type3A_535 : vector<128x128xi32> to vector<128x128xf32>
    %reduce_sum3A_537 = arith.constant dense<0.000000e+00> : vector<128xf32>
    %reduce_sum3A_538 = vector.multi_reduction <add>, %convert_element_type3A_536, %reduce_sum3A_537 [0] : vector<128x128xf32> to vector<128xf32>
    %broadcast_in_dim3A_539 = vector.shape_cast %reduce_sum3A_538 : vector<128xf32> to vector<1x128xf32>
    %ge3A_540 = arith.constant 1.300000e+01 : f32
    %ge3A_541 = vector.broadcast %ge3A_540 : f32 to vector<1x128xf32>
    %ge3A_542 = arith.cmpf oge, %broadcast_in_dim3A_539, %ge3A_541 : vector<1x128xf32>
    %and3A_543 = arith.andi %ge3A_542, %lt3A_28 : vector<1x128xi1>
    %convert_element_type3A_544 = arith.extui %and3A_543 : vector<1x128xi1> to vector<1x128xi32>
    %convert_element_type3A_545 = arith.sitofp %convert_element_type3A_544 : vector<1x128xi32> to vector<1x128xf32>
    %slice3A_546 = vector.extract_strided_slice %mul3A_526 {offsets = [1, 0], sizes = [1, 128], strides = [1, 1]} : vector<8x128xf32> to vector<1x128xf32>
    %dot_general3A_547 = arith.constant dense<0.000000e+00> : vector<128x1xf32>
    %dot_general3A_548 = tpu.matmul %convert_element_type3A_25, %slice3A_546, %dot_general3A_547 {dimension_numbers = #tpu.dot_dimension_numbers<[1], [1], [0], [0], [0, 0, 1, 0], [], []>, transpose_lhs_hint = false} : vector<128x128xf32>, vector<1x128xf32>, vector<128x1xf32> -> vector<128x1xf32>
    %lt3A_549 = vector.broadcast %dot_general3A_548 : vector<128x1xf32> to vector<128x128xf32>
    %lt3A_550 = vector.broadcast %slice3A_546 : vector<1x128xf32> to vector<128x128xf32>
    %lt3A_551 = arith.cmpf olt, %lt3A_549, %lt3A_550 : vector<128x128xf32>
    %and3A_552 = vector.broadcast %lt3A_32 : vector<128x1xi1> to vector<128x128xi1>
    %and3A_553 = arith.andi %lt3A_551, %and3A_552 : vector<128x128xi1>
    %convert_element_type3A_554 = arith.extui %and3A_553 : vector<128x128xi1> to vector<128x128xi32>
    %convert_element_type3A_555 = arith.sitofp %convert_element_type3A_554 : vector<128x128xi32> to vector<128x128xf32>
    %reduce_sum3A_556 = arith.constant dense<0.000000e+00> : vector<128xf32>
    %reduce_sum3A_557 = vector.multi_reduction <add>, %convert_element_type3A_555, %reduce_sum3A_556 [0] : vector<128x128xf32> to vector<128xf32>
    %broadcast_in_dim3A_558 = vector.shape_cast %reduce_sum3A_557 : vector<128xf32> to vector<1x128xf32>
    %ge3A_559 = arith.constant 1.300000e+01 : f32
    %ge3A_560 = vector.broadcast %ge3A_559 : f32 to vector<1x128xf32>
    %ge3A_561 = arith.cmpf oge, %broadcast_in_dim3A_558, %ge3A_560 : vector<1x128xf32>
    %and3A_562 = arith.andi %ge3A_561, %lt3A_28 : vector<1x128xi1>
    %convert_element_type3A_563 = arith.extui %and3A_562 : vector<1x128xi1> to vector<1x128xi32>
    %convert_element_type3A_564 = arith.sitofp %convert_element_type3A_563 : vector<1x128xi32> to vector<1x128xf32>
    %slice3A_565 = vector.extract_strided_slice %mul3A_526 {offsets = [2, 0], sizes = [1, 128], strides = [1, 1]} : vector<8x128xf32> to vector<1x128xf32>
    %dot_general3A_566 = arith.constant dense<0.000000e+00> : vector<128x1xf32>
    %dot_general3A_567 = tpu.matmul %convert_element_type3A_25, %slice3A_565, %dot_general3A_566 {dimension_numbers = #tpu.dot_dimension_numbers<[1], [1], [0], [0], [0, 0, 1, 0], [], []>, transpose_lhs_hint = false} : vector<128x128xf32>, vector<1x128xf32>, vector<128x1xf32> -> vector<128x1xf32>
    %lt3A_568 = vector.broadcast %dot_general3A_567 : vector<128x1xf32> to vector<128x128xf32>
    %lt3A_569 = vector.broadcast %slice3A_565 : vector<1x128xf32> to vector<128x128xf32>
    %lt3A_570 = arith.cmpf olt, %lt3A_568, %lt3A_569 : vector<128x128xf32>
    %and3A_571 = vector.broadcast %lt3A_32 : vector<128x1xi1> to vector<128x128xi1>
    %and3A_572 = arith.andi %lt3A_570, %and3A_571 : vector<128x128xi1>
    %convert_element_type3A_573 = arith.extui %and3A_572 : vector<128x128xi1> to vector<128x128xi32>
    %convert_element_type3A_574 = arith.sitofp %convert_element_type3A_573 : vector<128x128xi32> to vector<128x128xf32>
    %reduce_sum3A_575 = arith.constant dense<0.000000e+00> : vector<128xf32>
    %reduce_sum3A_576 = vector.multi_reduction <add>, %convert_element_type3A_574, %reduce_sum3A_575 [0] : vector<128x128xf32> to vector<128xf32>
    %broadcast_in_dim3A_577 = vector.shape_cast %reduce_sum3A_576 : vector<128xf32> to vector<1x128xf32>
    %ge3A_578 = arith.constant 1.300000e+01 : f32
    %ge3A_579 = vector.broadcast %ge3A_578 : f32 to vector<1x128xf32>
    %ge3A_580 = arith.cmpf oge, %broadcast_in_dim3A_577, %ge3A_579 : vector<1x128xf32>
    %and3A_581 = arith.andi %ge3A_580, %lt3A_28 : vector<1x128xi1>
    %convert_element_type3A_582 = arith.extui %and3A_581 : vector<1x128xi1> to vector<1x128xi32>
    %convert_element_type3A_583 = arith.sitofp %convert_element_type3A_582 : vector<1x128xi32> to vector<1x128xf32>
    %slice3A_584 = vector.extract_strided_slice %mul3A_526 {offsets = [4, 0], sizes = [1, 128], strides = [1, 1]} : vector<8x128xf32> to vector<1x128xf32>
    %dot_general3A_585 = arith.constant dense<0.000000e+00> : vector<128x1xf32>
    %dot_general3A_586 = tpu.matmul %convert_element_type3A_25, %slice3A_584, %dot_general3A_585 {dimension_numbers = #tpu.dot_dimension_numbers<[1], [1], [0], [0], [0, 0, 1, 0], [], []>, transpose_lhs_hint = false} : vector<128x128xf32>, vector<1x128xf32>, vector<128x1xf32> -> vector<128x1xf32>
    %lt3A_587 = vector.broadcast %dot_general3A_586 : vector<128x1xf32> to vector<128x128xf32>
    %lt3A_588 = vector.broadcast %slice3A_584 : vector<1x128xf32> to vector<128x128xf32>
    %lt3A_589 = arith.cmpf olt, %lt3A_587, %lt3A_588 : vector<128x128xf32>
    %and3A_590 = vector.broadcast %lt3A_32 : vector<128x1xi1> to vector<128x128xi1>
    %and3A_591 = arith.andi %lt3A_589, %and3A_590 : vector<128x128xi1>
    %convert_element_type3A_592 = arith.extui %and3A_591 : vector<128x128xi1> to vector<128x128xi32>
    %convert_element_type3A_593 = arith.sitofp %convert_element_type3A_592 : vector<128x128xi32> to vector<128x128xf32>
    %reduce_sum3A_594 = arith.constant dense<0.000000e+00> : vector<128xf32>
    %reduce_sum3A_595 = vector.multi_reduction <add>, %convert_element_type3A_593, %reduce_sum3A_594 [0] : vector<128x128xf32> to vector<128xf32>
    %broadcast_in_dim3A_596 = vector.shape_cast %reduce_sum3A_595 : vector<128xf32> to vector<1x128xf32>
    %ge3A_597 = arith.constant 1.300000e+01 : f32
    %ge3A_598 = vector.broadcast %ge3A_597 : f32 to vector<1x128xf32>
    %ge3A_599 = arith.cmpf oge, %broadcast_in_dim3A_596, %ge3A_598 : vector<1x128xf32>
    %and3A_600 = arith.andi %ge3A_599, %lt3A_28 : vector<1x128xi1>
    %convert_element_type3A_601 = arith.extui %and3A_600 : vector<1x128xi1> to vector<1x128xi32>
    %convert_element_type3A_602 = arith.sitofp %convert_element_type3A_601 : vector<1x128xi32> to vector<1x128xf32>
    %slice3A_603 = vector.extract_strided_slice %mul3A_526 {offsets = [5, 0], sizes = [1, 128], strides = [1, 1]} : vector<8x128xf32> to vector<1x128xf32>
    %dot_general3A_604 = arith.constant dense<0.000000e+00> : vector<128x1xf32>
    %dot_general3A_605 = tpu.matmul %convert_element_type3A_25, %slice3A_603, %dot_general3A_604 {dimension_numbers = #tpu.dot_dimension_numbers<[1], [1], [0], [0], [0, 0, 1, 0], [], []>, transpose_lhs_hint = false} : vector<128x128xf32>, vector<1x128xf32>, vector<128x1xf32> -> vector<128x1xf32>
    %lt3A_606 = vector.broadcast %dot_general3A_605 : vector<128x1xf32> to vector<128x128xf32>
    %lt3A_607 = vector.broadcast %slice3A_603 : vector<1x128xf32> to vector<128x128xf32>
    %lt3A_608 = arith.cmpf olt, %lt3A_606, %lt3A_607 : vector<128x128xf32>
    %and3A_609 = vector.broadcast %lt3A_32 : vector<128x1xi1> to vector<128x128xi1>
    %and3A_610 = arith.andi %lt3A_608, %and3A_609 : vector<128x128xi1>
    %convert_element_type3A_611 = arith.extui %and3A_610 : vector<128x128xi1> to vector<128x128xi32>
    %convert_element_type3A_612 = arith.sitofp %convert_element_type3A_611 : vector<128x128xi32> to vector<128x128xf32>
    %reduce_sum3A_613 = arith.constant dense<0.000000e+00> : vector<128xf32>
    %reduce_sum3A_614 = vector.multi_reduction <add>, %convert_element_type3A_612, %reduce_sum3A_613 [0] : vector<128x128xf32> to vector<128xf32>
    %broadcast_in_dim3A_615 = vector.shape_cast %reduce_sum3A_614 : vector<128xf32> to vector<1x128xf32>
    %ge3A_616 = arith.constant 1.300000e+01 : f32
    %ge3A_617 = vector.broadcast %ge3A_616 : f32 to vector<1x128xf32>
    %ge3A_618 = arith.cmpf oge, %broadcast_in_dim3A_615, %ge3A_617 : vector<1x128xf32>
    %and3A_619 = arith.andi %ge3A_618, %lt3A_28 : vector<1x128xi1>
    %convert_element_type3A_620 = arith.extui %and3A_619 : vector<1x128xi1> to vector<1x128xi32>
    %convert_element_type3A_621 = arith.sitofp %convert_element_type3A_620 : vector<1x128xi32> to vector<1x128xf32>
    %slice3A_622 = vector.extract_strided_slice %mul3A_526 {offsets = [6, 0], sizes = [1, 128], strides = [1, 1]} : vector<8x128xf32> to vector<1x128xf32>
    %dot_general3A_623 = arith.constant dense<0.000000e+00> : vector<128x1xf32>
    %dot_general3A_624 = tpu.matmul %convert_element_type3A_25, %slice3A_622, %dot_general3A_623 {dimension_numbers = #tpu.dot_dimension_numbers<[1], [1], [0], [0], [0, 0, 1, 0], [], []>, transpose_lhs_hint = false} : vector<128x128xf32>, vector<1x128xf32>, vector<128x1xf32> -> vector<128x1xf32>
    %lt3A_625 = vector.broadcast %dot_general3A_624 : vector<128x1xf32> to vector<128x128xf32>
    %lt3A_626 = vector.broadcast %slice3A_622 : vector<1x128xf32> to vector<128x128xf32>
    %lt3A_627 = arith.cmpf olt, %lt3A_625, %lt3A_626 : vector<128x128xf32>
    %and3A_628 = vector.broadcast %lt3A_32 : vector<128x1xi1> to vector<128x128xi1>
    %and3A_629 = arith.andi %lt3A_627, %and3A_628 : vector<128x128xi1>
    %convert_element_type3A_630 = arith.extui %and3A_629 : vector<128x128xi1> to vector<128x128xi32>
    %convert_element_type3A_631 = arith.sitofp %convert_element_type3A_630 : vector<128x128xi32> to vector<128x128xf32>
    %reduce_sum3A_632 = arith.constant dense<0.000000e+00> : vector<128xf32>
    %reduce_sum3A_633 = vector.multi_reduction <add>, %convert_element_type3A_631, %reduce_sum3A_632 [0] : vector<128x128xf32> to vector<128xf32>
    %broadcast_in_dim3A_634 = vector.shape_cast %reduce_sum3A_633 : vector<128xf32> to vector<1x128xf32>
    %ge3A_635 = arith.constant 1.300000e+01 : f32
    %ge3A_636 = vector.broadcast %ge3A_635 : f32 to vector<1x128xf32>
    %ge3A_637 = arith.cmpf oge, %broadcast_in_dim3A_634, %ge3A_636 : vector<1x128xf32>
    %and3A_638 = arith.andi %ge3A_637, %lt3A_28 : vector<1x128xi1>
    %convert_element_type3A_639 = arith.extui %and3A_638 : vector<1x128xi1> to vector<1x128xi32>
    %convert_element_type3A_640 = arith.sitofp %convert_element_type3A_639 : vector<1x128xi32> to vector<1x128xf32>
    %slice3A_641 = vector.extract_strided_slice %mul3A_526 {offsets = [7, 0], sizes = [1, 128], strides = [1, 1]} : vector<8x128xf32> to vector<1x128xf32>
    %dot_general3A_642 = arith.constant dense<0.000000e+00> : vector<128x1xf32>
    %dot_general3A_643 = tpu.matmul %convert_element_type3A_25, %slice3A_641, %dot_general3A_642 {dimension_numbers = #tpu.dot_dimension_numbers<[1], [1], [0], [0], [0, 0, 1, 0], [], []>, transpose_lhs_hint = false} : vector<128x128xf32>, vector<1x128xf32>, vector<128x1xf32> -> vector<128x1xf32>
    %lt3A_644 = vector.broadcast %dot_general3A_643 : vector<128x1xf32> to vector<128x128xf32>
    %lt3A_645 = vector.broadcast %slice3A_641 : vector<1x128xf32> to vector<128x128xf32>
    %lt3A_646 = arith.cmpf olt, %lt3A_644, %lt3A_645 : vector<128x128xf32>
    %and3A_647 = vector.broadcast %lt3A_32 : vector<128x1xi1> to vector<128x128xi1>
    %and3A_648 = arith.andi %lt3A_646, %and3A_647 : vector<128x128xi1>
    %convert_element_type3A_649 = arith.extui %and3A_648 : vector<128x128xi1> to vector<128x128xi32>
    %convert_element_type3A_650 = arith.sitofp %convert_element_type3A_649 : vector<128x128xi32> to vector<128x128xf32>
    %reduce_sum3A_651 = arith.constant dense<0.000000e+00> : vector<128xf32>
    %reduce_sum3A_652 = vector.multi_reduction <add>, %convert_element_type3A_650, %reduce_sum3A_651 [0] : vector<128x128xf32> to vector<128xf32>
    %broadcast_in_dim3A_653 = vector.shape_cast %reduce_sum3A_652 : vector<128xf32> to vector<1x128xf32>
    %ge3A_654 = arith.constant 1.300000e+01 : f32
    %ge3A_655 = vector.broadcast %ge3A_654 : f32 to vector<1x128xf32>
    %ge3A_656 = arith.cmpf oge, %broadcast_in_dim3A_653, %ge3A_655 : vector<1x128xf32>
    %and3A_657 = arith.andi %ge3A_656, %lt3A_28 : vector<1x128xi1>
    %convert_element_type3A_658 = arith.extui %and3A_657 : vector<1x128xi1> to vector<1x128xi32>
    %convert_element_type3A_659 = arith.sitofp %convert_element_type3A_658 : vector<1x128xi32> to vector<1x128xf32>
    %concatenate3A_660 = tpu.concatenate %convert_element_type3A_545, %convert_element_type3A_564, %convert_element_type3A_583, %broadcast_in_dim3A_34, %convert_element_type3A_602, %convert_element_type3A_621, %convert_element_type3A_640, %convert_element_type3A_659 in 0 : vector<1x128xf32>, vector<1x128xf32>, vector<1x128xf32>, vector<1x128xf32>, vector<1x128xf32>, vector<1x128xf32>, vector<1x128xf32>, vector<1x128xf32> -> vector<8x128xf32>
    %reduce_sum3A_661 = arith.constant dense<0.000000e+00> : vector<8xf32>
    %reduce_sum3A_662 = vector.multi_reduction <add>, %concatenate3A_660, %reduce_sum3A_661 [1] : vector<8x128xf32> to vector<8xf32>
    %broadcast_in_dim3A_663 = vector.shape_cast %reduce_sum3A_662 : vector<8xf32> to vector<8x1xf32>
    %dot_general3A_664 = arith.constant dense<0.000000e+00> : vector<8x256xf32>
    %dot_general3A_665 = tpu.matmul %concatenate3A_660, %slice3A_510, %dot_general3A_664 {dimension_numbers = #tpu.dot_dimension_numbers<[1], [0], [0], [1], [0, 0, 1, 1], [], []>, transpose_lhs_hint = false} : vector<8x128xf32>, vector<128x256xf32>, vector<8x256xf32> -> vector<8x256xf32>
    %max3A_666 = arith.constant 1.000000e+00 : f32
    %max3A_667 = vector.broadcast %max3A_666 : f32 to vector<8x1xf32>
    %max3A_668 = arith.maximumf %broadcast_in_dim3A_663, %max3A_667 : vector<8x1xf32>
    %div3A_669 = vector.broadcast %max3A_668 : vector<8x1xf32> to vector<8x256xf32>
    %div3A_670 = arith.divf %dot_general3A_665, %div3A_669 : vector<8x256xf32>
    %slice3A_671 = vector.extract_strided_slice %get3A_17 {offsets = [512, 0], sizes = [128, 256], strides = [1, 1]} : vector<1024x256xf32> to vector<128x256xf32>
    %slice3A_672 = vector.extract_strided_slice %dot_general3A_21 {offsets = [0, 512], sizes = [8, 128], strides = [1, 1]} : vector<8x1024xf32> to vector<8x128xf32>
    %mul3A_673 = arith.mulf %slice3A_671, %slice3A_671 : vector<128x256xf32>
    %dot_general3A_674 = arith.constant dense<0.000000e+00> : vector<1x128xf32>
    %dot_general3A_675 = tpu.matmul %broadcast_in_dim3A_23, %mul3A_673, %dot_general3A_674 {dimension_numbers = #tpu.dot_dimension_numbers<[1], [1], [0], [0], [0, 0, 1, 0], [], []>, transpose_lhs_hint = false} : vector<1x256xf32>, vector<128x256xf32>, vector<1x128xf32> -> vector<1x128xf32>
    %sqrt3A_676 = math.sqrt %dot_general3A_675 : vector<1x128xf32>
    %max3A_677 = arith.constant 9.99999993E-9 : f32
    %max3A_678 = vector.broadcast %max3A_677 : f32 to vector<1x128xf32>
    %max3A_679 = arith.maximumf %sqrt3A_676, %max3A_678 : vector<1x128xf32>
    %div3A_680 = arith.constant 1.000000e+00 : f32
    %div3A_681 = vector.broadcast %div3A_680 : f32 to vector<1x128xf32>
    %div3A_682 = arith.divf %div3A_681, %max3A_679 : vector<1x128xf32>
    %slice3A_683 = vector.extract_strided_slice %slice3A_672 {offsets = [4, 0], sizes = [1, 128], strides = [1, 1]} : vector<8x128xf32> to vector<1x128xf32>
    %sub3A_684 = vector.broadcast %slice3A_683 : vector<1x128xf32> to vector<8x128xf32>
    %sub3A_685 = arith.subf %sub3A_684, %slice3A_672 : vector<8x128xf32>
    %mul3A_686 = vector.broadcast %div3A_682 : vector<1x128xf32> to vector<8x128xf32>
    %mul3A_687 = arith.mulf %sub3A_685, %mul3A_686 : vector<8x128xf32>
    %slice3A_688 = vector.extract_strided_slice %mul3A_687 {offsets = [0, 0], sizes = [1, 128], strides = [1, 1]} : vector<8x128xf32> to vector<1x128xf32>
    %dot_general3A_689 = arith.constant dense<0.000000e+00> : vector<128x1xf32>
    %dot_general3A_690 = tpu.matmul %convert_element_type3A_25, %slice3A_688, %dot_general3A_689 {dimension_numbers = #tpu.dot_dimension_numbers<[1], [1], [0], [0], [0, 0, 1, 0], [], []>, transpose_lhs_hint = false} : vector<128x128xf32>, vector<1x128xf32>, vector<128x1xf32> -> vector<128x1xf32>
    %lt3A_691 = vector.broadcast %dot_general3A_690 : vector<128x1xf32> to vector<128x128xf32>
    %lt3A_692 = vector.broadcast %slice3A_688 : vector<1x128xf32> to vector<128x128xf32>
    %lt3A_693 = arith.cmpf olt, %lt3A_691, %lt3A_692 : vector<128x128xf32>
    %and3A_694 = vector.broadcast %lt3A_32 : vector<128x1xi1> to vector<128x128xi1>
    %and3A_695 = arith.andi %lt3A_693, %and3A_694 : vector<128x128xi1>
    %convert_element_type3A_696 = arith.extui %and3A_695 : vector<128x128xi1> to vector<128x128xi32>
    %convert_element_type3A_697 = arith.sitofp %convert_element_type3A_696 : vector<128x128xi32> to vector<128x128xf32>
    %reduce_sum3A_698 = arith.constant dense<0.000000e+00> : vector<128xf32>
    %reduce_sum3A_699 = vector.multi_reduction <add>, %convert_element_type3A_697, %reduce_sum3A_698 [0] : vector<128x128xf32> to vector<128xf32>
    %broadcast_in_dim3A_700 = vector.shape_cast %reduce_sum3A_699 : vector<128xf32> to vector<1x128xf32>
    %ge3A_701 = arith.constant 1.300000e+01 : f32
    %ge3A_702 = vector.broadcast %ge3A_701 : f32 to vector<1x128xf32>
    %ge3A_703 = arith.cmpf oge, %broadcast_in_dim3A_700, %ge3A_702 : vector<1x128xf32>
    %and3A_704 = arith.andi %ge3A_703, %lt3A_28 : vector<1x128xi1>
    %convert_element_type3A_705 = arith.extui %and3A_704 : vector<1x128xi1> to vector<1x128xi32>
    %convert_element_type3A_706 = arith.sitofp %convert_element_type3A_705 : vector<1x128xi32> to vector<1x128xf32>
    %slice3A_707 = vector.extract_strided_slice %mul3A_687 {offsets = [1, 0], sizes = [1, 128], strides = [1, 1]} : vector<8x128xf32> to vector<1x128xf32>
    %dot_general3A_708 = arith.constant dense<0.000000e+00> : vector<128x1xf32>
    %dot_general3A_709 = tpu.matmul %convert_element_type3A_25, %slice3A_707, %dot_general3A_708 {dimension_numbers = #tpu.dot_dimension_numbers<[1], [1], [0], [0], [0, 0, 1, 0], [], []>, transpose_lhs_hint = false} : vector<128x128xf32>, vector<1x128xf32>, vector<128x1xf32> -> vector<128x1xf32>
    %lt3A_710 = vector.broadcast %dot_general3A_709 : vector<128x1xf32> to vector<128x128xf32>
    %lt3A_711 = vector.broadcast %slice3A_707 : vector<1x128xf32> to vector<128x128xf32>
    %lt3A_712 = arith.cmpf olt, %lt3A_710, %lt3A_711 : vector<128x128xf32>
    %and3A_713 = vector.broadcast %lt3A_32 : vector<128x1xi1> to vector<128x128xi1>
    %and3A_714 = arith.andi %lt3A_712, %and3A_713 : vector<128x128xi1>
    %convert_element_type3A_715 = arith.extui %and3A_714 : vector<128x128xi1> to vector<128x128xi32>
    %convert_element_type3A_716 = arith.sitofp %convert_element_type3A_715 : vector<128x128xi32> to vector<128x128xf32>
    %reduce_sum3A_717 = arith.constant dense<0.000000e+00> : vector<128xf32>
    %reduce_sum3A_718 = vector.multi_reduction <add>, %convert_element_type3A_716, %reduce_sum3A_717 [0] : vector<128x128xf32> to vector<128xf32>
    %broadcast_in_dim3A_719 = vector.shape_cast %reduce_sum3A_718 : vector<128xf32> to vector<1x128xf32>
    %ge3A_720 = arith.constant 1.300000e+01 : f32
    %ge3A_721 = vector.broadcast %ge3A_720 : f32 to vector<1x128xf32>
    %ge3A_722 = arith.cmpf oge, %broadcast_in_dim3A_719, %ge3A_721 : vector<1x128xf32>
    %and3A_723 = arith.andi %ge3A_722, %lt3A_28 : vector<1x128xi1>
    %convert_element_type3A_724 = arith.extui %and3A_723 : vector<1x128xi1> to vector<1x128xi32>
    %convert_element_type3A_725 = arith.sitofp %convert_element_type3A_724 : vector<1x128xi32> to vector<1x128xf32>
    %slice3A_726 = vector.extract_strided_slice %mul3A_687 {offsets = [2, 0], sizes = [1, 128], strides = [1, 1]} : vector<8x128xf32> to vector<1x128xf32>
    %dot_general3A_727 = arith.constant dense<0.000000e+00> : vector<128x1xf32>
    %dot_general3A_728 = tpu.matmul %convert_element_type3A_25, %slice3A_726, %dot_general3A_727 {dimension_numbers = #tpu.dot_dimension_numbers<[1], [1], [0], [0], [0, 0, 1, 0], [], []>, transpose_lhs_hint = false} : vector<128x128xf32>, vector<1x128xf32>, vector<128x1xf32> -> vector<128x1xf32>
    %lt3A_729 = vector.broadcast %dot_general3A_728 : vector<128x1xf32> to vector<128x128xf32>
    %lt3A_730 = vector.broadcast %slice3A_726 : vector<1x128xf32> to vector<128x128xf32>
    %lt3A_731 = arith.cmpf olt, %lt3A_729, %lt3A_730 : vector<128x128xf32>
    %and3A_732 = vector.broadcast %lt3A_32 : vector<128x1xi1> to vector<128x128xi1>
    %and3A_733 = arith.andi %lt3A_731, %and3A_732 : vector<128x128xi1>
    %convert_element_type3A_734 = arith.extui %and3A_733 : vector<128x128xi1> to vector<128x128xi32>
    %convert_element_type3A_735 = arith.sitofp %convert_element_type3A_734 : vector<128x128xi32> to vector<128x128xf32>
    %reduce_sum3A_736 = arith.constant dense<0.000000e+00> : vector<128xf32>
    %reduce_sum3A_737 = vector.multi_reduction <add>, %convert_element_type3A_735, %reduce_sum3A_736 [0] : vector<128x128xf32> to vector<128xf32>
    %broadcast_in_dim3A_738 = vector.shape_cast %reduce_sum3A_737 : vector<128xf32> to vector<1x128xf32>
    %ge3A_739 = arith.constant 1.300000e+01 : f32
    %ge3A_740 = vector.broadcast %ge3A_739 : f32 to vector<1x128xf32>
    %ge3A_741 = arith.cmpf oge, %broadcast_in_dim3A_738, %ge3A_740 : vector<1x128xf32>
    %and3A_742 = arith.andi %ge3A_741, %lt3A_28 : vector<1x128xi1>
    %convert_element_type3A_743 = arith.extui %and3A_742 : vector<1x128xi1> to vector<1x128xi32>
    %convert_element_type3A_744 = arith.sitofp %convert_element_type3A_743 : vector<1x128xi32> to vector<1x128xf32>
    %slice3A_745 = vector.extract_strided_slice %mul3A_687 {offsets = [3, 0], sizes = [1, 128], strides = [1, 1]} : vector<8x128xf32> to vector<1x128xf32>
    %dot_general3A_746 = arith.constant dense<0.000000e+00> : vector<128x1xf32>
    %dot_general3A_747 = tpu.matmul %convert_element_type3A_25, %slice3A_745, %dot_general3A_746 {dimension_numbers = #tpu.dot_dimension_numbers<[1], [1], [0], [0], [0, 0, 1, 0], [], []>, transpose_lhs_hint = false} : vector<128x128xf32>, vector<1x128xf32>, vector<128x1xf32> -> vector<128x1xf32>
    %lt3A_748 = vector.broadcast %dot_general3A_747 : vector<128x1xf32> to vector<128x128xf32>
    %lt3A_749 = vector.broadcast %slice3A_745 : vector<1x128xf32> to vector<128x128xf32>
    %lt3A_750 = arith.cmpf olt, %lt3A_748, %lt3A_749 : vector<128x128xf32>
    %and3A_751 = vector.broadcast %lt3A_32 : vector<128x1xi1> to vector<128x128xi1>
    %and3A_752 = arith.andi %lt3A_750, %and3A_751 : vector<128x128xi1>
    %convert_element_type3A_753 = arith.extui %and3A_752 : vector<128x128xi1> to vector<128x128xi32>
    %convert_element_type3A_754 = arith.sitofp %convert_element_type3A_753 : vector<128x128xi32> to vector<128x128xf32>
    %reduce_sum3A_755 = arith.constant dense<0.000000e+00> : vector<128xf32>
    %reduce_sum3A_756 = vector.multi_reduction <add>, %convert_element_type3A_754, %reduce_sum3A_755 [0] : vector<128x128xf32> to vector<128xf32>
    %broadcast_in_dim3A_757 = vector.shape_cast %reduce_sum3A_756 : vector<128xf32> to vector<1x128xf32>
    %ge3A_758 = arith.constant 1.300000e+01 : f32
    %ge3A_759 = vector.broadcast %ge3A_758 : f32 to vector<1x128xf32>
    %ge3A_760 = arith.cmpf oge, %broadcast_in_dim3A_757, %ge3A_759 : vector<1x128xf32>
    %and3A_761 = arith.andi %ge3A_760, %lt3A_28 : vector<1x128xi1>
    %convert_element_type3A_762 = arith.extui %and3A_761 : vector<1x128xi1> to vector<1x128xi32>
    %convert_element_type3A_763 = arith.sitofp %convert_element_type3A_762 : vector<1x128xi32> to vector<1x128xf32>
    %slice3A_764 = vector.extract_strided_slice %mul3A_687 {offsets = [5, 0], sizes = [1, 128], strides = [1, 1]} : vector<8x128xf32> to vector<1x128xf32>
    %dot_general3A_765 = arith.constant dense<0.000000e+00> : vector<128x1xf32>
    %dot_general3A_766 = tpu.matmul %convert_element_type3A_25, %slice3A_764, %dot_general3A_765 {dimension_numbers = #tpu.dot_dimension_numbers<[1], [1], [0], [0], [0, 0, 1, 0], [], []>, transpose_lhs_hint = false} : vector<128x128xf32>, vector<1x128xf32>, vector<128x1xf32> -> vector<128x1xf32>
    %lt3A_767 = vector.broadcast %dot_general3A_766 : vector<128x1xf32> to vector<128x128xf32>
    %lt3A_768 = vector.broadcast %slice3A_764 : vector<1x128xf32> to vector<128x128xf32>
    %lt3A_769 = arith.cmpf olt, %lt3A_767, %lt3A_768 : vector<128x128xf32>
    %and3A_770 = vector.broadcast %lt3A_32 : vector<128x1xi1> to vector<128x128xi1>
    %and3A_771 = arith.andi %lt3A_769, %and3A_770 : vector<128x128xi1>
    %convert_element_type3A_772 = arith.extui %and3A_771 : vector<128x128xi1> to vector<128x128xi32>
    %convert_element_type3A_773 = arith.sitofp %convert_element_type3A_772 : vector<128x128xi32> to vector<128x128xf32>
    %reduce_sum3A_774 = arith.constant dense<0.000000e+00> : vector<128xf32>
    %reduce_sum3A_775 = vector.multi_reduction <add>, %convert_element_type3A_773, %reduce_sum3A_774 [0] : vector<128x128xf32> to vector<128xf32>
    %broadcast_in_dim3A_776 = vector.shape_cast %reduce_sum3A_775 : vector<128xf32> to vector<1x128xf32>
    %ge3A_777 = arith.constant 1.300000e+01 : f32
    %ge3A_778 = vector.broadcast %ge3A_777 : f32 to vector<1x128xf32>
    %ge3A_779 = arith.cmpf oge, %broadcast_in_dim3A_776, %ge3A_778 : vector<1x128xf32>
    %and3A_780 = arith.andi %ge3A_779, %lt3A_28 : vector<1x128xi1>
    %convert_element_type3A_781 = arith.extui %and3A_780 : vector<1x128xi1> to vector<1x128xi32>
    %convert_element_type3A_782 = arith.sitofp %convert_element_type3A_781 : vector<1x128xi32> to vector<1x128xf32>
    %slice3A_783 = vector.extract_strided_slice %mul3A_687 {offsets = [6, 0], sizes = [1, 128], strides = [1, 1]} : vector<8x128xf32> to vector<1x128xf32>
    %dot_general3A_784 = arith.constant dense<0.000000e+00> : vector<128x1xf32>
    %dot_general3A_785 = tpu.matmul %convert_element_type3A_25, %slice3A_783, %dot_general3A_784 {dimension_numbers = #tpu.dot_dimension_numbers<[1], [1], [0], [0], [0, 0, 1, 0], [], []>, transpose_lhs_hint = false} : vector<128x128xf32>, vector<1x128xf32>, vector<128x1xf32> -> vector<128x1xf32>
    %lt3A_786 = vector.broadcast %dot_general3A_785 : vector<128x1xf32> to vector<128x128xf32>
    %lt3A_787 = vector.broadcast %slice3A_783 : vector<1x128xf32> to vector<128x128xf32>
    %lt3A_788 = arith.cmpf olt, %lt3A_786, %lt3A_787 : vector<128x128xf32>
    %and3A_789 = vector.broadcast %lt3A_32 : vector<128x1xi1> to vector<128x128xi1>
    %and3A_790 = arith.andi %lt3A_788, %and3A_789 : vector<128x128xi1>
    %convert_element_type3A_791 = arith.extui %and3A_790 : vector<128x128xi1> to vector<128x128xi32>
    %convert_element_type3A_792 = arith.sitofp %convert_element_type3A_791 : vector<128x128xi32> to vector<128x128xf32>
    %reduce_sum3A_793 = arith.constant dense<0.000000e+00> : vector<128xf32>
    %reduce_sum3A_794 = vector.multi_reduction <add>, %convert_element_type3A_792, %reduce_sum3A_793 [0] : vector<128x128xf32> to vector<128xf32>
    %broadcast_in_dim3A_795 = vector.shape_cast %reduce_sum3A_794 : vector<128xf32> to vector<1x128xf32>
    %ge3A_796 = arith.constant 1.300000e+01 : f32
    %ge3A_797 = vector.broadcast %ge3A_796 : f32 to vector<1x128xf32>
    %ge3A_798 = arith.cmpf oge, %broadcast_in_dim3A_795, %ge3A_797 : vector<1x128xf32>
    %and3A_799 = arith.andi %ge3A_798, %lt3A_28 : vector<1x128xi1>
    %convert_element_type3A_800 = arith.extui %and3A_799 : vector<1x128xi1> to vector<1x128xi32>
    %convert_element_type3A_801 = arith.sitofp %convert_element_type3A_800 : vector<1x128xi32> to vector<1x128xf32>
    %slice3A_802 = vector.extract_strided_slice %mul3A_687 {offsets = [7, 0], sizes = [1, 128], strides = [1, 1]} : vector<8x128xf32> to vector<1x128xf32>
    %dot_general3A_803 = arith.constant dense<0.000000e+00> : vector<128x1xf32>
    %dot_general3A_804 = tpu.matmul %convert_element_type3A_25, %slice3A_802, %dot_general3A_803 {dimension_numbers = #tpu.dot_dimension_numbers<[1], [1], [0], [0], [0, 0, 1, 0], [], []>, transpose_lhs_hint = false} : vector<128x128xf32>, vector<1x128xf32>, vector<128x1xf32> -> vector<128x1xf32>
    %lt3A_805 = vector.broadcast %dot_general3A_804 : vector<128x1xf32> to vector<128x128xf32>
    %lt3A_806 = vector.broadcast %slice3A_802 : vector<1x128xf32> to vector<128x128xf32>
    %lt3A_807 = arith.cmpf olt, %lt3A_805, %lt3A_806 : vector<128x128xf32>
    %and3A_808 = vector.broadcast %lt3A_32 : vector<128x1xi1> to vector<128x128xi1>
    %and3A_809 = arith.andi %lt3A_807, %and3A_808 : vector<128x128xi1>
    %convert_element_type3A_810 = arith.extui %and3A_809 : vector<128x128xi1> to vector<128x128xi32>
    %convert_element_type3A_811 = arith.sitofp %convert_element_type3A_810 : vector<128x128xi32> to vector<128x128xf32>
    %reduce_sum3A_812 = arith.constant dense<0.000000e+00> : vector<128xf32>
    %reduce_sum3A_813 = vector.multi_reduction <add>, %convert_element_type3A_811, %reduce_sum3A_812 [0] : vector<128x128xf32> to vector<128xf32>
    %broadcast_in_dim3A_814 = vector.shape_cast %reduce_sum3A_813 : vector<128xf32> to vector<1x128xf32>
    %ge3A_815 = arith.constant 1.300000e+01 : f32
    %ge3A_816 = vector.broadcast %ge3A_815 : f32 to vector<1x128xf32>
    %ge3A_817 = arith.cmpf oge, %broadcast_in_dim3A_814, %ge3A_816 : vector<1x128xf32>
    %and3A_818 = arith.andi %ge3A_817, %lt3A_28 : vector<1x128xi1>
    %convert_element_type3A_819 = arith.extui %and3A_818 : vector<1x128xi1> to vector<1x128xi32>
    %convert_element_type3A_820 = arith.sitofp %convert_element_type3A_819 : vector<1x128xi32> to vector<1x128xf32>
    %concatenate3A_821 = tpu.concatenate %convert_element_type3A_706, %convert_element_type3A_725, %convert_element_type3A_744, %convert_element_type3A_763, %broadcast_in_dim3A_34, %convert_element_type3A_782, %convert_element_type3A_801, %convert_element_type3A_820 in 0 : vector<1x128xf32>, vector<1x128xf32>, vector<1x128xf32>, vector<1x128xf32>, vector<1x128xf32>, vector<1x128xf32>, vector<1x128xf32>, vector<1x128xf32> -> vector<8x128xf32>
    %reduce_sum3A_822 = arith.constant dense<0.000000e+00> : vector<8xf32>
    %reduce_sum3A_823 = vector.multi_reduction <add>, %concatenate3A_821, %reduce_sum3A_822 [1] : vector<8x128xf32> to vector<8xf32>
    %broadcast_in_dim3A_824 = vector.shape_cast %reduce_sum3A_823 : vector<8xf32> to vector<8x1xf32>
    %dot_general3A_825 = arith.constant dense<0.000000e+00> : vector<8x256xf32>
    %dot_general3A_826 = tpu.matmul %concatenate3A_821, %slice3A_671, %dot_general3A_825 {dimension_numbers = #tpu.dot_dimension_numbers<[1], [0], [0], [1], [0, 0, 1, 1], [], []>, transpose_lhs_hint = false} : vector<8x128xf32>, vector<128x256xf32>, vector<8x256xf32> -> vector<8x256xf32>
    %max3A_827 = arith.constant 1.000000e+00 : f32
    %max3A_828 = vector.broadcast %max3A_827 : f32 to vector<8x1xf32>
    %max3A_829 = arith.maximumf %broadcast_in_dim3A_824, %max3A_828 : vector<8x1xf32>
    %div3A_830 = vector.broadcast %max3A_829 : vector<8x1xf32> to vector<8x256xf32>
    %div3A_831 = arith.divf %dot_general3A_826, %div3A_830 : vector<8x256xf32>
    %slice3A_832 = vector.extract_strided_slice %get3A_17 {offsets = [640, 0], sizes = [128, 256], strides = [1, 1]} : vector<1024x256xf32> to vector<128x256xf32>
    %slice3A_833 = vector.extract_strided_slice %dot_general3A_21 {offsets = [0, 640], sizes = [8, 128], strides = [1, 1]} : vector<8x1024xf32> to vector<8x128xf32>
    %mul3A_834 = arith.mulf %slice3A_832, %slice3A_832 : vector<128x256xf32>
    %dot_general3A_835 = arith.constant dense<0.000000e+00> : vector<1x128xf32>
    %dot_general3A_836 = tpu.matmul %broadcast_in_dim3A_23, %mul3A_834, %dot_general3A_835 {dimension_numbers = #tpu.dot_dimension_numbers<[1], [1], [0], [0], [0, 0, 1, 0], [], []>, transpose_lhs_hint = false} : vector<1x256xf32>, vector<128x256xf32>, vector<1x128xf32> -> vector<1x128xf32>
    %sqrt3A_837 = math.sqrt %dot_general3A_836 : vector<1x128xf32>
    %max3A_838 = arith.constant 9.99999993E-9 : f32
    %max3A_839 = vector.broadcast %max3A_838 : f32 to vector<1x128xf32>
    %max3A_840 = arith.maximumf %sqrt3A_837, %max3A_839 : vector<1x128xf32>
    %div3A_841 = arith.constant 1.000000e+00 : f32
    %div3A_842 = vector.broadcast %div3A_841 : f32 to vector<1x128xf32>
    %div3A_843 = arith.divf %div3A_842, %max3A_840 : vector<1x128xf32>
    %slice3A_844 = vector.extract_strided_slice %slice3A_833 {offsets = [5, 0], sizes = [1, 128], strides = [1, 1]} : vector<8x128xf32> to vector<1x128xf32>
    %sub3A_845 = vector.broadcast %slice3A_844 : vector<1x128xf32> to vector<8x128xf32>
    %sub3A_846 = arith.subf %sub3A_845, %slice3A_833 : vector<8x128xf32>
    %mul3A_847 = vector.broadcast %div3A_843 : vector<1x128xf32> to vector<8x128xf32>
    %mul3A_848 = arith.mulf %sub3A_846, %mul3A_847 : vector<8x128xf32>
    %slice3A_849 = vector.extract_strided_slice %mul3A_848 {offsets = [0, 0], sizes = [1, 128], strides = [1, 1]} : vector<8x128xf32> to vector<1x128xf32>
    %dot_general3A_850 = arith.constant dense<0.000000e+00> : vector<128x1xf32>
    %dot_general3A_851 = tpu.matmul %convert_element_type3A_25, %slice3A_849, %dot_general3A_850 {dimension_numbers = #tpu.dot_dimension_numbers<[1], [1], [0], [0], [0, 0, 1, 0], [], []>, transpose_lhs_hint = false} : vector<128x128xf32>, vector<1x128xf32>, vector<128x1xf32> -> vector<128x1xf32>
    %lt3A_852 = vector.broadcast %dot_general3A_851 : vector<128x1xf32> to vector<128x128xf32>
    %lt3A_853 = vector.broadcast %slice3A_849 : vector<1x128xf32> to vector<128x128xf32>
    %lt3A_854 = arith.cmpf olt, %lt3A_852, %lt3A_853 : vector<128x128xf32>
    %and3A_855 = vector.broadcast %lt3A_32 : vector<128x1xi1> to vector<128x128xi1>
    %and3A_856 = arith.andi %lt3A_854, %and3A_855 : vector<128x128xi1>
    %convert_element_type3A_857 = arith.extui %and3A_856 : vector<128x128xi1> to vector<128x128xi32>
    %convert_element_type3A_858 = arith.sitofp %convert_element_type3A_857 : vector<128x128xi32> to vector<128x128xf32>
    %reduce_sum3A_859 = arith.constant dense<0.000000e+00> : vector<128xf32>
    %reduce_sum3A_860 = vector.multi_reduction <add>, %convert_element_type3A_858, %reduce_sum3A_859 [0] : vector<128x128xf32> to vector<128xf32>
    %broadcast_in_dim3A_861 = vector.shape_cast %reduce_sum3A_860 : vector<128xf32> to vector<1x128xf32>
    %ge3A_862 = arith.constant 1.300000e+01 : f32
    %ge3A_863 = vector.broadcast %ge3A_862 : f32 to vector<1x128xf32>
    %ge3A_864 = arith.cmpf oge, %broadcast_in_dim3A_861, %ge3A_863 : vector<1x128xf32>
    %and3A_865 = arith.andi %ge3A_864, %lt3A_28 : vector<1x128xi1>
    %convert_element_type3A_866 = arith.extui %and3A_865 : vector<1x128xi1> to vector<1x128xi32>
    %convert_element_type3A_867 = arith.sitofp %convert_element_type3A_866 : vector<1x128xi32> to vector<1x128xf32>
    %slice3A_868 = vector.extract_strided_slice %mul3A_848 {offsets = [1, 0], sizes = [1, 128], strides = [1, 1]} : vector<8x128xf32> to vector<1x128xf32>
    %dot_general3A_869 = arith.constant dense<0.000000e+00> : vector<128x1xf32>
    %dot_general3A_870 = tpu.matmul %convert_element_type3A_25, %slice3A_868, %dot_general3A_869 {dimension_numbers = #tpu.dot_dimension_numbers<[1], [1], [0], [0], [0, 0, 1, 0], [], []>, transpose_lhs_hint = false} : vector<128x128xf32>, vector<1x128xf32>, vector<128x1xf32> -> vector<128x1xf32>
    %lt3A_871 = vector.broadcast %dot_general3A_870 : vector<128x1xf32> to vector<128x128xf32>
    %lt3A_872 = vector.broadcast %slice3A_868 : vector<1x128xf32> to vector<128x128xf32>
    %lt3A_873 = arith.cmpf olt, %lt3A_871, %lt3A_872 : vector<128x128xf32>
    %and3A_874 = vector.broadcast %lt3A_32 : vector<128x1xi1> to vector<128x128xi1>
    %and3A_875 = arith.andi %lt3A_873, %and3A_874 : vector<128x128xi1>
    %convert_element_type3A_876 = arith.extui %and3A_875 : vector<128x128xi1> to vector<128x128xi32>
    %convert_element_type3A_877 = arith.sitofp %convert_element_type3A_876 : vector<128x128xi32> to vector<128x128xf32>
    %reduce_sum3A_878 = arith.constant dense<0.000000e+00> : vector<128xf32>
    %reduce_sum3A_879 = vector.multi_reduction <add>, %convert_element_type3A_877, %reduce_sum3A_878 [0] : vector<128x128xf32> to vector<128xf32>
    %broadcast_in_dim3A_880 = vector.shape_cast %reduce_sum3A_879 : vector<128xf32> to vector<1x128xf32>
    %ge3A_881 = arith.constant 1.300000e+01 : f32
    %ge3A_882 = vector.broadcast %ge3A_881 : f32 to vector<1x128xf32>
    %ge3A_883 = arith.cmpf oge, %broadcast_in_dim3A_880, %ge3A_882 : vector<1x128xf32>
    %and3A_884 = arith.andi %ge3A_883, %lt3A_28 : vector<1x128xi1>
    %convert_element_type3A_885 = arith.extui %and3A_884 : vector<1x128xi1> to vector<1x128xi32>
    %convert_element_type3A_886 = arith.sitofp %convert_element_type3A_885 : vector<1x128xi32> to vector<1x128xf32>
    %slice3A_887 = vector.extract_strided_slice %mul3A_848 {offsets = [2, 0], sizes = [1, 128], strides = [1, 1]} : vector<8x128xf32> to vector<1x128xf32>
    %dot_general3A_888 = arith.constant dense<0.000000e+00> : vector<128x1xf32>
    %dot_general3A_889 = tpu.matmul %convert_element_type3A_25, %slice3A_887, %dot_general3A_888 {dimension_numbers = #tpu.dot_dimension_numbers<[1], [1], [0], [0], [0, 0, 1, 0], [], []>, transpose_lhs_hint = false} : vector<128x128xf32>, vector<1x128xf32>, vector<128x1xf32> -> vector<128x1xf32>
    %lt3A_890 = vector.broadcast %dot_general3A_889 : vector<128x1xf32> to vector<128x128xf32>
    %lt3A_891 = vector.broadcast %slice3A_887 : vector<1x128xf32> to vector<128x128xf32>
    %lt3A_892 = arith.cmpf olt, %lt3A_890, %lt3A_891 : vector<128x128xf32>
    %and3A_893 = vector.broadcast %lt3A_32 : vector<128x1xi1> to vector<128x128xi1>
    %and3A_894 = arith.andi %lt3A_892, %and3A_893 : vector<128x128xi1>
    %convert_element_type3A_895 = arith.extui %and3A_894 : vector<128x128xi1> to vector<128x128xi32>
    %convert_element_type3A_896 = arith.sitofp %convert_element_type3A_895 : vector<128x128xi32> to vector<128x128xf32>
    %reduce_sum3A_897 = arith.constant dense<0.000000e+00> : vector<128xf32>
    %reduce_sum3A_898 = vector.multi_reduction <add>, %convert_element_type3A_896, %reduce_sum3A_897 [0] : vector<128x128xf32> to vector<128xf32>
    %broadcast_in_dim3A_899 = vector.shape_cast %reduce_sum3A_898 : vector<128xf32> to vector<1x128xf32>
    %ge3A_900 = arith.constant 1.300000e+01 : f32
    %ge3A_901 = vector.broadcast %ge3A_900 : f32 to vector<1x128xf32>
    %ge3A_902 = arith.cmpf oge, %broadcast_in_dim3A_899, %ge3A_901 : vector<1x128xf32>
    %and3A_903 = arith.andi %ge3A_902, %lt3A_28 : vector<1x128xi1>
    %convert_element_type3A_904 = arith.extui %and3A_903 : vector<1x128xi1> to vector<1x128xi32>
    %convert_element_type3A_905 = arith.sitofp %convert_element_type3A_904 : vector<1x128xi32> to vector<1x128xf32>
    %slice3A_906 = vector.extract_strided_slice %mul3A_848 {offsets = [3, 0], sizes = [1, 128], strides = [1, 1]} : vector<8x128xf32> to vector<1x128xf32>
    %dot_general3A_907 = arith.constant dense<0.000000e+00> : vector<128x1xf32>
    %dot_general3A_908 = tpu.matmul %convert_element_type3A_25, %slice3A_906, %dot_general3A_907 {dimension_numbers = #tpu.dot_dimension_numbers<[1], [1], [0], [0], [0, 0, 1, 0], [], []>, transpose_lhs_hint = false} : vector<128x128xf32>, vector<1x128xf32>, vector<128x1xf32> -> vector<128x1xf32>
    %lt3A_909 = vector.broadcast %dot_general3A_908 : vector<128x1xf32> to vector<128x128xf32>
    %lt3A_910 = vector.broadcast %slice3A_906 : vector<1x128xf32> to vector<128x128xf32>
    %lt3A_911 = arith.cmpf olt, %lt3A_909, %lt3A_910 : vector<128x128xf32>
    %and3A_912 = vector.broadcast %lt3A_32 : vector<128x1xi1> to vector<128x128xi1>
    %and3A_913 = arith.andi %lt3A_911, %and3A_912 : vector<128x128xi1>
    %convert_element_type3A_914 = arith.extui %and3A_913 : vector<128x128xi1> to vector<128x128xi32>
    %convert_element_type3A_915 = arith.sitofp %convert_element_type3A_914 : vector<128x128xi32> to vector<128x128xf32>
    %reduce_sum3A_916 = arith.constant dense<0.000000e+00> : vector<128xf32>
    %reduce_sum3A_917 = vector.multi_reduction <add>, %convert_element_type3A_915, %reduce_sum3A_916 [0] : vector<128x128xf32> to vector<128xf32>
    %broadcast_in_dim3A_918 = vector.shape_cast %reduce_sum3A_917 : vector<128xf32> to vector<1x128xf32>
    %ge3A_919 = arith.constant 1.300000e+01 : f32
    %ge3A_920 = vector.broadcast %ge3A_919 : f32 to vector<1x128xf32>
    %ge3A_921 = arith.cmpf oge, %broadcast_in_dim3A_918, %ge3A_920 : vector<1x128xf32>
    %and3A_922 = arith.andi %ge3A_921, %lt3A_28 : vector<1x128xi1>
    %convert_element_type3A_923 = arith.extui %and3A_922 : vector<1x128xi1> to vector<1x128xi32>
    %convert_element_type3A_924 = arith.sitofp %convert_element_type3A_923 : vector<1x128xi32> to vector<1x128xf32>
    %slice3A_925 = vector.extract_strided_slice %mul3A_848 {offsets = [4, 0], sizes = [1, 128], strides = [1, 1]} : vector<8x128xf32> to vector<1x128xf32>
    %dot_general3A_926 = arith.constant dense<0.000000e+00> : vector<128x1xf32>
    %dot_general3A_927 = tpu.matmul %convert_element_type3A_25, %slice3A_925, %dot_general3A_926 {dimension_numbers = #tpu.dot_dimension_numbers<[1], [1], [0], [0], [0, 0, 1, 0], [], []>, transpose_lhs_hint = false} : vector<128x128xf32>, vector<1x128xf32>, vector<128x1xf32> -> vector<128x1xf32>
    %lt3A_928 = vector.broadcast %dot_general3A_927 : vector<128x1xf32> to vector<128x128xf32>
    %lt3A_929 = vector.broadcast %slice3A_925 : vector<1x128xf32> to vector<128x128xf32>
    %lt3A_930 = arith.cmpf olt, %lt3A_928, %lt3A_929 : vector<128x128xf32>
    %and3A_931 = vector.broadcast %lt3A_32 : vector<128x1xi1> to vector<128x128xi1>
    %and3A_932 = arith.andi %lt3A_930, %and3A_931 : vector<128x128xi1>
    %convert_element_type3A_933 = arith.extui %and3A_932 : vector<128x128xi1> to vector<128x128xi32>
    %convert_element_type3A_934 = arith.sitofp %convert_element_type3A_933 : vector<128x128xi32> to vector<128x128xf32>
    %reduce_sum3A_935 = arith.constant dense<0.000000e+00> : vector<128xf32>
    %reduce_sum3A_936 = vector.multi_reduction <add>, %convert_element_type3A_934, %reduce_sum3A_935 [0] : vector<128x128xf32> to vector<128xf32>
    %broadcast_in_dim3A_937 = vector.shape_cast %reduce_sum3A_936 : vector<128xf32> to vector<1x128xf32>
    %ge3A_938 = arith.constant 1.300000e+01 : f32
    %ge3A_939 = vector.broadcast %ge3A_938 : f32 to vector<1x128xf32>
    %ge3A_940 = arith.cmpf oge, %broadcast_in_dim3A_937, %ge3A_939 : vector<1x128xf32>
    %and3A_941 = arith.andi %ge3A_940, %lt3A_28 : vector<1x128xi1>
    %convert_element_type3A_942 = arith.extui %and3A_941 : vector<1x128xi1> to vector<1x128xi32>
    %convert_element_type3A_943 = arith.sitofp %convert_element_type3A_942 : vector<1x128xi32> to vector<1x128xf32>
    %slice3A_944 = vector.extract_strided_slice %mul3A_848 {offsets = [6, 0], sizes = [1, 128], strides = [1, 1]} : vector<8x128xf32> to vector<1x128xf32>
    %dot_general3A_945 = arith.constant dense<0.000000e+00> : vector<128x1xf32>
    %dot_general3A_946 = tpu.matmul %convert_element_type3A_25, %slice3A_944, %dot_general3A_945 {dimension_numbers = #tpu.dot_dimension_numbers<[1], [1], [0], [0], [0, 0, 1, 0], [], []>, transpose_lhs_hint = false} : vector<128x128xf32>, vector<1x128xf32>, vector<128x1xf32> -> vector<128x1xf32>
    %lt3A_947 = vector.broadcast %dot_general3A_946 : vector<128x1xf32> to vector<128x128xf32>
    %lt3A_948 = vector.broadcast %slice3A_944 : vector<1x128xf32> to vector<128x128xf32>
    %lt3A_949 = arith.cmpf olt, %lt3A_947, %lt3A_948 : vector<128x128xf32>
    %and3A_950 = vector.broadcast %lt3A_32 : vector<128x1xi1> to vector<128x128xi1>
    %and3A_951 = arith.andi %lt3A_949, %and3A_950 : vector<128x128xi1>
    %convert_element_type3A_952 = arith.extui %and3A_951 : vector<128x128xi1> to vector<128x128xi32>
    %convert_element_type3A_953 = arith.sitofp %convert_element_type3A_952 : vector<128x128xi32> to vector<128x128xf32>
    %reduce_sum3A_954 = arith.constant dense<0.000000e+00> : vector<128xf32>
    %reduce_sum3A_955 = vector.multi_reduction <add>, %convert_element_type3A_953, %reduce_sum3A_954 [0] : vector<128x128xf32> to vector<128xf32>
    %broadcast_in_dim3A_956 = vector.shape_cast %reduce_sum3A_955 : vector<128xf32> to vector<1x128xf32>
    %ge3A_957 = arith.constant 1.300000e+01 : f32
    %ge3A_958 = vector.broadcast %ge3A_957 : f32 to vector<1x128xf32>
    %ge3A_959 = arith.cmpf oge, %broadcast_in_dim3A_956, %ge3A_958 : vector<1x128xf32>
    %and3A_960 = arith.andi %ge3A_959, %lt3A_28 : vector<1x128xi1>
    %convert_element_type3A_961 = arith.extui %and3A_960 : vector<1x128xi1> to vector<1x128xi32>
    %convert_element_type3A_962 = arith.sitofp %convert_element_type3A_961 : vector<1x128xi32> to vector<1x128xf32>
    %slice3A_963 = vector.extract_strided_slice %mul3A_848 {offsets = [7, 0], sizes = [1, 128], strides = [1, 1]} : vector<8x128xf32> to vector<1x128xf32>
    %dot_general3A_964 = arith.constant dense<0.000000e+00> : vector<128x1xf32>
    %dot_general3A_965 = tpu.matmul %convert_element_type3A_25, %slice3A_963, %dot_general3A_964 {dimension_numbers = #tpu.dot_dimension_numbers<[1], [1], [0], [0], [0, 0, 1, 0], [], []>, transpose_lhs_hint = false} : vector<128x128xf32>, vector<1x128xf32>, vector<128x1xf32> -> vector<128x1xf32>
    %lt3A_966 = vector.broadcast %dot_general3A_965 : vector<128x1xf32> to vector<128x128xf32>
    %lt3A_967 = vector.broadcast %slice3A_963 : vector<1x128xf32> to vector<128x128xf32>
    %lt3A_968 = arith.cmpf olt, %lt3A_966, %lt3A_967 : vector<128x128xf32>
    %and3A_969 = vector.broadcast %lt3A_32 : vector<128x1xi1> to vector<128x128xi1>
    %and3A_970 = arith.andi %lt3A_968, %and3A_969 : vector<128x128xi1>
    %convert_element_type3A_971 = arith.extui %and3A_970 : vector<128x128xi1> to vector<128x128xi32>
    %convert_element_type3A_972 = arith.sitofp %convert_element_type3A_971 : vector<128x128xi32> to vector<128x128xf32>
    %reduce_sum3A_973 = arith.constant dense<0.000000e+00> : vector<128xf32>
    %reduce_sum3A_974 = vector.multi_reduction <add>, %convert_element_type3A_972, %reduce_sum3A_973 [0] : vector<128x128xf32> to vector<128xf32>
    %broadcast_in_dim3A_975 = vector.shape_cast %reduce_sum3A_974 : vector<128xf32> to vector<1x128xf32>
    %ge3A_976 = arith.constant 1.300000e+01 : f32
    %ge3A_977 = vector.broadcast %ge3A_976 : f32 to vector<1x128xf32>
    %ge3A_978 = arith.cmpf oge, %broadcast_in_dim3A_975, %ge3A_977 : vector<1x128xf32>
    %and3A_979 = arith.andi %ge3A_978, %lt3A_28 : vector<1x128xi1>
    %convert_element_type3A_980 = arith.extui %and3A_979 : vector<1x128xi1> to vector<1x128xi32>
    %convert_element_type3A_981 = arith.sitofp %convert_element_type3A_980 : vector<1x128xi32> to vector<1x128xf32>
    %concatenate3A_982 = tpu.concatenate %convert_element_type3A_867, %convert_element_type3A_886, %convert_element_type3A_905, %convert_element_type3A_924, %convert_element_type3A_943, %broadcast_in_dim3A_34, %convert_element_type3A_962, %convert_element_type3A_981 in 0 : vector<1x128xf32>, vector<1x128xf32>, vector<1x128xf32>, vector<1x128xf32>, vector<1x128xf32>, vector<1x128xf32>, vector<1x128xf32>, vector<1x128xf32> -> vector<8x128xf32>
    %reduce_sum3A_983 = arith.constant dense<0.000000e+00> : vector<8xf32>
    %reduce_sum3A_984 = vector.multi_reduction <add>, %concatenate3A_982, %reduce_sum3A_983 [1] : vector<8x128xf32> to vector<8xf32>
    %broadcast_in_dim3A_985 = vector.shape_cast %reduce_sum3A_984 : vector<8xf32> to vector<8x1xf32>
    %dot_general3A_986 = arith.constant dense<0.000000e+00> : vector<8x256xf32>
    %dot_general3A_987 = tpu.matmul %concatenate3A_982, %slice3A_832, %dot_general3A_986 {dimension_numbers = #tpu.dot_dimension_numbers<[1], [0], [0], [1], [0, 0, 1, 1], [], []>, transpose_lhs_hint = false} : vector<8x128xf32>, vector<128x256xf32>, vector<8x256xf32> -> vector<8x256xf32>
    %max3A_988 = arith.constant 1.000000e+00 : f32
    %max3A_989 = vector.broadcast %max3A_988 : f32 to vector<8x1xf32>
    %max3A_990 = arith.maximumf %broadcast_in_dim3A_985, %max3A_989 : vector<8x1xf32>
    %div3A_991 = vector.broadcast %max3A_990 : vector<8x1xf32> to vector<8x256xf32>
    %div3A_992 = arith.divf %dot_general3A_987, %div3A_991 : vector<8x256xf32>
    %slice3A_993 = vector.extract_strided_slice %get3A_17 {offsets = [768, 0], sizes = [128, 256], strides = [1, 1]} : vector<1024x256xf32> to vector<128x256xf32>
    %slice3A_994 = vector.extract_strided_slice %dot_general3A_21 {offsets = [0, 768], sizes = [8, 128], strides = [1, 1]} : vector<8x1024xf32> to vector<8x128xf32>
    %mul3A_995 = arith.mulf %slice3A_993, %slice3A_993 : vector<128x256xf32>
    %dot_general3A_996 = arith.constant dense<0.000000e+00> : vector<1x128xf32>
    %dot_general3A_997 = tpu.matmul %broadcast_in_dim3A_23, %mul3A_995, %dot_general3A_996 {dimension_numbers = #tpu.dot_dimension_numbers<[1], [1], [0], [0], [0, 0, 1, 0], [], []>, transpose_lhs_hint = false} : vector<1x256xf32>, vector<128x256xf32>, vector<1x128xf32> -> vector<1x128xf32>
    %sqrt3A_998 = math.sqrt %dot_general3A_997 : vector<1x128xf32>
    %max3A_999 = arith.constant 9.99999993E-9 : f32
    %max3A_1000 = vector.broadcast %max3A_999 : f32 to vector<1x128xf32>
    %max3A_1001 = arith.maximumf %sqrt3A_998, %max3A_1000 : vector<1x128xf32>
    %div3A_1002 = arith.constant 1.000000e+00 : f32
    %div3A_1003 = vector.broadcast %div3A_1002 : f32 to vector<1x128xf32>
    %div3A_1004 = arith.divf %div3A_1003, %max3A_1001 : vector<1x128xf32>
    %slice3A_1005 = vector.extract_strided_slice %slice3A_994 {offsets = [6, 0], sizes = [1, 128], strides = [1, 1]} : vector<8x128xf32> to vector<1x128xf32>
    %sub3A_1006 = vector.broadcast %slice3A_1005 : vector<1x128xf32> to vector<8x128xf32>
    %sub3A_1007 = arith.subf %sub3A_1006, %slice3A_994 : vector<8x128xf32>
    %mul3A_1008 = vector.broadcast %div3A_1004 : vector<1x128xf32> to vector<8x128xf32>
    %mul3A_1009 = arith.mulf %sub3A_1007, %mul3A_1008 : vector<8x128xf32>
    %slice3A_1010 = vector.extract_strided_slice %mul3A_1009 {offsets = [0, 0], sizes = [1, 128], strides = [1, 1]} : vector<8x128xf32> to vector<1x128xf32>
    %dot_general3A_1011 = arith.constant dense<0.000000e+00> : vector<128x1xf32>
    %dot_general3A_1012 = tpu.matmul %convert_element_type3A_25, %slice3A_1010, %dot_general3A_1011 {dimension_numbers = #tpu.dot_dimension_numbers<[1], [1], [0], [0], [0, 0, 1, 0], [], []>, transpose_lhs_hint = false} : vector<128x128xf32>, vector<1x128xf32>, vector<128x1xf32> -> vector<128x1xf32>
    %lt3A_1013 = vector.broadcast %dot_general3A_1012 : vector<128x1xf32> to vector<128x128xf32>
    %lt3A_1014 = vector.broadcast %slice3A_1010 : vector<1x128xf32> to vector<128x128xf32>
    %lt3A_1015 = arith.cmpf olt, %lt3A_1013, %lt3A_1014 : vector<128x128xf32>
    %and3A_1016 = vector.broadcast %lt3A_32 : vector<128x1xi1> to vector<128x128xi1>
    %and3A_1017 = arith.andi %lt3A_1015, %and3A_1016 : vector<128x128xi1>
    %convert_element_type3A_1018 = arith.extui %and3A_1017 : vector<128x128xi1> to vector<128x128xi32>
    %convert_element_type3A_1019 = arith.sitofp %convert_element_type3A_1018 : vector<128x128xi32> to vector<128x128xf32>
    %reduce_sum3A_1020 = arith.constant dense<0.000000e+00> : vector<128xf32>
    %reduce_sum3A_1021 = vector.multi_reduction <add>, %convert_element_type3A_1019, %reduce_sum3A_1020 [0] : vector<128x128xf32> to vector<128xf32>
    %broadcast_in_dim3A_1022 = vector.shape_cast %reduce_sum3A_1021 : vector<128xf32> to vector<1x128xf32>
    %ge3A_1023 = arith.constant 1.300000e+01 : f32
    %ge3A_1024 = vector.broadcast %ge3A_1023 : f32 to vector<1x128xf32>
    %ge3A_1025 = arith.cmpf oge, %broadcast_in_dim3A_1022, %ge3A_1024 : vector<1x128xf32>
    %and3A_1026 = arith.andi %ge3A_1025, %lt3A_28 : vector<1x128xi1>
    %convert_element_type3A_1027 = arith.extui %and3A_1026 : vector<1x128xi1> to vector<1x128xi32>
    %convert_element_type3A_1028 = arith.sitofp %convert_element_type3A_1027 : vector<1x128xi32> to vector<1x128xf32>
    %slice3A_1029 = vector.extract_strided_slice %mul3A_1009 {offsets = [1, 0], sizes = [1, 128], strides = [1, 1]} : vector<8x128xf32> to vector<1x128xf32>
    %dot_general3A_1030 = arith.constant dense<0.000000e+00> : vector<128x1xf32>
    %dot_general3A_1031 = tpu.matmul %convert_element_type3A_25, %slice3A_1029, %dot_general3A_1030 {dimension_numbers = #tpu.dot_dimension_numbers<[1], [1], [0], [0], [0, 0, 1, 0], [], []>, transpose_lhs_hint = false} : vector<128x128xf32>, vector<1x128xf32>, vector<128x1xf32> -> vector<128x1xf32>
    %lt3A_1032 = vector.broadcast %dot_general3A_1031 : vector<128x1xf32> to vector<128x128xf32>
    %lt3A_1033 = vector.broadcast %slice3A_1029 : vector<1x128xf32> to vector<128x128xf32>
    %lt3A_1034 = arith.cmpf olt, %lt3A_1032, %lt3A_1033 : vector<128x128xf32>
    %and3A_1035 = vector.broadcast %lt3A_32 : vector<128x1xi1> to vector<128x128xi1>
    %and3A_1036 = arith.andi %lt3A_1034, %and3A_1035 : vector<128x128xi1>
    %convert_element_type3A_1037 = arith.extui %and3A_1036 : vector<128x128xi1> to vector<128x128xi32>
    %convert_element_type3A_1038 = arith.sitofp %convert_element_type3A_1037 : vector<128x128xi32> to vector<128x128xf32>
    %reduce_sum3A_1039 = arith.constant dense<0.000000e+00> : vector<128xf32>
    %reduce_sum3A_1040 = vector.multi_reduction <add>, %convert_element_type3A_1038, %reduce_sum3A_1039 [0] : vector<128x128xf32> to vector<128xf32>
    %broadcast_in_dim3A_1041 = vector.shape_cast %reduce_sum3A_1040 : vector<128xf32> to vector<1x128xf32>
    %ge3A_1042 = arith.constant 1.300000e+01 : f32
    %ge3A_1043 = vector.broadcast %ge3A_1042 : f32 to vector<1x128xf32>
    %ge3A_1044 = arith.cmpf oge, %broadcast_in_dim3A_1041, %ge3A_1043 : vector<1x128xf32>
    %and3A_1045 = arith.andi %ge3A_1044, %lt3A_28 : vector<1x128xi1>
    %convert_element_type3A_1046 = arith.extui %and3A_1045 : vector<1x128xi1> to vector<1x128xi32>
    %convert_element_type3A_1047 = arith.sitofp %convert_element_type3A_1046 : vector<1x128xi32> to vector<1x128xf32>
    %slice3A_1048 = vector.extract_strided_slice %mul3A_1009 {offsets = [2, 0], sizes = [1, 128], strides = [1, 1]} : vector<8x128xf32> to vector<1x128xf32>
    %dot_general3A_1049 = arith.constant dense<0.000000e+00> : vector<128x1xf32>
    %dot_general3A_1050 = tpu.matmul %convert_element_type3A_25, %slice3A_1048, %dot_general3A_1049 {dimension_numbers = #tpu.dot_dimension_numbers<[1], [1], [0], [0], [0, 0, 1, 0], [], []>, transpose_lhs_hint = false} : vector<128x128xf32>, vector<1x128xf32>, vector<128x1xf32> -> vector<128x1xf32>
    %lt3A_1051 = vector.broadcast %dot_general3A_1050 : vector<128x1xf32> to vector<128x128xf32>
    %lt3A_1052 = vector.broadcast %slice3A_1048 : vector<1x128xf32> to vector<128x128xf32>
    %lt3A_1053 = arith.cmpf olt, %lt3A_1051, %lt3A_1052 : vector<128x128xf32>
    %and3A_1054 = vector.broadcast %lt3A_32 : vector<128x1xi1> to vector<128x128xi1>
    %and3A_1055 = arith.andi %lt3A_1053, %and3A_1054 : vector<128x128xi1>
    %convert_element_type3A_1056 = arith.extui %and3A_1055 : vector<128x128xi1> to vector<128x128xi32>
    %convert_element_type3A_1057 = arith.sitofp %convert_element_type3A_1056 : vector<128x128xi32> to vector<128x128xf32>
    %reduce_sum3A_1058 = arith.constant dense<0.000000e+00> : vector<128xf32>
    %reduce_sum3A_1059 = vector.multi_reduction <add>, %convert_element_type3A_1057, %reduce_sum3A_1058 [0] : vector<128x128xf32> to vector<128xf32>
    %broadcast_in_dim3A_1060 = vector.shape_cast %reduce_sum3A_1059 : vector<128xf32> to vector<1x128xf32>
    %ge3A_1061 = arith.constant 1.300000e+01 : f32
    %ge3A_1062 = vector.broadcast %ge3A_1061 : f32 to vector<1x128xf32>
    %ge3A_1063 = arith.cmpf oge, %broadcast_in_dim3A_1060, %ge3A_1062 : vector<1x128xf32>
    %and3A_1064 = arith.andi %ge3A_1063, %lt3A_28 : vector<1x128xi1>
    %convert_element_type3A_1065 = arith.extui %and3A_1064 : vector<1x128xi1> to vector<1x128xi32>
    %convert_element_type3A_1066 = arith.sitofp %convert_element_type3A_1065 : vector<1x128xi32> to vector<1x128xf32>
    %slice3A_1067 = vector.extract_strided_slice %mul3A_1009 {offsets = [3, 0], sizes = [1, 128], strides = [1, 1]} : vector<8x128xf32> to vector<1x128xf32>
    %dot_general3A_1068 = arith.constant dense<0.000000e+00> : vector<128x1xf32>
    %dot_general3A_1069 = tpu.matmul %convert_element_type3A_25, %slice3A_1067, %dot_general3A_1068 {dimension_numbers = #tpu.dot_dimension_numbers<[1], [1], [0], [0], [0, 0, 1, 0], [], []>, transpose_lhs_hint = false} : vector<128x128xf32>, vector<1x128xf32>, vector<128x1xf32> -> vector<128x1xf32>
    %lt3A_1070 = vector.broadcast %dot_general3A_1069 : vector<128x1xf32> to vector<128x128xf32>
    %lt3A_1071 = vector.broadcast %slice3A_1067 : vector<1x128xf32> to vector<128x128xf32>
    %lt3A_1072 = arith.cmpf olt, %lt3A_1070, %lt3A_1071 : vector<128x128xf32>
    %and3A_1073 = vector.broadcast %lt3A_32 : vector<128x1xi1> to vector<128x128xi1>
    %and3A_1074 = arith.andi %lt3A_1072, %and3A_1073 : vector<128x128xi1>
    %convert_element_type3A_1075 = arith.extui %and3A_1074 : vector<128x128xi1> to vector<128x128xi32>
    %convert_element_type3A_1076 = arith.sitofp %convert_element_type3A_1075 : vector<128x128xi32> to vector<128x128xf32>
    %reduce_sum3A_1077 = arith.constant dense<0.000000e+00> : vector<128xf32>
    %reduce_sum3A_1078 = vector.multi_reduction <add>, %convert_element_type3A_1076, %reduce_sum3A_1077 [0] : vector<128x128xf32> to vector<128xf32>
    %broadcast_in_dim3A_1079 = vector.shape_cast %reduce_sum3A_1078 : vector<128xf32> to vector<1x128xf32>
    %ge3A_1080 = arith.constant 1.300000e+01 : f32
    %ge3A_1081 = vector.broadcast %ge3A_1080 : f32 to vector<1x128xf32>
    %ge3A_1082 = arith.cmpf oge, %broadcast_in_dim3A_1079, %ge3A_1081 : vector<1x128xf32>
    %and3A_1083 = arith.andi %ge3A_1082, %lt3A_28 : vector<1x128xi1>
    %convert_element_type3A_1084 = arith.extui %and3A_1083 : vector<1x128xi1> to vector<1x128xi32>
    %convert_element_type3A_1085 = arith.sitofp %convert_element_type3A_1084 : vector<1x128xi32> to vector<1x128xf32>
    %slice3A_1086 = vector.extract_strided_slice %mul3A_1009 {offsets = [4, 0], sizes = [1, 128], strides = [1, 1]} : vector<8x128xf32> to vector<1x128xf32>
    %dot_general3A_1087 = arith.constant dense<0.000000e+00> : vector<128x1xf32>
    %dot_general3A_1088 = tpu.matmul %convert_element_type3A_25, %slice3A_1086, %dot_general3A_1087 {dimension_numbers = #tpu.dot_dimension_numbers<[1], [1], [0], [0], [0, 0, 1, 0], [], []>, transpose_lhs_hint = false} : vector<128x128xf32>, vector<1x128xf32>, vector<128x1xf32> -> vector<128x1xf32>
    %lt3A_1089 = vector.broadcast %dot_general3A_1088 : vector<128x1xf32> to vector<128x128xf32>
    %lt3A_1090 = vector.broadcast %slice3A_1086 : vector<1x128xf32> to vector<128x128xf32>
    %lt3A_1091 = arith.cmpf olt, %lt3A_1089, %lt3A_1090 : vector<128x128xf32>
    %and3A_1092 = vector.broadcast %lt3A_32 : vector<128x1xi1> to vector<128x128xi1>
    %and3A_1093 = arith.andi %lt3A_1091, %and3A_1092 : vector<128x128xi1>
    %convert_element_type3A_1094 = arith.extui %and3A_1093 : vector<128x128xi1> to vector<128x128xi32>
    %convert_element_type3A_1095 = arith.sitofp %convert_element_type3A_1094 : vector<128x128xi32> to vector<128x128xf32>
    %reduce_sum3A_1096 = arith.constant dense<0.000000e+00> : vector<128xf32>
    %reduce_sum3A_1097 = vector.multi_reduction <add>, %convert_element_type3A_1095, %reduce_sum3A_1096 [0] : vector<128x128xf32> to vector<128xf32>
    %broadcast_in_dim3A_1098 = vector.shape_cast %reduce_sum3A_1097 : vector<128xf32> to vector<1x128xf32>
    %ge3A_1099 = arith.constant 1.300000e+01 : f32
    %ge3A_1100 = vector.broadcast %ge3A_1099 : f32 to vector<1x128xf32>
    %ge3A_1101 = arith.cmpf oge, %broadcast_in_dim3A_1098, %ge3A_1100 : vector<1x128xf32>
    %and3A_1102 = arith.andi %ge3A_1101, %lt3A_28 : vector<1x128xi1>
    %convert_element_type3A_1103 = arith.extui %and3A_1102 : vector<1x128xi1> to vector<1x128xi32>
    %convert_element_type3A_1104 = arith.sitofp %convert_element_type3A_1103 : vector<1x128xi32> to vector<1x128xf32>
    %slice3A_1105 = vector.extract_strided_slice %mul3A_1009 {offsets = [5, 0], sizes = [1, 128], strides = [1, 1]} : vector<8x128xf32> to vector<1x128xf32>
    %dot_general3A_1106 = arith.constant dense<0.000000e+00> : vector<128x1xf32>
    %dot_general3A_1107 = tpu.matmul %convert_element_type3A_25, %slice3A_1105, %dot_general3A_1106 {dimension_numbers = #tpu.dot_dimension_numbers<[1], [1], [0], [0], [0, 0, 1, 0], [], []>, transpose_lhs_hint = false} : vector<128x128xf32>, vector<1x128xf32>, vector<128x1xf32> -> vector<128x1xf32>
    %lt3A_1108 = vector.broadcast %dot_general3A_1107 : vector<128x1xf32> to vector<128x128xf32>
    %lt3A_1109 = vector.broadcast %slice3A_1105 : vector<1x128xf32> to vector<128x128xf32>
    %lt3A_1110 = arith.cmpf olt, %lt3A_1108, %lt3A_1109 : vector<128x128xf32>
    %and3A_1111 = vector.broadcast %lt3A_32 : vector<128x1xi1> to vector<128x128xi1>
    %and3A_1112 = arith.andi %lt3A_1110, %and3A_1111 : vector<128x128xi1>
    %convert_element_type3A_1113 = arith.extui %and3A_1112 : vector<128x128xi1> to vector<128x128xi32>
    %convert_element_type3A_1114 = arith.sitofp %convert_element_type3A_1113 : vector<128x128xi32> to vector<128x128xf32>
    %reduce_sum3A_1115 = arith.constant dense<0.000000e+00> : vector<128xf32>
    %reduce_sum3A_1116 = vector.multi_reduction <add>, %convert_element_type3A_1114, %reduce_sum3A_1115 [0] : vector<128x128xf32> to vector<128xf32>
    %broadcast_in_dim3A_1117 = vector.shape_cast %reduce_sum3A_1116 : vector<128xf32> to vector<1x128xf32>
    %ge3A_1118 = arith.constant 1.300000e+01 : f32
    %ge3A_1119 = vector.broadcast %ge3A_1118 : f32 to vector<1x128xf32>
    %ge3A_1120 = arith.cmpf oge, %broadcast_in_dim3A_1117, %ge3A_1119 : vector<1x128xf32>
    %and3A_1121 = arith.andi %ge3A_1120, %lt3A_28 : vector<1x128xi1>
    %convert_element_type3A_1122 = arith.extui %and3A_1121 : vector<1x128xi1> to vector<1x128xi32>
    %convert_element_type3A_1123 = arith.sitofp %convert_element_type3A_1122 : vector<1x128xi32> to vector<1x128xf32>
    %slice3A_1124 = vector.extract_strided_slice %mul3A_1009 {offsets = [7, 0], sizes = [1, 128], strides = [1, 1]} : vector<8x128xf32> to vector<1x128xf32>
    %dot_general3A_1125 = arith.constant dense<0.000000e+00> : vector<128x1xf32>
    %dot_general3A_1126 = tpu.matmul %convert_element_type3A_25, %slice3A_1124, %dot_general3A_1125 {dimension_numbers = #tpu.dot_dimension_numbers<[1], [1], [0], [0], [0, 0, 1, 0], [], []>, transpose_lhs_hint = false} : vector<128x128xf32>, vector<1x128xf32>, vector<128x1xf32> -> vector<128x1xf32>
    %lt3A_1127 = vector.broadcast %dot_general3A_1126 : vector<128x1xf32> to vector<128x128xf32>
    %lt3A_1128 = vector.broadcast %slice3A_1124 : vector<1x128xf32> to vector<128x128xf32>
    %lt3A_1129 = arith.cmpf olt, %lt3A_1127, %lt3A_1128 : vector<128x128xf32>
    %and3A_1130 = vector.broadcast %lt3A_32 : vector<128x1xi1> to vector<128x128xi1>
    %and3A_1131 = arith.andi %lt3A_1129, %and3A_1130 : vector<128x128xi1>
    %convert_element_type3A_1132 = arith.extui %and3A_1131 : vector<128x128xi1> to vector<128x128xi32>
    %convert_element_type3A_1133 = arith.sitofp %convert_element_type3A_1132 : vector<128x128xi32> to vector<128x128xf32>
    %reduce_sum3A_1134 = arith.constant dense<0.000000e+00> : vector<128xf32>
    %reduce_sum3A_1135 = vector.multi_reduction <add>, %convert_element_type3A_1133, %reduce_sum3A_1134 [0] : vector<128x128xf32> to vector<128xf32>
    %broadcast_in_dim3A_1136 = vector.shape_cast %reduce_sum3A_1135 : vector<128xf32> to vector<1x128xf32>
    %ge3A_1137 = arith.constant 1.300000e+01 : f32
    %ge3A_1138 = vector.broadcast %ge3A_1137 : f32 to vector<1x128xf32>
    %ge3A_1139 = arith.cmpf oge, %broadcast_in_dim3A_1136, %ge3A_1138 : vector<1x128xf32>
    %and3A_1140 = arith.andi %ge3A_1139, %lt3A_28 : vector<1x128xi1>
    %convert_element_type3A_1141 = arith.extui %and3A_1140 : vector<1x128xi1> to vector<1x128xi32>
    %convert_element_type3A_1142 = arith.sitofp %convert_element_type3A_1141 : vector<1x128xi32> to vector<1x128xf32>
    %concatenate3A_1143 = tpu.concatenate %convert_element_type3A_1028, %convert_element_type3A_1047, %convert_element_type3A_1066, %convert_element_type3A_1085, %convert_element_type3A_1104, %convert_element_type3A_1123, %broadcast_in_dim3A_34, %convert_element_type3A_1142 in 0 : vector<1x128xf32>, vector<1x128xf32>, vector<1x128xf32>, vector<1x128xf32>, vector<1x128xf32>, vector<1x128xf32>, vector<1x128xf32>, vector<1x128xf32> -> vector<8x128xf32>
    %reduce_sum3A_1144 = arith.constant dense<0.000000e+00> : vector<8xf32>
    %reduce_sum3A_1145 = vector.multi_reduction <add>, %concatenate3A_1143, %reduce_sum3A_1144 [1] : vector<8x128xf32> to vector<8xf32>
    %broadcast_in_dim3A_1146 = vector.shape_cast %reduce_sum3A_1145 : vector<8xf32> to vector<8x1xf32>
    %dot_general3A_1147 = arith.constant dense<0.000000e+00> : vector<8x256xf32>
    %dot_general3A_1148 = tpu.matmul %concatenate3A_1143, %slice3A_993, %dot_general3A_1147 {dimension_numbers = #tpu.dot_dimension_numbers<[1], [0], [0], [1], [0, 0, 1, 1], [], []>, transpose_lhs_hint = false} : vector<8x128xf32>, vector<128x256xf32>, vector<8x256xf32> -> vector<8x256xf32>
    %max3A_1149 = arith.constant 1.000000e+00 : f32
    %max3A_1150 = vector.broadcast %max3A_1149 : f32 to vector<8x1xf32>
    %max3A_1151 = arith.maximumf %broadcast_in_dim3A_1146, %max3A_1150 : vector<8x1xf32>
    %div3A_1152 = vector.broadcast %max3A_1151 : vector<8x1xf32> to vector<8x256xf32>
    %div3A_1153 = arith.divf %dot_general3A_1148, %div3A_1152 : vector<8x256xf32>
    %slice3A_1154 = vector.extract_strided_slice %get3A_17 {offsets = [896, 0], sizes = [128, 256], strides = [1, 1]} : vector<1024x256xf32> to vector<128x256xf32>
    %slice3A_1155 = vector.extract_strided_slice %dot_general3A_21 {offsets = [0, 896], sizes = [8, 128], strides = [1, 1]} : vector<8x1024xf32> to vector<8x128xf32>
    %mul3A_1156 = arith.mulf %slice3A_1154, %slice3A_1154 : vector<128x256xf32>
    %dot_general3A_1157 = arith.constant dense<0.000000e+00> : vector<1x128xf32>
    %dot_general3A_1158 = tpu.matmul %broadcast_in_dim3A_23, %mul3A_1156, %dot_general3A_1157 {dimension_numbers = #tpu.dot_dimension_numbers<[1], [1], [0], [0], [0, 0, 1, 0], [], []>, transpose_lhs_hint = false} : vector<1x256xf32>, vector<128x256xf32>, vector<1x128xf32> -> vector<1x128xf32>
    %sqrt3A_1159 = math.sqrt %dot_general3A_1158 : vector<1x128xf32>
    %max3A_1160 = arith.constant 9.99999993E-9 : f32
    %max3A_1161 = vector.broadcast %max3A_1160 : f32 to vector<1x128xf32>
    %max3A_1162 = arith.maximumf %sqrt3A_1159, %max3A_1161 : vector<1x128xf32>
    %div3A_1163 = arith.constant 1.000000e+00 : f32
    %div3A_1164 = vector.broadcast %div3A_1163 : f32 to vector<1x128xf32>
    %div3A_1165 = arith.divf %div3A_1164, %max3A_1162 : vector<1x128xf32>
    %slice3A_1166 = vector.extract_strided_slice %slice3A_1155 {offsets = [7, 0], sizes = [1, 128], strides = [1, 1]} : vector<8x128xf32> to vector<1x128xf32>
    %sub3A_1167 = vector.broadcast %slice3A_1166 : vector<1x128xf32> to vector<8x128xf32>
    %sub3A_1168 = arith.subf %sub3A_1167, %slice3A_1155 : vector<8x128xf32>
    %mul3A_1169 = vector.broadcast %div3A_1165 : vector<1x128xf32> to vector<8x128xf32>
    %mul3A_1170 = arith.mulf %sub3A_1168, %mul3A_1169 : vector<8x128xf32>
    %slice3A_1171 = vector.extract_strided_slice %mul3A_1170 {offsets = [0, 0], sizes = [1, 128], strides = [1, 1]} : vector<8x128xf32> to vector<1x128xf32>
    %dot_general3A_1172 = arith.constant dense<0.000000e+00> : vector<128x1xf32>
    %dot_general3A_1173 = tpu.matmul %convert_element_type3A_25, %slice3A_1171, %dot_general3A_1172 {dimension_numbers = #tpu.dot_dimension_numbers<[1], [1], [0], [0], [0, 0, 1, 0], [], []>, transpose_lhs_hint = false} : vector<128x128xf32>, vector<1x128xf32>, vector<128x1xf32> -> vector<128x1xf32>
    %lt3A_1174 = vector.broadcast %dot_general3A_1173 : vector<128x1xf32> to vector<128x128xf32>
    %lt3A_1175 = vector.broadcast %slice3A_1171 : vector<1x128xf32> to vector<128x128xf32>
    %lt3A_1176 = arith.cmpf olt, %lt3A_1174, %lt3A_1175 : vector<128x128xf32>
    %and3A_1177 = vector.broadcast %lt3A_32 : vector<128x1xi1> to vector<128x128xi1>
    %and3A_1178 = arith.andi %lt3A_1176, %and3A_1177 : vector<128x128xi1>
    %convert_element_type3A_1179 = arith.extui %and3A_1178 : vector<128x128xi1> to vector<128x128xi32>
    %convert_element_type3A_1180 = arith.sitofp %convert_element_type3A_1179 : vector<128x128xi32> to vector<128x128xf32>
    %reduce_sum3A_1181 = arith.constant dense<0.000000e+00> : vector<128xf32>
    %reduce_sum3A_1182 = vector.multi_reduction <add>, %convert_element_type3A_1180, %reduce_sum3A_1181 [0] : vector<128x128xf32> to vector<128xf32>
    %broadcast_in_dim3A_1183 = vector.shape_cast %reduce_sum3A_1182 : vector<128xf32> to vector<1x128xf32>
    %ge3A_1184 = arith.constant 1.300000e+01 : f32
    %ge3A_1185 = vector.broadcast %ge3A_1184 : f32 to vector<1x128xf32>
    %ge3A_1186 = arith.cmpf oge, %broadcast_in_dim3A_1183, %ge3A_1185 : vector<1x128xf32>
    %and3A_1187 = arith.andi %ge3A_1186, %lt3A_28 : vector<1x128xi1>
    %convert_element_type3A_1188 = arith.extui %and3A_1187 : vector<1x128xi1> to vector<1x128xi32>
    %convert_element_type3A_1189 = arith.sitofp %convert_element_type3A_1188 : vector<1x128xi32> to vector<1x128xf32>
    %slice3A_1190 = vector.extract_strided_slice %mul3A_1170 {offsets = [1, 0], sizes = [1, 128], strides = [1, 1]} : vector<8x128xf32> to vector<1x128xf32>
    %dot_general3A_1191 = arith.constant dense<0.000000e+00> : vector<128x1xf32>
    %dot_general3A_1192 = tpu.matmul %convert_element_type3A_25, %slice3A_1190, %dot_general3A_1191 {dimension_numbers = #tpu.dot_dimension_numbers<[1], [1], [0], [0], [0, 0, 1, 0], [], []>, transpose_lhs_hint = false} : vector<128x128xf32>, vector<1x128xf32>, vector<128x1xf32> -> vector<128x1xf32>
    %lt3A_1193 = vector.broadcast %dot_general3A_1192 : vector<128x1xf32> to vector<128x128xf32>
    %lt3A_1194 = vector.broadcast %slice3A_1190 : vector<1x128xf32> to vector<128x128xf32>
    %lt3A_1195 = arith.cmpf olt, %lt3A_1193, %lt3A_1194 : vector<128x128xf32>
    %and3A_1196 = vector.broadcast %lt3A_32 : vector<128x1xi1> to vector<128x128xi1>
    %and3A_1197 = arith.andi %lt3A_1195, %and3A_1196 : vector<128x128xi1>
    %convert_element_type3A_1198 = arith.extui %and3A_1197 : vector<128x128xi1> to vector<128x128xi32>
    %convert_element_type3A_1199 = arith.sitofp %convert_element_type3A_1198 : vector<128x128xi32> to vector<128x128xf32>
    %reduce_sum3A_1200 = arith.constant dense<0.000000e+00> : vector<128xf32>
    %reduce_sum3A_1201 = vector.multi_reduction <add>, %convert_element_type3A_1199, %reduce_sum3A_1200 [0] : vector<128x128xf32> to vector<128xf32>
    %broadcast_in_dim3A_1202 = vector.shape_cast %reduce_sum3A_1201 : vector<128xf32> to vector<1x128xf32>
    %ge3A_1203 = arith.constant 1.300000e+01 : f32
    %ge3A_1204 = vector.broadcast %ge3A_1203 : f32 to vector<1x128xf32>
    %ge3A_1205 = arith.cmpf oge, %broadcast_in_dim3A_1202, %ge3A_1204 : vector<1x128xf32>
    %and3A_1206 = arith.andi %ge3A_1205, %lt3A_28 : vector<1x128xi1>
    %convert_element_type3A_1207 = arith.extui %and3A_1206 : vector<1x128xi1> to vector<1x128xi32>
    %convert_element_type3A_1208 = arith.sitofp %convert_element_type3A_1207 : vector<1x128xi32> to vector<1x128xf32>
    %slice3A_1209 = vector.extract_strided_slice %mul3A_1170 {offsets = [2, 0], sizes = [1, 128], strides = [1, 1]} : vector<8x128xf32> to vector<1x128xf32>
    %dot_general3A_1210 = arith.constant dense<0.000000e+00> : vector<128x1xf32>
    %dot_general3A_1211 = tpu.matmul %convert_element_type3A_25, %slice3A_1209, %dot_general3A_1210 {dimension_numbers = #tpu.dot_dimension_numbers<[1], [1], [0], [0], [0, 0, 1, 0], [], []>, transpose_lhs_hint = false} : vector<128x128xf32>, vector<1x128xf32>, vector<128x1xf32> -> vector<128x1xf32>
    %lt3A_1212 = vector.broadcast %dot_general3A_1211 : vector<128x1xf32> to vector<128x128xf32>
    %lt3A_1213 = vector.broadcast %slice3A_1209 : vector<1x128xf32> to vector<128x128xf32>
    %lt3A_1214 = arith.cmpf olt, %lt3A_1212, %lt3A_1213 : vector<128x128xf32>
    %and3A_1215 = vector.broadcast %lt3A_32 : vector<128x1xi1> to vector<128x128xi1>
    %and3A_1216 = arith.andi %lt3A_1214, %and3A_1215 : vector<128x128xi1>
    %convert_element_type3A_1217 = arith.extui %and3A_1216 : vector<128x128xi1> to vector<128x128xi32>
    %convert_element_type3A_1218 = arith.sitofp %convert_element_type3A_1217 : vector<128x128xi32> to vector<128x128xf32>
    %reduce_sum3A_1219 = arith.constant dense<0.000000e+00> : vector<128xf32>
    %reduce_sum3A_1220 = vector.multi_reduction <add>, %convert_element_type3A_1218, %reduce_sum3A_1219 [0] : vector<128x128xf32> to vector<128xf32>
    %broadcast_in_dim3A_1221 = vector.shape_cast %reduce_sum3A_1220 : vector<128xf32> to vector<1x128xf32>
    %ge3A_1222 = arith.constant 1.300000e+01 : f32
    %ge3A_1223 = vector.broadcast %ge3A_1222 : f32 to vector<1x128xf32>
    %ge3A_1224 = arith.cmpf oge, %broadcast_in_dim3A_1221, %ge3A_1223 : vector<1x128xf32>
    %and3A_1225 = arith.andi %ge3A_1224, %lt3A_28 : vector<1x128xi1>
    %convert_element_type3A_1226 = arith.extui %and3A_1225 : vector<1x128xi1> to vector<1x128xi32>
    %convert_element_type3A_1227 = arith.sitofp %convert_element_type3A_1226 : vector<1x128xi32> to vector<1x128xf32>
    %slice3A_1228 = vector.extract_strided_slice %mul3A_1170 {offsets = [3, 0], sizes = [1, 128], strides = [1, 1]} : vector<8x128xf32> to vector<1x128xf32>
    %dot_general3A_1229 = arith.constant dense<0.000000e+00> : vector<128x1xf32>
    %dot_general3A_1230 = tpu.matmul %convert_element_type3A_25, %slice3A_1228, %dot_general3A_1229 {dimension_numbers = #tpu.dot_dimension_numbers<[1], [1], [0], [0], [0, 0, 1, 0], [], []>, transpose_lhs_hint = false} : vector<128x128xf32>, vector<1x128xf32>, vector<128x1xf32> -> vector<128x1xf32>
    %lt3A_1231 = vector.broadcast %dot_general3A_1230 : vector<128x1xf32> to vector<128x128xf32>
    %lt3A_1232 = vector.broadcast %slice3A_1228 : vector<1x128xf32> to vector<128x128xf32>
    %lt3A_1233 = arith.cmpf olt, %lt3A_1231, %lt3A_1232 : vector<128x128xf32>
    %and3A_1234 = vector.broadcast %lt3A_32 : vector<128x1xi1> to vector<128x128xi1>
    %and3A_1235 = arith.andi %lt3A_1233, %and3A_1234 : vector<128x128xi1>
    %convert_element_type3A_1236 = arith.extui %and3A_1235 : vector<128x128xi1> to vector<128x128xi32>
    %convert_element_type3A_1237 = arith.sitofp %convert_element_type3A_1236 : vector<128x128xi32> to vector<128x128xf32>
    %reduce_sum3A_1238 = arith.constant dense<0.000000e+00> : vector<128xf32>
    %reduce_sum3A_1239 = vector.multi_reduction <add>, %convert_element_type3A_1237, %reduce_sum3A_1238 [0] : vector<128x128xf32> to vector<128xf32>
    %broadcast_in_dim3A_1240 = vector.shape_cast %reduce_sum3A_1239 : vector<128xf32> to vector<1x128xf32>
    %ge3A_1241 = arith.constant 1.300000e+01 : f32
    %ge3A_1242 = vector.broadcast %ge3A_1241 : f32 to vector<1x128xf32>
    %ge3A_1243 = arith.cmpf oge, %broadcast_in_dim3A_1240, %ge3A_1242 : vector<1x128xf32>
    %and3A_1244 = arith.andi %ge3A_1243, %lt3A_28 : vector<1x128xi1>
    %convert_element_type3A_1245 = arith.extui %and3A_1244 : vector<1x128xi1> to vector<1x128xi32>
    %convert_element_type3A_1246 = arith.sitofp %convert_element_type3A_1245 : vector<1x128xi32> to vector<1x128xf32>
    %slice3A_1247 = vector.extract_strided_slice %mul3A_1170 {offsets = [4, 0], sizes = [1, 128], strides = [1, 1]} : vector<8x128xf32> to vector<1x128xf32>
    %dot_general3A_1248 = arith.constant dense<0.000000e+00> : vector<128x1xf32>
    %dot_general3A_1249 = tpu.matmul %convert_element_type3A_25, %slice3A_1247, %dot_general3A_1248 {dimension_numbers = #tpu.dot_dimension_numbers<[1], [1], [0], [0], [0, 0, 1, 0], [], []>, transpose_lhs_hint = false} : vector<128x128xf32>, vector<1x128xf32>, vector<128x1xf32> -> vector<128x1xf32>
    %lt3A_1250 = vector.broadcast %dot_general3A_1249 : vector<128x1xf32> to vector<128x128xf32>
    %lt3A_1251 = vector.broadcast %slice3A_1247 : vector<1x128xf32> to vector<128x128xf32>
    %lt3A_1252 = arith.cmpf olt, %lt3A_1250, %lt3A_1251 : vector<128x128xf32>
    %and3A_1253 = vector.broadcast %lt3A_32 : vector<128x1xi1> to vector<128x128xi1>
    %and3A_1254 = arith.andi %lt3A_1252, %and3A_1253 : vector<128x128xi1>
    %convert_element_type3A_1255 = arith.extui %and3A_1254 : vector<128x128xi1> to vector<128x128xi32>
    %convert_element_type3A_1256 = arith.sitofp %convert_element_type3A_1255 : vector<128x128xi32> to vector<128x128xf32>
    %reduce_sum3A_1257 = arith.constant dense<0.000000e+00> : vector<128xf32>
    %reduce_sum3A_1258 = vector.multi_reduction <add>, %convert_element_type3A_1256, %reduce_sum3A_1257 [0] : vector<128x128xf32> to vector<128xf32>
    %broadcast_in_dim3A_1259 = vector.shape_cast %reduce_sum3A_1258 : vector<128xf32> to vector<1x128xf32>
    %ge3A_1260 = arith.constant 1.300000e+01 : f32
    %ge3A_1261 = vector.broadcast %ge3A_1260 : f32 to vector<1x128xf32>
    %ge3A_1262 = arith.cmpf oge, %broadcast_in_dim3A_1259, %ge3A_1261 : vector<1x128xf32>
    %and3A_1263 = arith.andi %ge3A_1262, %lt3A_28 : vector<1x128xi1>
    %convert_element_type3A_1264 = arith.extui %and3A_1263 : vector<1x128xi1> to vector<1x128xi32>
    %convert_element_type3A_1265 = arith.sitofp %convert_element_type3A_1264 : vector<1x128xi32> to vector<1x128xf32>
    %slice3A_1266 = vector.extract_strided_slice %mul3A_1170 {offsets = [5, 0], sizes = [1, 128], strides = [1, 1]} : vector<8x128xf32> to vector<1x128xf32>
    %dot_general3A_1267 = arith.constant dense<0.000000e+00> : vector<128x1xf32>
    %dot_general3A_1268 = tpu.matmul %convert_element_type3A_25, %slice3A_1266, %dot_general3A_1267 {dimension_numbers = #tpu.dot_dimension_numbers<[1], [1], [0], [0], [0, 0, 1, 0], [], []>, transpose_lhs_hint = false} : vector<128x128xf32>, vector<1x128xf32>, vector<128x1xf32> -> vector<128x1xf32>
    %lt3A_1269 = vector.broadcast %dot_general3A_1268 : vector<128x1xf32> to vector<128x128xf32>
    %lt3A_1270 = vector.broadcast %slice3A_1266 : vector<1x128xf32> to vector<128x128xf32>
    %lt3A_1271 = arith.cmpf olt, %lt3A_1269, %lt3A_1270 : vector<128x128xf32>
    %and3A_1272 = vector.broadcast %lt3A_32 : vector<128x1xi1> to vector<128x128xi1>
    %and3A_1273 = arith.andi %lt3A_1271, %and3A_1272 : vector<128x128xi1>
    %convert_element_type3A_1274 = arith.extui %and3A_1273 : vector<128x128xi1> to vector<128x128xi32>
    %convert_element_type3A_1275 = arith.sitofp %convert_element_type3A_1274 : vector<128x128xi32> to vector<128x128xf32>
    %reduce_sum3A_1276 = arith.constant dense<0.000000e+00> : vector<128xf32>
    %reduce_sum3A_1277 = vector.multi_reduction <add>, %convert_element_type3A_1275, %reduce_sum3A_1276 [0] : vector<128x128xf32> to vector<128xf32>
    %broadcast_in_dim3A_1278 = vector.shape_cast %reduce_sum3A_1277 : vector<128xf32> to vector<1x128xf32>
    %ge3A_1279 = arith.constant 1.300000e+01 : f32
    %ge3A_1280 = vector.broadcast %ge3A_1279 : f32 to vector<1x128xf32>
    %ge3A_1281 = arith.cmpf oge, %broadcast_in_dim3A_1278, %ge3A_1280 : vector<1x128xf32>
    %and3A_1282 = arith.andi %ge3A_1281, %lt3A_28 : vector<1x128xi1>
    %convert_element_type3A_1283 = arith.extui %and3A_1282 : vector<1x128xi1> to vector<1x128xi32>
    %convert_element_type3A_1284 = arith.sitofp %convert_element_type3A_1283 : vector<1x128xi32> to vector<1x128xf32>
    %slice3A_1285 = vector.extract_strided_slice %mul3A_1170 {offsets = [6, 0], sizes = [1, 128], strides = [1, 1]} : vector<8x128xf32> to vector<1x128xf32>
    %dot_general3A_1286 = arith.constant dense<0.000000e+00> : vector<128x1xf32>
    %dot_general3A_1287 = tpu.matmul %convert_element_type3A_25, %slice3A_1285, %dot_general3A_1286 {dimension_numbers = #tpu.dot_dimension_numbers<[1], [1], [0], [0], [0, 0, 1, 0], [], []>, transpose_lhs_hint = false} : vector<128x128xf32>, vector<1x128xf32>, vector<128x1xf32> -> vector<128x1xf32>
    %lt3A_1288 = vector.broadcast %dot_general3A_1287 : vector<128x1xf32> to vector<128x128xf32>
    %lt3A_1289 = vector.broadcast %slice3A_1285 : vector<1x128xf32> to vector<128x128xf32>
    %lt3A_1290 = arith.cmpf olt, %lt3A_1288, %lt3A_1289 : vector<128x128xf32>
    %and3A_1291 = vector.broadcast %lt3A_32 : vector<128x1xi1> to vector<128x128xi1>
    %and3A_1292 = arith.andi %lt3A_1290, %and3A_1291 : vector<128x128xi1>
    %convert_element_type3A_1293 = arith.extui %and3A_1292 : vector<128x128xi1> to vector<128x128xi32>
    %convert_element_type3A_1294 = arith.sitofp %convert_element_type3A_1293 : vector<128x128xi32> to vector<128x128xf32>
    %reduce_sum3A_1295 = arith.constant dense<0.000000e+00> : vector<128xf32>
    %reduce_sum3A_1296 = vector.multi_reduction <add>, %convert_element_type3A_1294, %reduce_sum3A_1295 [0] : vector<128x128xf32> to vector<128xf32>
    %broadcast_in_dim3A_1297 = vector.shape_cast %reduce_sum3A_1296 : vector<128xf32> to vector<1x128xf32>
    %ge3A_1298 = arith.constant 1.300000e+01 : f32
    %ge3A_1299 = vector.broadcast %ge3A_1298 : f32 to vector<1x128xf32>
    %ge3A_1300 = arith.cmpf oge, %broadcast_in_dim3A_1297, %ge3A_1299 : vector<1x128xf32>
    %and3A_1301 = arith.andi %ge3A_1300, %lt3A_28 : vector<1x128xi1>
    %convert_element_type3A_1302 = arith.extui %and3A_1301 : vector<1x128xi1> to vector<1x128xi32>
    %convert_element_type3A_1303 = arith.sitofp %convert_element_type3A_1302 : vector<1x128xi32> to vector<1x128xf32>
    %concatenate3A_1304 = tpu.concatenate %convert_element_type3A_1189, %convert_element_type3A_1208, %convert_element_type3A_1227, %convert_element_type3A_1246, %convert_element_type3A_1265, %convert_element_type3A_1284, %convert_element_type3A_1303, %broadcast_in_dim3A_34 in 0 : vector<1x128xf32>, vector<1x128xf32>, vector<1x128xf32>, vector<1x128xf32>, vector<1x128xf32>, vector<1x128xf32>, vector<1x128xf32>, vector<1x128xf32> -> vector<8x128xf32>
    %reduce_sum3A_1305 = arith.constant dense<0.000000e+00> : vector<8xf32>
    %reduce_sum3A_1306 = vector.multi_reduction <add>, %concatenate3A_1304, %reduce_sum3A_1305 [1] : vector<8x128xf32> to vector<8xf32>
    %broadcast_in_dim3A_1307 = vector.shape_cast %reduce_sum3A_1306 : vector<8xf32> to vector<8x1xf32>
    %dot_general3A_1308 = arith.constant dense<0.000000e+00> : vector<8x256xf32>
    %dot_general3A_1309 = tpu.matmul %concatenate3A_1304, %slice3A_1154, %dot_general3A_1308 {dimension_numbers = #tpu.dot_dimension_numbers<[1], [0], [0], [1], [0, 0, 1, 1], [], []>, transpose_lhs_hint = false} : vector<8x128xf32>, vector<128x256xf32>, vector<8x256xf32> -> vector<8x256xf32>
    %max3A_1310 = arith.constant 1.000000e+00 : f32
    %max3A_1311 = vector.broadcast %max3A_1310 : f32 to vector<8x1xf32>
    %max3A_1312 = arith.maximumf %broadcast_in_dim3A_1307, %max3A_1311 : vector<8x1xf32>
    %div3A_1313 = vector.broadcast %max3A_1312 : vector<8x1xf32> to vector<8x256xf32>
    %div3A_1314 = arith.divf %dot_general3A_1309, %div3A_1313 : vector<8x256xf32>
    %broadcast_in_dim3A_1315 = arith.constant 0.000000e+00 : f32
    %broadcast_in_dim3A_1316 = vector.broadcast %broadcast_in_dim3A_1315 : f32 to vector<1x1xf32>
    %slice3A_1317 = vector.extract_strided_slice %div3A_187 {offsets = [1, 0], sizes = [1, 256], strides = [1, 1]} : vector<8x256xf32> to vector<1x256xf32>
    %slice3A_1318 = vector.extract_strided_slice %div3A_348 {offsets = [0, 0], sizes = [1, 256], strides = [1, 1]} : vector<8x256xf32> to vector<1x256xf32>
    %sub3A_1319 = arith.subf %slice3A_1317, %slice3A_1318 : vector<1x256xf32>
    %add3A_1320 = arith.constant 9.99999997E-7 : f32
    %add3A_1321 = vector.broadcast %add3A_1320 : f32 to vector<1x256xf32>
    %add3A_1322 = arith.addf %sub3A_1319, %add3A_1321 : vector<1x256xf32>
    %mul3A_1323 = arith.mulf %add3A_1322, %add3A_1322 : vector<1x256xf32>
    %reduce_sum3A_1324 = arith.constant dense<0.000000e+00> : vector<1xf32>
    %reduce_sum3A_1325 = vector.multi_reduction <add>, %mul3A_1323, %reduce_sum3A_1324 [1] : vector<1x256xf32> to vector<1xf32>
    %broadcast_in_dim3A_1326 = vector.shape_cast %reduce_sum3A_1325 : vector<1xf32> to vector<1x1xf32>
    %sqrt3A_1327 = math.sqrt %broadcast_in_dim3A_1326 : vector<1x1xf32>
    %slice3A_1328 = vector.extract_strided_slice %broadcast_in_dim3A_180 {offsets = [1, 0], sizes = [1, 1], strides = [1, 1]} : vector<8x1xf32> to vector<1x1xf32>
    %slice3A_1329 = vector.extract_strided_slice %broadcast_in_dim3A_341 {offsets = [0, 0], sizes = [1, 1], strides = [1, 1]} : vector<8x1xf32> to vector<1x1xf32>
    %gt3A = arith.constant 0.000000e+00 : f32
    %gt3A_1330 = vector.broadcast %gt3A : f32 to vector<1x1xf32>
    %gt3A_1331 = arith.cmpf ogt, %slice3A_1328, %gt3A_1330 : vector<1x1xf32>
    %gt3A_1332 = arith.constant 0.000000e+00 : f32
    %gt3A_1333 = vector.broadcast %gt3A_1332 : f32 to vector<1x1xf32>
    %gt3A_1334 = arith.cmpf ogt, %slice3A_1329, %gt3A_1333 : vector<1x1xf32>
    %and3A_1335 = arith.andi %gt3A_1331, %gt3A_1334 : vector<1x1xi1>
    %jit3A = arith.constant 0.000000e+00 : f32
    %broadcast_in_dim3A_1336 = vector.broadcast %jit3A : f32 to vector<1x1xf32>
    %select_n3A = arith.select %and3A_1335, %sqrt3A_1327, %broadcast_in_dim3A_1336 : vector<1x1xi1>, vector<1x1xf32>
    %add3A_1337 = arith.addf %broadcast_in_dim3A_1316, %select_n3A : vector<1x1xf32>
    %slice3A_1338 = vector.extract_strided_slice %div3A_187 {offsets = [2, 0], sizes = [1, 256], strides = [1, 1]} : vector<8x256xf32> to vector<1x256xf32>
    %slice3A_1339 = vector.extract_strided_slice %div3A_509 {offsets = [0, 0], sizes = [1, 256], strides = [1, 1]} : vector<8x256xf32> to vector<1x256xf32>
    %sub3A_1340 = arith.subf %slice3A_1338, %slice3A_1339 : vector<1x256xf32>
    %add3A_1341 = arith.constant 9.99999997E-7 : f32
    %add3A_1342 = vector.broadcast %add3A_1341 : f32 to vector<1x256xf32>
    %add3A_1343 = arith.addf %sub3A_1340, %add3A_1342 : vector<1x256xf32>
    %mul3A_1344 = arith.mulf %add3A_1343, %add3A_1343 : vector<1x256xf32>
    %reduce_sum3A_1345 = arith.constant dense<0.000000e+00> : vector<1xf32>
    %reduce_sum3A_1346 = vector.multi_reduction <add>, %mul3A_1344, %reduce_sum3A_1345 [1] : vector<1x256xf32> to vector<1xf32>
    %broadcast_in_dim3A_1347 = vector.shape_cast %reduce_sum3A_1346 : vector<1xf32> to vector<1x1xf32>
    %sqrt3A_1348 = math.sqrt %broadcast_in_dim3A_1347 : vector<1x1xf32>
    %slice3A_1349 = vector.extract_strided_slice %broadcast_in_dim3A_180 {offsets = [2, 0], sizes = [1, 1], strides = [1, 1]} : vector<8x1xf32> to vector<1x1xf32>
    %slice3A_1350 = vector.extract_strided_slice %broadcast_in_dim3A_502 {offsets = [0, 0], sizes = [1, 1], strides = [1, 1]} : vector<8x1xf32> to vector<1x1xf32>
    %gt3A_1351 = arith.constant 0.000000e+00 : f32
    %gt3A_1352 = vector.broadcast %gt3A_1351 : f32 to vector<1x1xf32>
    %gt3A_1353 = arith.cmpf ogt, %slice3A_1349, %gt3A_1352 : vector<1x1xf32>
    %gt3A_1354 = arith.constant 0.000000e+00 : f32
    %gt3A_1355 = vector.broadcast %gt3A_1354 : f32 to vector<1x1xf32>
    %gt3A_1356 = arith.cmpf ogt, %slice3A_1350, %gt3A_1355 : vector<1x1xf32>
    %and3A_1357 = arith.andi %gt3A_1353, %gt3A_1356 : vector<1x1xi1>
    %jit3A_1358 = arith.constant 0.000000e+00 : f32
    %broadcast_in_dim3A_1359 = vector.broadcast %jit3A_1358 : f32 to vector<1x1xf32>
    %select_n3A_1360 = arith.select %and3A_1357, %sqrt3A_1348, %broadcast_in_dim3A_1359 : vector<1x1xi1>, vector<1x1xf32>
    %add3A_1361 = arith.addf %add3A_1337, %select_n3A_1360 : vector<1x1xf32>
    %slice3A_1362 = vector.extract_strided_slice %div3A_187 {offsets = [3, 0], sizes = [1, 256], strides = [1, 1]} : vector<8x256xf32> to vector<1x256xf32>
    %slice3A_1363 = vector.extract_strided_slice %div3A_670 {offsets = [0, 0], sizes = [1, 256], strides = [1, 1]} : vector<8x256xf32> to vector<1x256xf32>
    %sub3A_1364 = arith.subf %slice3A_1362, %slice3A_1363 : vector<1x256xf32>
    %add3A_1365 = arith.constant 9.99999997E-7 : f32
    %add3A_1366 = vector.broadcast %add3A_1365 : f32 to vector<1x256xf32>
    %add3A_1367 = arith.addf %sub3A_1364, %add3A_1366 : vector<1x256xf32>
    %mul3A_1368 = arith.mulf %add3A_1367, %add3A_1367 : vector<1x256xf32>
    %reduce_sum3A_1369 = arith.constant dense<0.000000e+00> : vector<1xf32>
    %reduce_sum3A_1370 = vector.multi_reduction <add>, %mul3A_1368, %reduce_sum3A_1369 [1] : vector<1x256xf32> to vector<1xf32>
    %broadcast_in_dim3A_1371 = vector.shape_cast %reduce_sum3A_1370 : vector<1xf32> to vector<1x1xf32>
    %sqrt3A_1372 = math.sqrt %broadcast_in_dim3A_1371 : vector<1x1xf32>
    %slice3A_1373 = vector.extract_strided_slice %broadcast_in_dim3A_180 {offsets = [3, 0], sizes = [1, 1], strides = [1, 1]} : vector<8x1xf32> to vector<1x1xf32>
    %slice3A_1374 = vector.extract_strided_slice %broadcast_in_dim3A_663 {offsets = [0, 0], sizes = [1, 1], strides = [1, 1]} : vector<8x1xf32> to vector<1x1xf32>
    %gt3A_1375 = arith.constant 0.000000e+00 : f32
    %gt3A_1376 = vector.broadcast %gt3A_1375 : f32 to vector<1x1xf32>
    %gt3A_1377 = arith.cmpf ogt, %slice3A_1373, %gt3A_1376 : vector<1x1xf32>
    %gt3A_1378 = arith.constant 0.000000e+00 : f32
    %gt3A_1379 = vector.broadcast %gt3A_1378 : f32 to vector<1x1xf32>
    %gt3A_1380 = arith.cmpf ogt, %slice3A_1374, %gt3A_1379 : vector<1x1xf32>
    %and3A_1381 = arith.andi %gt3A_1377, %gt3A_1380 : vector<1x1xi1>
    %jit3A_1382 = arith.constant 0.000000e+00 : f32
    %broadcast_in_dim3A_1383 = vector.broadcast %jit3A_1382 : f32 to vector<1x1xf32>
    %select_n3A_1384 = arith.select %and3A_1381, %sqrt3A_1372, %broadcast_in_dim3A_1383 : vector<1x1xi1>, vector<1x1xf32>
    %add3A_1385 = arith.addf %add3A_1361, %select_n3A_1384 : vector<1x1xf32>
    %slice3A_1386 = vector.extract_strided_slice %div3A_187 {offsets = [4, 0], sizes = [1, 256], strides = [1, 1]} : vector<8x256xf32> to vector<1x256xf32>
    %slice3A_1387 = vector.extract_strided_slice %div3A_831 {offsets = [0, 0], sizes = [1, 256], strides = [1, 1]} : vector<8x256xf32> to vector<1x256xf32>
    %sub3A_1388 = arith.subf %slice3A_1386, %slice3A_1387 : vector<1x256xf32>
    %add3A_1389 = arith.constant 9.99999997E-7 : f32
    %add3A_1390 = vector.broadcast %add3A_1389 : f32 to vector<1x256xf32>
    %add3A_1391 = arith.addf %sub3A_1388, %add3A_1390 : vector<1x256xf32>
    %mul3A_1392 = arith.mulf %add3A_1391, %add3A_1391 : vector<1x256xf32>
    %reduce_sum3A_1393 = arith.constant dense<0.000000e+00> : vector<1xf32>
    %reduce_sum3A_1394 = vector.multi_reduction <add>, %mul3A_1392, %reduce_sum3A_1393 [1] : vector<1x256xf32> to vector<1xf32>
    %broadcast_in_dim3A_1395 = vector.shape_cast %reduce_sum3A_1394 : vector<1xf32> to vector<1x1xf32>
    %sqrt3A_1396 = math.sqrt %broadcast_in_dim3A_1395 : vector<1x1xf32>
    %slice3A_1397 = vector.extract_strided_slice %broadcast_in_dim3A_180 {offsets = [4, 0], sizes = [1, 1], strides = [1, 1]} : vector<8x1xf32> to vector<1x1xf32>
    %slice3A_1398 = vector.extract_strided_slice %broadcast_in_dim3A_824 {offsets = [0, 0], sizes = [1, 1], strides = [1, 1]} : vector<8x1xf32> to vector<1x1xf32>
    %gt3A_1399 = arith.constant 0.000000e+00 : f32
    %gt3A_1400 = vector.broadcast %gt3A_1399 : f32 to vector<1x1xf32>
    %gt3A_1401 = arith.cmpf ogt, %slice3A_1397, %gt3A_1400 : vector<1x1xf32>
    %gt3A_1402 = arith.constant 0.000000e+00 : f32
    %gt3A_1403 = vector.broadcast %gt3A_1402 : f32 to vector<1x1xf32>
    %gt3A_1404 = arith.cmpf ogt, %slice3A_1398, %gt3A_1403 : vector<1x1xf32>
    %and3A_1405 = arith.andi %gt3A_1401, %gt3A_1404 : vector<1x1xi1>
    %jit3A_1406 = arith.constant 0.000000e+00 : f32
    %broadcast_in_dim3A_1407 = vector.broadcast %jit3A_1406 : f32 to vector<1x1xf32>
    %select_n3A_1408 = arith.select %and3A_1405, %sqrt3A_1396, %broadcast_in_dim3A_1407 : vector<1x1xi1>, vector<1x1xf32>
    %add3A_1409 = arith.addf %add3A_1385, %select_n3A_1408 : vector<1x1xf32>
    %slice3A_1410 = vector.extract_strided_slice %div3A_187 {offsets = [5, 0], sizes = [1, 256], strides = [1, 1]} : vector<8x256xf32> to vector<1x256xf32>
    %slice3A_1411 = vector.extract_strided_slice %div3A_992 {offsets = [0, 0], sizes = [1, 256], strides = [1, 1]} : vector<8x256xf32> to vector<1x256xf32>
    %sub3A_1412 = arith.subf %slice3A_1410, %slice3A_1411 : vector<1x256xf32>
    %add3A_1413 = arith.constant 9.99999997E-7 : f32
    %add3A_1414 = vector.broadcast %add3A_1413 : f32 to vector<1x256xf32>
    %add3A_1415 = arith.addf %sub3A_1412, %add3A_1414 : vector<1x256xf32>
    %mul3A_1416 = arith.mulf %add3A_1415, %add3A_1415 : vector<1x256xf32>
    %reduce_sum3A_1417 = arith.constant dense<0.000000e+00> : vector<1xf32>
    %reduce_sum3A_1418 = vector.multi_reduction <add>, %mul3A_1416, %reduce_sum3A_1417 [1] : vector<1x256xf32> to vector<1xf32>
    %broadcast_in_dim3A_1419 = vector.shape_cast %reduce_sum3A_1418 : vector<1xf32> to vector<1x1xf32>
    %sqrt3A_1420 = math.sqrt %broadcast_in_dim3A_1419 : vector<1x1xf32>
    %slice3A_1421 = vector.extract_strided_slice %broadcast_in_dim3A_180 {offsets = [5, 0], sizes = [1, 1], strides = [1, 1]} : vector<8x1xf32> to vector<1x1xf32>
    %slice3A_1422 = vector.extract_strided_slice %broadcast_in_dim3A_985 {offsets = [0, 0], sizes = [1, 1], strides = [1, 1]} : vector<8x1xf32> to vector<1x1xf32>
    %gt3A_1423 = arith.constant 0.000000e+00 : f32
    %gt3A_1424 = vector.broadcast %gt3A_1423 : f32 to vector<1x1xf32>
    %gt3A_1425 = arith.cmpf ogt, %slice3A_1421, %gt3A_1424 : vector<1x1xf32>
    %gt3A_1426 = arith.constant 0.000000e+00 : f32
    %gt3A_1427 = vector.broadcast %gt3A_1426 : f32 to vector<1x1xf32>
    %gt3A_1428 = arith.cmpf ogt, %slice3A_1422, %gt3A_1427 : vector<1x1xf32>
    %and3A_1429 = arith.andi %gt3A_1425, %gt3A_1428 : vector<1x1xi1>
    %jit3A_1430 = arith.constant 0.000000e+00 : f32
    %broadcast_in_dim3A_1431 = vector.broadcast %jit3A_1430 : f32 to vector<1x1xf32>
    %select_n3A_1432 = arith.select %and3A_1429, %sqrt3A_1420, %broadcast_in_dim3A_1431 : vector<1x1xi1>, vector<1x1xf32>
    %add3A_1433 = arith.addf %add3A_1409, %select_n3A_1432 : vector<1x1xf32>
    %slice3A_1434 = vector.extract_strided_slice %div3A_187 {offsets = [6, 0], sizes = [1, 256], strides = [1, 1]} : vector<8x256xf32> to vector<1x256xf32>
    %slice3A_1435 = vector.extract_strided_slice %div3A_1153 {offsets = [0, 0], sizes = [1, 256], strides = [1, 1]} : vector<8x256xf32> to vector<1x256xf32>
    %sub3A_1436 = arith.subf %slice3A_1434, %slice3A_1435 : vector<1x256xf32>
    %add3A_1437 = arith.constant 9.99999997E-7 : f32
    %add3A_1438 = vector.broadcast %add3A_1437 : f32 to vector<1x256xf32>
    %add3A_1439 = arith.addf %sub3A_1436, %add3A_1438 : vector<1x256xf32>
    %mul3A_1440 = arith.mulf %add3A_1439, %add3A_1439 : vector<1x256xf32>
    %reduce_sum3A_1441 = arith.constant dense<0.000000e+00> : vector<1xf32>
    %reduce_sum3A_1442 = vector.multi_reduction <add>, %mul3A_1440, %reduce_sum3A_1441 [1] : vector<1x256xf32> to vector<1xf32>
    %broadcast_in_dim3A_1443 = vector.shape_cast %reduce_sum3A_1442 : vector<1xf32> to vector<1x1xf32>
    %sqrt3A_1444 = math.sqrt %broadcast_in_dim3A_1443 : vector<1x1xf32>
    %slice3A_1445 = vector.extract_strided_slice %broadcast_in_dim3A_180 {offsets = [6, 0], sizes = [1, 1], strides = [1, 1]} : vector<8x1xf32> to vector<1x1xf32>
    %slice3A_1446 = vector.extract_strided_slice %broadcast_in_dim3A_1146 {offsets = [0, 0], sizes = [1, 1], strides = [1, 1]} : vector<8x1xf32> to vector<1x1xf32>
    %gt3A_1447 = arith.constant 0.000000e+00 : f32
    %gt3A_1448 = vector.broadcast %gt3A_1447 : f32 to vector<1x1xf32>
    %gt3A_1449 = arith.cmpf ogt, %slice3A_1445, %gt3A_1448 : vector<1x1xf32>
    %gt3A_1450 = arith.constant 0.000000e+00 : f32
    %gt3A_1451 = vector.broadcast %gt3A_1450 : f32 to vector<1x1xf32>
    %gt3A_1452 = arith.cmpf ogt, %slice3A_1446, %gt3A_1451 : vector<1x1xf32>
    %and3A_1453 = arith.andi %gt3A_1449, %gt3A_1452 : vector<1x1xi1>
    %jit3A_1454 = arith.constant 0.000000e+00 : f32
    %broadcast_in_dim3A_1455 = vector.broadcast %jit3A_1454 : f32 to vector<1x1xf32>
    %select_n3A_1456 = arith.select %and3A_1453, %sqrt3A_1444, %broadcast_in_dim3A_1455 : vector<1x1xi1>, vector<1x1xf32>
    %add3A_1457 = arith.addf %add3A_1433, %select_n3A_1456 : vector<1x1xf32>
    %slice3A_1458 = vector.extract_strided_slice %div3A_187 {offsets = [7, 0], sizes = [1, 256], strides = [1, 1]} : vector<8x256xf32> to vector<1x256xf32>
    %slice3A_1459 = vector.extract_strided_slice %div3A_1314 {offsets = [0, 0], sizes = [1, 256], strides = [1, 1]} : vector<8x256xf32> to vector<1x256xf32>
    %sub3A_1460 = arith.subf %slice3A_1458, %slice3A_1459 : vector<1x256xf32>
    %add3A_1461 = arith.constant 9.99999997E-7 : f32
    %add3A_1462 = vector.broadcast %add3A_1461 : f32 to vector<1x256xf32>
    %add3A_1463 = arith.addf %sub3A_1460, %add3A_1462 : vector<1x256xf32>
    %mul3A_1464 = arith.mulf %add3A_1463, %add3A_1463 : vector<1x256xf32>
    %reduce_sum3A_1465 = arith.constant dense<0.000000e+00> : vector<1xf32>
    %reduce_sum3A_1466 = vector.multi_reduction <add>, %mul3A_1464, %reduce_sum3A_1465 [1] : vector<1x256xf32> to vector<1xf32>
    %broadcast_in_dim3A_1467 = vector.shape_cast %reduce_sum3A_1466 : vector<1xf32> to vector<1x1xf32>
    %sqrt3A_1468 = math.sqrt %broadcast_in_dim3A_1467 : vector<1x1xf32>
    %slice3A_1469 = vector.extract_strided_slice %broadcast_in_dim3A_180 {offsets = [7, 0], sizes = [1, 1], strides = [1, 1]} : vector<8x1xf32> to vector<1x1xf32>
    %slice3A_1470 = vector.extract_strided_slice %broadcast_in_dim3A_1307 {offsets = [0, 0], sizes = [1, 1], strides = [1, 1]} : vector<8x1xf32> to vector<1x1xf32>
    %gt3A_1471 = arith.constant 0.000000e+00 : f32
    %gt3A_1472 = vector.broadcast %gt3A_1471 : f32 to vector<1x1xf32>
    %gt3A_1473 = arith.cmpf ogt, %slice3A_1469, %gt3A_1472 : vector<1x1xf32>
    %gt3A_1474 = arith.constant 0.000000e+00 : f32
    %gt3A_1475 = vector.broadcast %gt3A_1474 : f32 to vector<1x1xf32>
    %gt3A_1476 = arith.cmpf ogt, %slice3A_1470, %gt3A_1475 : vector<1x1xf32>
    %and3A_1477 = arith.andi %gt3A_1473, %gt3A_1476 : vector<1x1xi1>
    %jit3A_1478 = arith.constant 0.000000e+00 : f32
    %broadcast_in_dim3A_1479 = vector.broadcast %jit3A_1478 : f32 to vector<1x1xf32>
    %select_n3A_1480 = arith.select %and3A_1477, %sqrt3A_1468, %broadcast_in_dim3A_1479 : vector<1x1xi1>, vector<1x1xf32>
    %add3A_1481 = arith.addf %add3A_1457, %select_n3A_1480 : vector<1x1xf32>
    %slice3A_1482 = vector.extract_strided_slice %div3A_348 {offsets = [2, 0], sizes = [1, 256], strides = [1, 1]} : vector<8x256xf32> to vector<1x256xf32>
    %slice3A_1483 = vector.extract_strided_slice %div3A_509 {offsets = [1, 0], sizes = [1, 256], strides = [1, 1]} : vector<8x256xf32> to vector<1x256xf32>
    %sub3A_1484 = arith.subf %slice3A_1482, %slice3A_1483 : vector<1x256xf32>
    %add3A_1485 = arith.constant 9.99999997E-7 : f32
    %add3A_1486 = vector.broadcast %add3A_1485 : f32 to vector<1x256xf32>
    %add3A_1487 = arith.addf %sub3A_1484, %add3A_1486 : vector<1x256xf32>
    %mul3A_1488 = arith.mulf %add3A_1487, %add3A_1487 : vector<1x256xf32>
    %reduce_sum3A_1489 = arith.constant dense<0.000000e+00> : vector<1xf32>
    %reduce_sum3A_1490 = vector.multi_reduction <add>, %mul3A_1488, %reduce_sum3A_1489 [1] : vector<1x256xf32> to vector<1xf32>
    %broadcast_in_dim3A_1491 = vector.shape_cast %reduce_sum3A_1490 : vector<1xf32> to vector<1x1xf32>
    %sqrt3A_1492 = math.sqrt %broadcast_in_dim3A_1491 : vector<1x1xf32>
    %slice3A_1493 = vector.extract_strided_slice %broadcast_in_dim3A_341 {offsets = [2, 0], sizes = [1, 1], strides = [1, 1]} : vector<8x1xf32> to vector<1x1xf32>
    %slice3A_1494 = vector.extract_strided_slice %broadcast_in_dim3A_502 {offsets = [1, 0], sizes = [1, 1], strides = [1, 1]} : vector<8x1xf32> to vector<1x1xf32>
    %gt3A_1495 = arith.constant 0.000000e+00 : f32
    %gt3A_1496 = vector.broadcast %gt3A_1495 : f32 to vector<1x1xf32>
    %gt3A_1497 = arith.cmpf ogt, %slice3A_1493, %gt3A_1496 : vector<1x1xf32>
    %gt3A_1498 = arith.constant 0.000000e+00 : f32
    %gt3A_1499 = vector.broadcast %gt3A_1498 : f32 to vector<1x1xf32>
    %gt3A_1500 = arith.cmpf ogt, %slice3A_1494, %gt3A_1499 : vector<1x1xf32>
    %and3A_1501 = arith.andi %gt3A_1497, %gt3A_1500 : vector<1x1xi1>
    %jit3A_1502 = arith.constant 0.000000e+00 : f32
    %broadcast_in_dim3A_1503 = vector.broadcast %jit3A_1502 : f32 to vector<1x1xf32>
    %select_n3A_1504 = arith.select %and3A_1501, %sqrt3A_1492, %broadcast_in_dim3A_1503 : vector<1x1xi1>, vector<1x1xf32>
    %add3A_1505 = arith.addf %add3A_1481, %select_n3A_1504 : vector<1x1xf32>
    %slice3A_1506 = vector.extract_strided_slice %div3A_348 {offsets = [3, 0], sizes = [1, 256], strides = [1, 1]} : vector<8x256xf32> to vector<1x256xf32>
    %slice3A_1507 = vector.extract_strided_slice %div3A_670 {offsets = [1, 0], sizes = [1, 256], strides = [1, 1]} : vector<8x256xf32> to vector<1x256xf32>
    %sub3A_1508 = arith.subf %slice3A_1506, %slice3A_1507 : vector<1x256xf32>
    %add3A_1509 = arith.constant 9.99999997E-7 : f32
    %add3A_1510 = vector.broadcast %add3A_1509 : f32 to vector<1x256xf32>
    %add3A_1511 = arith.addf %sub3A_1508, %add3A_1510 : vector<1x256xf32>
    %mul3A_1512 = arith.mulf %add3A_1511, %add3A_1511 : vector<1x256xf32>
    %reduce_sum3A_1513 = arith.constant dense<0.000000e+00> : vector<1xf32>
    %reduce_sum3A_1514 = vector.multi_reduction <add>, %mul3A_1512, %reduce_sum3A_1513 [1] : vector<1x256xf32> to vector<1xf32>
    %broadcast_in_dim3A_1515 = vector.shape_cast %reduce_sum3A_1514 : vector<1xf32> to vector<1x1xf32>
    %sqrt3A_1516 = math.sqrt %broadcast_in_dim3A_1515 : vector<1x1xf32>
    %slice3A_1517 = vector.extract_strided_slice %broadcast_in_dim3A_341 {offsets = [3, 0], sizes = [1, 1], strides = [1, 1]} : vector<8x1xf32> to vector<1x1xf32>
    %slice3A_1518 = vector.extract_strided_slice %broadcast_in_dim3A_663 {offsets = [1, 0], sizes = [1, 1], strides = [1, 1]} : vector<8x1xf32> to vector<1x1xf32>
    %gt3A_1519 = arith.constant 0.000000e+00 : f32
    %gt3A_1520 = vector.broadcast %gt3A_1519 : f32 to vector<1x1xf32>
    %gt3A_1521 = arith.cmpf ogt, %slice3A_1517, %gt3A_1520 : vector<1x1xf32>
    %gt3A_1522 = arith.constant 0.000000e+00 : f32
    %gt3A_1523 = vector.broadcast %gt3A_1522 : f32 to vector<1x1xf32>
    %gt3A_1524 = arith.cmpf ogt, %slice3A_1518, %gt3A_1523 : vector<1x1xf32>
    %and3A_1525 = arith.andi %gt3A_1521, %gt3A_1524 : vector<1x1xi1>
    %jit3A_1526 = arith.constant 0.000000e+00 : f32
    %broadcast_in_dim3A_1527 = vector.broadcast %jit3A_1526 : f32 to vector<1x1xf32>
    %select_n3A_1528 = arith.select %and3A_1525, %sqrt3A_1516, %broadcast_in_dim3A_1527 : vector<1x1xi1>, vector<1x1xf32>
    %add3A_1529 = arith.addf %add3A_1505, %select_n3A_1528 : vector<1x1xf32>
    %slice3A_1530 = vector.extract_strided_slice %div3A_348 {offsets = [4, 0], sizes = [1, 256], strides = [1, 1]} : vector<8x256xf32> to vector<1x256xf32>
    %slice3A_1531 = vector.extract_strided_slice %div3A_831 {offsets = [1, 0], sizes = [1, 256], strides = [1, 1]} : vector<8x256xf32> to vector<1x256xf32>
    %sub3A_1532 = arith.subf %slice3A_1530, %slice3A_1531 : vector<1x256xf32>
    %add3A_1533 = arith.constant 9.99999997E-7 : f32
    %add3A_1534 = vector.broadcast %add3A_1533 : f32 to vector<1x256xf32>
    %add3A_1535 = arith.addf %sub3A_1532, %add3A_1534 : vector<1x256xf32>
    %mul3A_1536 = arith.mulf %add3A_1535, %add3A_1535 : vector<1x256xf32>
    %reduce_sum3A_1537 = arith.constant dense<0.000000e+00> : vector<1xf32>
    %reduce_sum3A_1538 = vector.multi_reduction <add>, %mul3A_1536, %reduce_sum3A_1537 [1] : vector<1x256xf32> to vector<1xf32>
    %broadcast_in_dim3A_1539 = vector.shape_cast %reduce_sum3A_1538 : vector<1xf32> to vector<1x1xf32>
    %sqrt3A_1540 = math.sqrt %broadcast_in_dim3A_1539 : vector<1x1xf32>
    %slice3A_1541 = vector.extract_strided_slice %broadcast_in_dim3A_341 {offsets = [4, 0], sizes = [1, 1], strides = [1, 1]} : vector<8x1xf32> to vector<1x1xf32>
    %slice3A_1542 = vector.extract_strided_slice %broadcast_in_dim3A_824 {offsets = [1, 0], sizes = [1, 1], strides = [1, 1]} : vector<8x1xf32> to vector<1x1xf32>
    %gt3A_1543 = arith.constant 0.000000e+00 : f32
    %gt3A_1544 = vector.broadcast %gt3A_1543 : f32 to vector<1x1xf32>
    %gt3A_1545 = arith.cmpf ogt, %slice3A_1541, %gt3A_1544 : vector<1x1xf32>
    %gt3A_1546 = arith.constant 0.000000e+00 : f32
    %gt3A_1547 = vector.broadcast %gt3A_1546 : f32 to vector<1x1xf32>
    %gt3A_1548 = arith.cmpf ogt, %slice3A_1542, %gt3A_1547 : vector<1x1xf32>
    %and3A_1549 = arith.andi %gt3A_1545, %gt3A_1548 : vector<1x1xi1>
    %jit3A_1550 = arith.constant 0.000000e+00 : f32
    %broadcast_in_dim3A_1551 = vector.broadcast %jit3A_1550 : f32 to vector<1x1xf32>
    %select_n3A_1552 = arith.select %and3A_1549, %sqrt3A_1540, %broadcast_in_dim3A_1551 : vector<1x1xi1>, vector<1x1xf32>
    %add3A_1553 = arith.addf %add3A_1529, %select_n3A_1552 : vector<1x1xf32>
    %slice3A_1554 = vector.extract_strided_slice %div3A_348 {offsets = [5, 0], sizes = [1, 256], strides = [1, 1]} : vector<8x256xf32> to vector<1x256xf32>
    %slice3A_1555 = vector.extract_strided_slice %div3A_992 {offsets = [1, 0], sizes = [1, 256], strides = [1, 1]} : vector<8x256xf32> to vector<1x256xf32>
    %sub3A_1556 = arith.subf %slice3A_1554, %slice3A_1555 : vector<1x256xf32>
    %add3A_1557 = arith.constant 9.99999997E-7 : f32
    %add3A_1558 = vector.broadcast %add3A_1557 : f32 to vector<1x256xf32>
    %add3A_1559 = arith.addf %sub3A_1556, %add3A_1558 : vector<1x256xf32>
    %mul3A_1560 = arith.mulf %add3A_1559, %add3A_1559 : vector<1x256xf32>
    %reduce_sum3A_1561 = arith.constant dense<0.000000e+00> : vector<1xf32>
    %reduce_sum3A_1562 = vector.multi_reduction <add>, %mul3A_1560, %reduce_sum3A_1561 [1] : vector<1x256xf32> to vector<1xf32>
    %broadcast_in_dim3A_1563 = vector.shape_cast %reduce_sum3A_1562 : vector<1xf32> to vector<1x1xf32>
    %sqrt3A_1564 = math.sqrt %broadcast_in_dim3A_1563 : vector<1x1xf32>
    %slice3A_1565 = vector.extract_strided_slice %broadcast_in_dim3A_341 {offsets = [5, 0], sizes = [1, 1], strides = [1, 1]} : vector<8x1xf32> to vector<1x1xf32>
    %slice3A_1566 = vector.extract_strided_slice %broadcast_in_dim3A_985 {offsets = [1, 0], sizes = [1, 1], strides = [1, 1]} : vector<8x1xf32> to vector<1x1xf32>
    %gt3A_1567 = arith.constant 0.000000e+00 : f32
    %gt3A_1568 = vector.broadcast %gt3A_1567 : f32 to vector<1x1xf32>
    %gt3A_1569 = arith.cmpf ogt, %slice3A_1565, %gt3A_1568 : vector<1x1xf32>
    %gt3A_1570 = arith.constant 0.000000e+00 : f32
    %gt3A_1571 = vector.broadcast %gt3A_1570 : f32 to vector<1x1xf32>
    %gt3A_1572 = arith.cmpf ogt, %slice3A_1566, %gt3A_1571 : vector<1x1xf32>
    %and3A_1573 = arith.andi %gt3A_1569, %gt3A_1572 : vector<1x1xi1>
    %jit3A_1574 = arith.constant 0.000000e+00 : f32
    %broadcast_in_dim3A_1575 = vector.broadcast %jit3A_1574 : f32 to vector<1x1xf32>
    %select_n3A_1576 = arith.select %and3A_1573, %sqrt3A_1564, %broadcast_in_dim3A_1575 : vector<1x1xi1>, vector<1x1xf32>
    %add3A_1577 = arith.addf %add3A_1553, %select_n3A_1576 : vector<1x1xf32>
    %slice3A_1578 = vector.extract_strided_slice %div3A_348 {offsets = [6, 0], sizes = [1, 256], strides = [1, 1]} : vector<8x256xf32> to vector<1x256xf32>
    %slice3A_1579 = vector.extract_strided_slice %div3A_1153 {offsets = [1, 0], sizes = [1, 256], strides = [1, 1]} : vector<8x256xf32> to vector<1x256xf32>
    %sub3A_1580 = arith.subf %slice3A_1578, %slice3A_1579 : vector<1x256xf32>
    %add3A_1581 = arith.constant 9.99999997E-7 : f32
    %add3A_1582 = vector.broadcast %add3A_1581 : f32 to vector<1x256xf32>
    %add3A_1583 = arith.addf %sub3A_1580, %add3A_1582 : vector<1x256xf32>
    %mul3A_1584 = arith.mulf %add3A_1583, %add3A_1583 : vector<1x256xf32>
    %reduce_sum3A_1585 = arith.constant dense<0.000000e+00> : vector<1xf32>
    %reduce_sum3A_1586 = vector.multi_reduction <add>, %mul3A_1584, %reduce_sum3A_1585 [1] : vector<1x256xf32> to vector<1xf32>
    %broadcast_in_dim3A_1587 = vector.shape_cast %reduce_sum3A_1586 : vector<1xf32> to vector<1x1xf32>
    %sqrt3A_1588 = math.sqrt %broadcast_in_dim3A_1587 : vector<1x1xf32>
    %slice3A_1589 = vector.extract_strided_slice %broadcast_in_dim3A_341 {offsets = [6, 0], sizes = [1, 1], strides = [1, 1]} : vector<8x1xf32> to vector<1x1xf32>
    %slice3A_1590 = vector.extract_strided_slice %broadcast_in_dim3A_1146 {offsets = [1, 0], sizes = [1, 1], strides = [1, 1]} : vector<8x1xf32> to vector<1x1xf32>
    %gt3A_1591 = arith.constant 0.000000e+00 : f32
    %gt3A_1592 = vector.broadcast %gt3A_1591 : f32 to vector<1x1xf32>
    %gt3A_1593 = arith.cmpf ogt, %slice3A_1589, %gt3A_1592 : vector<1x1xf32>
    %gt3A_1594 = arith.constant 0.000000e+00 : f32
    %gt3A_1595 = vector.broadcast %gt3A_1594 : f32 to vector<1x1xf32>
    %gt3A_1596 = arith.cmpf ogt, %slice3A_1590, %gt3A_1595 : vector<1x1xf32>
    %and3A_1597 = arith.andi %gt3A_1593, %gt3A_1596 : vector<1x1xi1>
    %jit3A_1598 = arith.constant 0.000000e+00 : f32
    %broadcast_in_dim3A_1599 = vector.broadcast %jit3A_1598 : f32 to vector<1x1xf32>
    %select_n3A_1600 = arith.select %and3A_1597, %sqrt3A_1588, %broadcast_in_dim3A_1599 : vector<1x1xi1>, vector<1x1xf32>
    %add3A_1601 = arith.addf %add3A_1577, %select_n3A_1600 : vector<1x1xf32>
    %slice3A_1602 = vector.extract_strided_slice %div3A_348 {offsets = [7, 0], sizes = [1, 256], strides = [1, 1]} : vector<8x256xf32> to vector<1x256xf32>
    %slice3A_1603 = vector.extract_strided_slice %div3A_1314 {offsets = [1, 0], sizes = [1, 256], strides = [1, 1]} : vector<8x256xf32> to vector<1x256xf32>
    %sub3A_1604 = arith.subf %slice3A_1602, %slice3A_1603 : vector<1x256xf32>
    %add3A_1605 = arith.constant 9.99999997E-7 : f32
    %add3A_1606 = vector.broadcast %add3A_1605 : f32 to vector<1x256xf32>
    %add3A_1607 = arith.addf %sub3A_1604, %add3A_1606 : vector<1x256xf32>
    %mul3A_1608 = arith.mulf %add3A_1607, %add3A_1607 : vector<1x256xf32>
    %reduce_sum3A_1609 = arith.constant dense<0.000000e+00> : vector<1xf32>
    %reduce_sum3A_1610 = vector.multi_reduction <add>, %mul3A_1608, %reduce_sum3A_1609 [1] : vector<1x256xf32> to vector<1xf32>
    %broadcast_in_dim3A_1611 = vector.shape_cast %reduce_sum3A_1610 : vector<1xf32> to vector<1x1xf32>
    %sqrt3A_1612 = math.sqrt %broadcast_in_dim3A_1611 : vector<1x1xf32>
    %slice3A_1613 = vector.extract_strided_slice %broadcast_in_dim3A_341 {offsets = [7, 0], sizes = [1, 1], strides = [1, 1]} : vector<8x1xf32> to vector<1x1xf32>
    %slice3A_1614 = vector.extract_strided_slice %broadcast_in_dim3A_1307 {offsets = [1, 0], sizes = [1, 1], strides = [1, 1]} : vector<8x1xf32> to vector<1x1xf32>
    %gt3A_1615 = arith.constant 0.000000e+00 : f32
    %gt3A_1616 = vector.broadcast %gt3A_1615 : f32 to vector<1x1xf32>
    %gt3A_1617 = arith.cmpf ogt, %slice3A_1613, %gt3A_1616 : vector<1x1xf32>
    %gt3A_1618 = arith.constant 0.000000e+00 : f32
    %gt3A_1619 = vector.broadcast %gt3A_1618 : f32 to vector<1x1xf32>
    %gt3A_1620 = arith.cmpf ogt, %slice3A_1614, %gt3A_1619 : vector<1x1xf32>
    %and3A_1621 = arith.andi %gt3A_1617, %gt3A_1620 : vector<1x1xi1>
    %jit3A_1622 = arith.constant 0.000000e+00 : f32
    %broadcast_in_dim3A_1623 = vector.broadcast %jit3A_1622 : f32 to vector<1x1xf32>
    %select_n3A_1624 = arith.select %and3A_1621, %sqrt3A_1612, %broadcast_in_dim3A_1623 : vector<1x1xi1>, vector<1x1xf32>
    %add3A_1625 = arith.addf %add3A_1601, %select_n3A_1624 : vector<1x1xf32>
    %slice3A_1626 = vector.extract_strided_slice %div3A_509 {offsets = [3, 0], sizes = [1, 256], strides = [1, 1]} : vector<8x256xf32> to vector<1x256xf32>
    %slice3A_1627 = vector.extract_strided_slice %div3A_670 {offsets = [2, 0], sizes = [1, 256], strides = [1, 1]} : vector<8x256xf32> to vector<1x256xf32>
    %sub3A_1628 = arith.subf %slice3A_1626, %slice3A_1627 : vector<1x256xf32>
    %add3A_1629 = arith.constant 9.99999997E-7 : f32
    %add3A_1630 = vector.broadcast %add3A_1629 : f32 to vector<1x256xf32>
    %add3A_1631 = arith.addf %sub3A_1628, %add3A_1630 : vector<1x256xf32>
    %mul3A_1632 = arith.mulf %add3A_1631, %add3A_1631 : vector<1x256xf32>
    %reduce_sum3A_1633 = arith.constant dense<0.000000e+00> : vector<1xf32>
    %reduce_sum3A_1634 = vector.multi_reduction <add>, %mul3A_1632, %reduce_sum3A_1633 [1] : vector<1x256xf32> to vector<1xf32>
    %broadcast_in_dim3A_1635 = vector.shape_cast %reduce_sum3A_1634 : vector<1xf32> to vector<1x1xf32>
    %sqrt3A_1636 = math.sqrt %broadcast_in_dim3A_1635 : vector<1x1xf32>
    %slice3A_1637 = vector.extract_strided_slice %broadcast_in_dim3A_502 {offsets = [3, 0], sizes = [1, 1], strides = [1, 1]} : vector<8x1xf32> to vector<1x1xf32>
    %slice3A_1638 = vector.extract_strided_slice %broadcast_in_dim3A_663 {offsets = [2, 0], sizes = [1, 1], strides = [1, 1]} : vector<8x1xf32> to vector<1x1xf32>
    %gt3A_1639 = arith.constant 0.000000e+00 : f32
    %gt3A_1640 = vector.broadcast %gt3A_1639 : f32 to vector<1x1xf32>
    %gt3A_1641 = arith.cmpf ogt, %slice3A_1637, %gt3A_1640 : vector<1x1xf32>
    %gt3A_1642 = arith.constant 0.000000e+00 : f32
    %gt3A_1643 = vector.broadcast %gt3A_1642 : f32 to vector<1x1xf32>
    %gt3A_1644 = arith.cmpf ogt, %slice3A_1638, %gt3A_1643 : vector<1x1xf32>
    %and3A_1645 = arith.andi %gt3A_1641, %gt3A_1644 : vector<1x1xi1>
    %jit3A_1646 = arith.constant 0.000000e+00 : f32
    %broadcast_in_dim3A_1647 = vector.broadcast %jit3A_1646 : f32 to vector<1x1xf32>
    %select_n3A_1648 = arith.select %and3A_1645, %sqrt3A_1636, %broadcast_in_dim3A_1647 : vector<1x1xi1>, vector<1x1xf32>
    %add3A_1649 = arith.addf %add3A_1625, %select_n3A_1648 : vector<1x1xf32>
    %slice3A_1650 = vector.extract_strided_slice %div3A_509 {offsets = [4, 0], sizes = [1, 256], strides = [1, 1]} : vector<8x256xf32> to vector<1x256xf32>
    %slice3A_1651 = vector.extract_strided_slice %div3A_831 {offsets = [2, 0], sizes = [1, 256], strides = [1, 1]} : vector<8x256xf32> to vector<1x256xf32>
    %sub3A_1652 = arith.subf %slice3A_1650, %slice3A_1651 : vector<1x256xf32>
    %add3A_1653 = arith.constant 9.99999997E-7 : f32
    %add3A_1654 = vector.broadcast %add3A_1653 : f32 to vector<1x256xf32>
    %add3A_1655 = arith.addf %sub3A_1652, %add3A_1654 : vector<1x256xf32>
    %mul3A_1656 = arith.mulf %add3A_1655, %add3A_1655 : vector<1x256xf32>
    %reduce_sum3A_1657 = arith.constant dense<0.000000e+00> : vector<1xf32>
    %reduce_sum3A_1658 = vector.multi_reduction <add>, %mul3A_1656, %reduce_sum3A_1657 [1] : vector<1x256xf32> to vector<1xf32>
    %broadcast_in_dim3A_1659 = vector.shape_cast %reduce_sum3A_1658 : vector<1xf32> to vector<1x1xf32>
    %sqrt3A_1660 = math.sqrt %broadcast_in_dim3A_1659 : vector<1x1xf32>
    %slice3A_1661 = vector.extract_strided_slice %broadcast_in_dim3A_502 {offsets = [4, 0], sizes = [1, 1], strides = [1, 1]} : vector<8x1xf32> to vector<1x1xf32>
    %slice3A_1662 = vector.extract_strided_slice %broadcast_in_dim3A_824 {offsets = [2, 0], sizes = [1, 1], strides = [1, 1]} : vector<8x1xf32> to vector<1x1xf32>
    %gt3A_1663 = arith.constant 0.000000e+00 : f32
    %gt3A_1664 = vector.broadcast %gt3A_1663 : f32 to vector<1x1xf32>
    %gt3A_1665 = arith.cmpf ogt, %slice3A_1661, %gt3A_1664 : vector<1x1xf32>
    %gt3A_1666 = arith.constant 0.000000e+00 : f32
    %gt3A_1667 = vector.broadcast %gt3A_1666 : f32 to vector<1x1xf32>
    %gt3A_1668 = arith.cmpf ogt, %slice3A_1662, %gt3A_1667 : vector<1x1xf32>
    %and3A_1669 = arith.andi %gt3A_1665, %gt3A_1668 : vector<1x1xi1>
    %jit3A_1670 = arith.constant 0.000000e+00 : f32
    %broadcast_in_dim3A_1671 = vector.broadcast %jit3A_1670 : f32 to vector<1x1xf32>
    %select_n3A_1672 = arith.select %and3A_1669, %sqrt3A_1660, %broadcast_in_dim3A_1671 : vector<1x1xi1>, vector<1x1xf32>
    %add3A_1673 = arith.addf %add3A_1649, %select_n3A_1672 : vector<1x1xf32>
    %slice3A_1674 = vector.extract_strided_slice %div3A_509 {offsets = [5, 0], sizes = [1, 256], strides = [1, 1]} : vector<8x256xf32> to vector<1x256xf32>
    %slice3A_1675 = vector.extract_strided_slice %div3A_992 {offsets = [2, 0], sizes = [1, 256], strides = [1, 1]} : vector<8x256xf32> to vector<1x256xf32>
    %sub3A_1676 = arith.subf %slice3A_1674, %slice3A_1675 : vector<1x256xf32>
    %add3A_1677 = arith.constant 9.99999997E-7 : f32
    %add3A_1678 = vector.broadcast %add3A_1677 : f32 to vector<1x256xf32>
    %add3A_1679 = arith.addf %sub3A_1676, %add3A_1678 : vector<1x256xf32>
    %mul3A_1680 = arith.mulf %add3A_1679, %add3A_1679 : vector<1x256xf32>
    %reduce_sum3A_1681 = arith.constant dense<0.000000e+00> : vector<1xf32>
    %reduce_sum3A_1682 = vector.multi_reduction <add>, %mul3A_1680, %reduce_sum3A_1681 [1] : vector<1x256xf32> to vector<1xf32>
    %broadcast_in_dim3A_1683 = vector.shape_cast %reduce_sum3A_1682 : vector<1xf32> to vector<1x1xf32>
    %sqrt3A_1684 = math.sqrt %broadcast_in_dim3A_1683 : vector<1x1xf32>
    %slice3A_1685 = vector.extract_strided_slice %broadcast_in_dim3A_502 {offsets = [5, 0], sizes = [1, 1], strides = [1, 1]} : vector<8x1xf32> to vector<1x1xf32>
    %slice3A_1686 = vector.extract_strided_slice %broadcast_in_dim3A_985 {offsets = [2, 0], sizes = [1, 1], strides = [1, 1]} : vector<8x1xf32> to vector<1x1xf32>
    %gt3A_1687 = arith.constant 0.000000e+00 : f32
    %gt3A_1688 = vector.broadcast %gt3A_1687 : f32 to vector<1x1xf32>
    %gt3A_1689 = arith.cmpf ogt, %slice3A_1685, %gt3A_1688 : vector<1x1xf32>
    %gt3A_1690 = arith.constant 0.000000e+00 : f32
    %gt3A_1691 = vector.broadcast %gt3A_1690 : f32 to vector<1x1xf32>
    %gt3A_1692 = arith.cmpf ogt, %slice3A_1686, %gt3A_1691 : vector<1x1xf32>
    %and3A_1693 = arith.andi %gt3A_1689, %gt3A_1692 : vector<1x1xi1>
    %jit3A_1694 = arith.constant 0.000000e+00 : f32
    %broadcast_in_dim3A_1695 = vector.broadcast %jit3A_1694 : f32 to vector<1x1xf32>
    %select_n3A_1696 = arith.select %and3A_1693, %sqrt3A_1684, %broadcast_in_dim3A_1695 : vector<1x1xi1>, vector<1x1xf32>
    %add3A_1697 = arith.addf %add3A_1673, %select_n3A_1696 : vector<1x1xf32>
    %slice3A_1698 = vector.extract_strided_slice %div3A_509 {offsets = [6, 0], sizes = [1, 256], strides = [1, 1]} : vector<8x256xf32> to vector<1x256xf32>
    %slice3A_1699 = vector.extract_strided_slice %div3A_1153 {offsets = [2, 0], sizes = [1, 256], strides = [1, 1]} : vector<8x256xf32> to vector<1x256xf32>
    %sub3A_1700 = arith.subf %slice3A_1698, %slice3A_1699 : vector<1x256xf32>
    %add3A_1701 = arith.constant 9.99999997E-7 : f32
    %add3A_1702 = vector.broadcast %add3A_1701 : f32 to vector<1x256xf32>
    %add3A_1703 = arith.addf %sub3A_1700, %add3A_1702 : vector<1x256xf32>
    %mul3A_1704 = arith.mulf %add3A_1703, %add3A_1703 : vector<1x256xf32>
    %reduce_sum3A_1705 = arith.constant dense<0.000000e+00> : vector<1xf32>
    %reduce_sum3A_1706 = vector.multi_reduction <add>, %mul3A_1704, %reduce_sum3A_1705 [1] : vector<1x256xf32> to vector<1xf32>
    %broadcast_in_dim3A_1707 = vector.shape_cast %reduce_sum3A_1706 : vector<1xf32> to vector<1x1xf32>
    %sqrt3A_1708 = math.sqrt %broadcast_in_dim3A_1707 : vector<1x1xf32>
    %slice3A_1709 = vector.extract_strided_slice %broadcast_in_dim3A_502 {offsets = [6, 0], sizes = [1, 1], strides = [1, 1]} : vector<8x1xf32> to vector<1x1xf32>
    %slice3A_1710 = vector.extract_strided_slice %broadcast_in_dim3A_1146 {offsets = [2, 0], sizes = [1, 1], strides = [1, 1]} : vector<8x1xf32> to vector<1x1xf32>
    %gt3A_1711 = arith.constant 0.000000e+00 : f32
    %gt3A_1712 = vector.broadcast %gt3A_1711 : f32 to vector<1x1xf32>
    %gt3A_1713 = arith.cmpf ogt, %slice3A_1709, %gt3A_1712 : vector<1x1xf32>
    %gt3A_1714 = arith.constant 0.000000e+00 : f32
    %gt3A_1715 = vector.broadcast %gt3A_1714 : f32 to vector<1x1xf32>
    %gt3A_1716 = arith.cmpf ogt, %slice3A_1710, %gt3A_1715 : vector<1x1xf32>
    %and3A_1717 = arith.andi %gt3A_1713, %gt3A_1716 : vector<1x1xi1>
    %jit3A_1718 = arith.constant 0.000000e+00 : f32
    %broadcast_in_dim3A_1719 = vector.broadcast %jit3A_1718 : f32 to vector<1x1xf32>
    %select_n3A_1720 = arith.select %and3A_1717, %sqrt3A_1708, %broadcast_in_dim3A_1719 : vector<1x1xi1>, vector<1x1xf32>
    %add3A_1721 = arith.addf %add3A_1697, %select_n3A_1720 : vector<1x1xf32>
    %slice3A_1722 = vector.extract_strided_slice %div3A_509 {offsets = [7, 0], sizes = [1, 256], strides = [1, 1]} : vector<8x256xf32> to vector<1x256xf32>
    %slice3A_1723 = vector.extract_strided_slice %div3A_1314 {offsets = [2, 0], sizes = [1, 256], strides = [1, 1]} : vector<8x256xf32> to vector<1x256xf32>
    %sub3A_1724 = arith.subf %slice3A_1722, %slice3A_1723 : vector<1x256xf32>
    %add3A_1725 = arith.constant 9.99999997E-7 : f32
    %add3A_1726 = vector.broadcast %add3A_1725 : f32 to vector<1x256xf32>
    %add3A_1727 = arith.addf %sub3A_1724, %add3A_1726 : vector<1x256xf32>
    %mul3A_1728 = arith.mulf %add3A_1727, %add3A_1727 : vector<1x256xf32>
    %reduce_sum3A_1729 = arith.constant dense<0.000000e+00> : vector<1xf32>
    %reduce_sum3A_1730 = vector.multi_reduction <add>, %mul3A_1728, %reduce_sum3A_1729 [1] : vector<1x256xf32> to vector<1xf32>
    %broadcast_in_dim3A_1731 = vector.shape_cast %reduce_sum3A_1730 : vector<1xf32> to vector<1x1xf32>
    %sqrt3A_1732 = math.sqrt %broadcast_in_dim3A_1731 : vector<1x1xf32>
    %slice3A_1733 = vector.extract_strided_slice %broadcast_in_dim3A_502 {offsets = [7, 0], sizes = [1, 1], strides = [1, 1]} : vector<8x1xf32> to vector<1x1xf32>
    %slice3A_1734 = vector.extract_strided_slice %broadcast_in_dim3A_1307 {offsets = [2, 0], sizes = [1, 1], strides = [1, 1]} : vector<8x1xf32> to vector<1x1xf32>
    %gt3A_1735 = arith.constant 0.000000e+00 : f32
    %gt3A_1736 = vector.broadcast %gt3A_1735 : f32 to vector<1x1xf32>
    %gt3A_1737 = arith.cmpf ogt, %slice3A_1733, %gt3A_1736 : vector<1x1xf32>
    %gt3A_1738 = arith.constant 0.000000e+00 : f32
    %gt3A_1739 = vector.broadcast %gt3A_1738 : f32 to vector<1x1xf32>
    %gt3A_1740 = arith.cmpf ogt, %slice3A_1734, %gt3A_1739 : vector<1x1xf32>
    %and3A_1741 = arith.andi %gt3A_1737, %gt3A_1740 : vector<1x1xi1>
    %jit3A_1742 = arith.constant 0.000000e+00 : f32
    %broadcast_in_dim3A_1743 = vector.broadcast %jit3A_1742 : f32 to vector<1x1xf32>
    %select_n3A_1744 = arith.select %and3A_1741, %sqrt3A_1732, %broadcast_in_dim3A_1743 : vector<1x1xi1>, vector<1x1xf32>
    %add3A_1745 = arith.addf %add3A_1721, %select_n3A_1744 : vector<1x1xf32>
    %slice3A_1746 = vector.extract_strided_slice %div3A_670 {offsets = [4, 0], sizes = [1, 256], strides = [1, 1]} : vector<8x256xf32> to vector<1x256xf32>
    %slice3A_1747 = vector.extract_strided_slice %div3A_831 {offsets = [3, 0], sizes = [1, 256], strides = [1, 1]} : vector<8x256xf32> to vector<1x256xf32>
    %sub3A_1748 = arith.subf %slice3A_1746, %slice3A_1747 : vector<1x256xf32>
    %add3A_1749 = arith.constant 9.99999997E-7 : f32
    %add3A_1750 = vector.broadcast %add3A_1749 : f32 to vector<1x256xf32>
    %add3A_1751 = arith.addf %sub3A_1748, %add3A_1750 : vector<1x256xf32>
    %mul3A_1752 = arith.mulf %add3A_1751, %add3A_1751 : vector<1x256xf32>
    %reduce_sum3A_1753 = arith.constant dense<0.000000e+00> : vector<1xf32>
    %reduce_sum3A_1754 = vector.multi_reduction <add>, %mul3A_1752, %reduce_sum3A_1753 [1] : vector<1x256xf32> to vector<1xf32>
    %broadcast_in_dim3A_1755 = vector.shape_cast %reduce_sum3A_1754 : vector<1xf32> to vector<1x1xf32>
    %sqrt3A_1756 = math.sqrt %broadcast_in_dim3A_1755 : vector<1x1xf32>
    %slice3A_1757 = vector.extract_strided_slice %broadcast_in_dim3A_663 {offsets = [4, 0], sizes = [1, 1], strides = [1, 1]} : vector<8x1xf32> to vector<1x1xf32>
    %slice3A_1758 = vector.extract_strided_slice %broadcast_in_dim3A_824 {offsets = [3, 0], sizes = [1, 1], strides = [1, 1]} : vector<8x1xf32> to vector<1x1xf32>
    %gt3A_1759 = arith.constant 0.000000e+00 : f32
    %gt3A_1760 = vector.broadcast %gt3A_1759 : f32 to vector<1x1xf32>
    %gt3A_1761 = arith.cmpf ogt, %slice3A_1757, %gt3A_1760 : vector<1x1xf32>
    %gt3A_1762 = arith.constant 0.000000e+00 : f32
    %gt3A_1763 = vector.broadcast %gt3A_1762 : f32 to vector<1x1xf32>
    %gt3A_1764 = arith.cmpf ogt, %slice3A_1758, %gt3A_1763 : vector<1x1xf32>
    %and3A_1765 = arith.andi %gt3A_1761, %gt3A_1764 : vector<1x1xi1>
    %jit3A_1766 = arith.constant 0.000000e+00 : f32
    %broadcast_in_dim3A_1767 = vector.broadcast %jit3A_1766 : f32 to vector<1x1xf32>
    %select_n3A_1768 = arith.select %and3A_1765, %sqrt3A_1756, %broadcast_in_dim3A_1767 : vector<1x1xi1>, vector<1x1xf32>
    %add3A_1769 = arith.addf %add3A_1745, %select_n3A_1768 : vector<1x1xf32>
    %slice3A_1770 = vector.extract_strided_slice %div3A_670 {offsets = [5, 0], sizes = [1, 256], strides = [1, 1]} : vector<8x256xf32> to vector<1x256xf32>
    %slice3A_1771 = vector.extract_strided_slice %div3A_992 {offsets = [3, 0], sizes = [1, 256], strides = [1, 1]} : vector<8x256xf32> to vector<1x256xf32>
    %sub3A_1772 = arith.subf %slice3A_1770, %slice3A_1771 : vector<1x256xf32>
    %add3A_1773 = arith.constant 9.99999997E-7 : f32
    %add3A_1774 = vector.broadcast %add3A_1773 : f32 to vector<1x256xf32>
    %add3A_1775 = arith.addf %sub3A_1772, %add3A_1774 : vector<1x256xf32>
    %mul3A_1776 = arith.mulf %add3A_1775, %add3A_1775 : vector<1x256xf32>
    %reduce_sum3A_1777 = arith.constant dense<0.000000e+00> : vector<1xf32>
    %reduce_sum3A_1778 = vector.multi_reduction <add>, %mul3A_1776, %reduce_sum3A_1777 [1] : vector<1x256xf32> to vector<1xf32>
    %broadcast_in_dim3A_1779 = vector.shape_cast %reduce_sum3A_1778 : vector<1xf32> to vector<1x1xf32>
    %sqrt3A_1780 = math.sqrt %broadcast_in_dim3A_1779 : vector<1x1xf32>
    %slice3A_1781 = vector.extract_strided_slice %broadcast_in_dim3A_663 {offsets = [5, 0], sizes = [1, 1], strides = [1, 1]} : vector<8x1xf32> to vector<1x1xf32>
    %slice3A_1782 = vector.extract_strided_slice %broadcast_in_dim3A_985 {offsets = [3, 0], sizes = [1, 1], strides = [1, 1]} : vector<8x1xf32> to vector<1x1xf32>
    %gt3A_1783 = arith.constant 0.000000e+00 : f32
    %gt3A_1784 = vector.broadcast %gt3A_1783 : f32 to vector<1x1xf32>
    %gt3A_1785 = arith.cmpf ogt, %slice3A_1781, %gt3A_1784 : vector<1x1xf32>
    %gt3A_1786 = arith.constant 0.000000e+00 : f32
    %gt3A_1787 = vector.broadcast %gt3A_1786 : f32 to vector<1x1xf32>
    %gt3A_1788 = arith.cmpf ogt, %slice3A_1782, %gt3A_1787 : vector<1x1xf32>
    %and3A_1789 = arith.andi %gt3A_1785, %gt3A_1788 : vector<1x1xi1>
    %jit3A_1790 = arith.constant 0.000000e+00 : f32
    %broadcast_in_dim3A_1791 = vector.broadcast %jit3A_1790 : f32 to vector<1x1xf32>
    %select_n3A_1792 = arith.select %and3A_1789, %sqrt3A_1780, %broadcast_in_dim3A_1791 : vector<1x1xi1>, vector<1x1xf32>
    %add3A_1793 = arith.addf %add3A_1769, %select_n3A_1792 : vector<1x1xf32>
    %slice3A_1794 = vector.extract_strided_slice %div3A_670 {offsets = [6, 0], sizes = [1, 256], strides = [1, 1]} : vector<8x256xf32> to vector<1x256xf32>
    %slice3A_1795 = vector.extract_strided_slice %div3A_1153 {offsets = [3, 0], sizes = [1, 256], strides = [1, 1]} : vector<8x256xf32> to vector<1x256xf32>
    %sub3A_1796 = arith.subf %slice3A_1794, %slice3A_1795 : vector<1x256xf32>
    %add3A_1797 = arith.constant 9.99999997E-7 : f32
    %add3A_1798 = vector.broadcast %add3A_1797 : f32 to vector<1x256xf32>
    %add3A_1799 = arith.addf %sub3A_1796, %add3A_1798 : vector<1x256xf32>
    %mul3A_1800 = arith.mulf %add3A_1799, %add3A_1799 : vector<1x256xf32>
    %reduce_sum3A_1801 = arith.constant dense<0.000000e+00> : vector<1xf32>
    %reduce_sum3A_1802 = vector.multi_reduction <add>, %mul3A_1800, %reduce_sum3A_1801 [1] : vector<1x256xf32> to vector<1xf32>
    %broadcast_in_dim3A_1803 = vector.shape_cast %reduce_sum3A_1802 : vector<1xf32> to vector<1x1xf32>
    %sqrt3A_1804 = math.sqrt %broadcast_in_dim3A_1803 : vector<1x1xf32>
    %slice3A_1805 = vector.extract_strided_slice %broadcast_in_dim3A_663 {offsets = [6, 0], sizes = [1, 1], strides = [1, 1]} : vector<8x1xf32> to vector<1x1xf32>
    %slice3A_1806 = vector.extract_strided_slice %broadcast_in_dim3A_1146 {offsets = [3, 0], sizes = [1, 1], strides = [1, 1]} : vector<8x1xf32> to vector<1x1xf32>
    %gt3A_1807 = arith.constant 0.000000e+00 : f32
    %gt3A_1808 = vector.broadcast %gt3A_1807 : f32 to vector<1x1xf32>
    %gt3A_1809 = arith.cmpf ogt, %slice3A_1805, %gt3A_1808 : vector<1x1xf32>
    %gt3A_1810 = arith.constant 0.000000e+00 : f32
    %gt3A_1811 = vector.broadcast %gt3A_1810 : f32 to vector<1x1xf32>
    %gt3A_1812 = arith.cmpf ogt, %slice3A_1806, %gt3A_1811 : vector<1x1xf32>
    %and3A_1813 = arith.andi %gt3A_1809, %gt3A_1812 : vector<1x1xi1>
    %jit3A_1814 = arith.constant 0.000000e+00 : f32
    %broadcast_in_dim3A_1815 = vector.broadcast %jit3A_1814 : f32 to vector<1x1xf32>
    %select_n3A_1816 = arith.select %and3A_1813, %sqrt3A_1804, %broadcast_in_dim3A_1815 : vector<1x1xi1>, vector<1x1xf32>
    %add3A_1817 = arith.addf %add3A_1793, %select_n3A_1816 : vector<1x1xf32>
    %slice3A_1818 = vector.extract_strided_slice %div3A_670 {offsets = [7, 0], sizes = [1, 256], strides = [1, 1]} : vector<8x256xf32> to vector<1x256xf32>
    %slice3A_1819 = vector.extract_strided_slice %div3A_1314 {offsets = [3, 0], sizes = [1, 256], strides = [1, 1]} : vector<8x256xf32> to vector<1x256xf32>
    %sub3A_1820 = arith.subf %slice3A_1818, %slice3A_1819 : vector<1x256xf32>
    %add3A_1821 = arith.constant 9.99999997E-7 : f32
    %add3A_1822 = vector.broadcast %add3A_1821 : f32 to vector<1x256xf32>
    %add3A_1823 = arith.addf %sub3A_1820, %add3A_1822 : vector<1x256xf32>
    %mul3A_1824 = arith.mulf %add3A_1823, %add3A_1823 : vector<1x256xf32>
    %reduce_sum3A_1825 = arith.constant dense<0.000000e+00> : vector<1xf32>
    %reduce_sum3A_1826 = vector.multi_reduction <add>, %mul3A_1824, %reduce_sum3A_1825 [1] : vector<1x256xf32> to vector<1xf32>
    %broadcast_in_dim3A_1827 = vector.shape_cast %reduce_sum3A_1826 : vector<1xf32> to vector<1x1xf32>
    %sqrt3A_1828 = math.sqrt %broadcast_in_dim3A_1827 : vector<1x1xf32>
    %slice3A_1829 = vector.extract_strided_slice %broadcast_in_dim3A_663 {offsets = [7, 0], sizes = [1, 1], strides = [1, 1]} : vector<8x1xf32> to vector<1x1xf32>
    %slice3A_1830 = vector.extract_strided_slice %broadcast_in_dim3A_1307 {offsets = [3, 0], sizes = [1, 1], strides = [1, 1]} : vector<8x1xf32> to vector<1x1xf32>
    %gt3A_1831 = arith.constant 0.000000e+00 : f32
    %gt3A_1832 = vector.broadcast %gt3A_1831 : f32 to vector<1x1xf32>
    %gt3A_1833 = arith.cmpf ogt, %slice3A_1829, %gt3A_1832 : vector<1x1xf32>
    %gt3A_1834 = arith.constant 0.000000e+00 : f32
    %gt3A_1835 = vector.broadcast %gt3A_1834 : f32 to vector<1x1xf32>
    %gt3A_1836 = arith.cmpf ogt, %slice3A_1830, %gt3A_1835 : vector<1x1xf32>
    %and3A_1837 = arith.andi %gt3A_1833, %gt3A_1836 : vector<1x1xi1>
    %jit3A_1838 = arith.constant 0.000000e+00 : f32
    %broadcast_in_dim3A_1839 = vector.broadcast %jit3A_1838 : f32 to vector<1x1xf32>
    %select_n3A_1840 = arith.select %and3A_1837, %sqrt3A_1828, %broadcast_in_dim3A_1839 : vector<1x1xi1>, vector<1x1xf32>
    %add3A_1841 = arith.addf %add3A_1817, %select_n3A_1840 : vector<1x1xf32>
    %slice3A_1842 = vector.extract_strided_slice %div3A_831 {offsets = [5, 0], sizes = [1, 256], strides = [1, 1]} : vector<8x256xf32> to vector<1x256xf32>
    %slice3A_1843 = vector.extract_strided_slice %div3A_992 {offsets = [4, 0], sizes = [1, 256], strides = [1, 1]} : vector<8x256xf32> to vector<1x256xf32>
    %sub3A_1844 = arith.subf %slice3A_1842, %slice3A_1843 : vector<1x256xf32>
    %add3A_1845 = arith.constant 9.99999997E-7 : f32
    %add3A_1846 = vector.broadcast %add3A_1845 : f32 to vector<1x256xf32>
    %add3A_1847 = arith.addf %sub3A_1844, %add3A_1846 : vector<1x256xf32>
    %mul3A_1848 = arith.mulf %add3A_1847, %add3A_1847 : vector<1x256xf32>
    %reduce_sum3A_1849 = arith.constant dense<0.000000e+00> : vector<1xf32>
    %reduce_sum3A_1850 = vector.multi_reduction <add>, %mul3A_1848, %reduce_sum3A_1849 [1] : vector<1x256xf32> to vector<1xf32>
    %broadcast_in_dim3A_1851 = vector.shape_cast %reduce_sum3A_1850 : vector<1xf32> to vector<1x1xf32>
    %sqrt3A_1852 = math.sqrt %broadcast_in_dim3A_1851 : vector<1x1xf32>
    %slice3A_1853 = vector.extract_strided_slice %broadcast_in_dim3A_824 {offsets = [5, 0], sizes = [1, 1], strides = [1, 1]} : vector<8x1xf32> to vector<1x1xf32>
    %slice3A_1854 = vector.extract_strided_slice %broadcast_in_dim3A_985 {offsets = [4, 0], sizes = [1, 1], strides = [1, 1]} : vector<8x1xf32> to vector<1x1xf32>
    %gt3A_1855 = arith.constant 0.000000e+00 : f32
    %gt3A_1856 = vector.broadcast %gt3A_1855 : f32 to vector<1x1xf32>
    %gt3A_1857 = arith.cmpf ogt, %slice3A_1853, %gt3A_1856 : vector<1x1xf32>
    %gt3A_1858 = arith.constant 0.000000e+00 : f32
    %gt3A_1859 = vector.broadcast %gt3A_1858 : f32 to vector<1x1xf32>
    %gt3A_1860 = arith.cmpf ogt, %slice3A_1854, %gt3A_1859 : vector<1x1xf32>
    %and3A_1861 = arith.andi %gt3A_1857, %gt3A_1860 : vector<1x1xi1>
    %jit3A_1862 = arith.constant 0.000000e+00 : f32
    %broadcast_in_dim3A_1863 = vector.broadcast %jit3A_1862 : f32 to vector<1x1xf32>
    %select_n3A_1864 = arith.select %and3A_1861, %sqrt3A_1852, %broadcast_in_dim3A_1863 : vector<1x1xi1>, vector<1x1xf32>
    %add3A_1865 = arith.addf %add3A_1841, %select_n3A_1864 : vector<1x1xf32>
    %slice3A_1866 = vector.extract_strided_slice %div3A_831 {offsets = [6, 0], sizes = [1, 256], strides = [1, 1]} : vector<8x256xf32> to vector<1x256xf32>
    %slice3A_1867 = vector.extract_strided_slice %div3A_1153 {offsets = [4, 0], sizes = [1, 256], strides = [1, 1]} : vector<8x256xf32> to vector<1x256xf32>
    %sub3A_1868 = arith.subf %slice3A_1866, %slice3A_1867 : vector<1x256xf32>
    %add3A_1869 = arith.constant 9.99999997E-7 : f32
    %add3A_1870 = vector.broadcast %add3A_1869 : f32 to vector<1x256xf32>
    %add3A_1871 = arith.addf %sub3A_1868, %add3A_1870 : vector<1x256xf32>
    %mul3A_1872 = arith.mulf %add3A_1871, %add3A_1871 : vector<1x256xf32>
    %reduce_sum3A_1873 = arith.constant dense<0.000000e+00> : vector<1xf32>
    %reduce_sum3A_1874 = vector.multi_reduction <add>, %mul3A_1872, %reduce_sum3A_1873 [1] : vector<1x256xf32> to vector<1xf32>
    %broadcast_in_dim3A_1875 = vector.shape_cast %reduce_sum3A_1874 : vector<1xf32> to vector<1x1xf32>
    %sqrt3A_1876 = math.sqrt %broadcast_in_dim3A_1875 : vector<1x1xf32>
    %slice3A_1877 = vector.extract_strided_slice %broadcast_in_dim3A_824 {offsets = [6, 0], sizes = [1, 1], strides = [1, 1]} : vector<8x1xf32> to vector<1x1xf32>
    %slice3A_1878 = vector.extract_strided_slice %broadcast_in_dim3A_1146 {offsets = [4, 0], sizes = [1, 1], strides = [1, 1]} : vector<8x1xf32> to vector<1x1xf32>
    %gt3A_1879 = arith.constant 0.000000e+00 : f32
    %gt3A_1880 = vector.broadcast %gt3A_1879 : f32 to vector<1x1xf32>
    %gt3A_1881 = arith.cmpf ogt, %slice3A_1877, %gt3A_1880 : vector<1x1xf32>
    %gt3A_1882 = arith.constant 0.000000e+00 : f32
    %gt3A_1883 = vector.broadcast %gt3A_1882 : f32 to vector<1x1xf32>
    %gt3A_1884 = arith.cmpf ogt, %slice3A_1878, %gt3A_1883 : vector<1x1xf32>
    %and3A_1885 = arith.andi %gt3A_1881, %gt3A_1884 : vector<1x1xi1>
    %jit3A_1886 = arith.constant 0.000000e+00 : f32
    %broadcast_in_dim3A_1887 = vector.broadcast %jit3A_1886 : f32 to vector<1x1xf32>
    %select_n3A_1888 = arith.select %and3A_1885, %sqrt3A_1876, %broadcast_in_dim3A_1887 : vector<1x1xi1>, vector<1x1xf32>
    %add3A_1889 = arith.addf %add3A_1865, %select_n3A_1888 : vector<1x1xf32>
    %slice3A_1890 = vector.extract_strided_slice %div3A_831 {offsets = [7, 0], sizes = [1, 256], strides = [1, 1]} : vector<8x256xf32> to vector<1x256xf32>
    %slice3A_1891 = vector.extract_strided_slice %div3A_1314 {offsets = [4, 0], sizes = [1, 256], strides = [1, 1]} : vector<8x256xf32> to vector<1x256xf32>
    %sub3A_1892 = arith.subf %slice3A_1890, %slice3A_1891 : vector<1x256xf32>
    %add3A_1893 = arith.constant 9.99999997E-7 : f32
    %add3A_1894 = vector.broadcast %add3A_1893 : f32 to vector<1x256xf32>
    %add3A_1895 = arith.addf %sub3A_1892, %add3A_1894 : vector<1x256xf32>
    %mul3A_1896 = arith.mulf %add3A_1895, %add3A_1895 : vector<1x256xf32>
    %reduce_sum3A_1897 = arith.constant dense<0.000000e+00> : vector<1xf32>
    %reduce_sum3A_1898 = vector.multi_reduction <add>, %mul3A_1896, %reduce_sum3A_1897 [1] : vector<1x256xf32> to vector<1xf32>
    %broadcast_in_dim3A_1899 = vector.shape_cast %reduce_sum3A_1898 : vector<1xf32> to vector<1x1xf32>
    %sqrt3A_1900 = math.sqrt %broadcast_in_dim3A_1899 : vector<1x1xf32>
    %slice3A_1901 = vector.extract_strided_slice %broadcast_in_dim3A_824 {offsets = [7, 0], sizes = [1, 1], strides = [1, 1]} : vector<8x1xf32> to vector<1x1xf32>
    %slice3A_1902 = vector.extract_strided_slice %broadcast_in_dim3A_1307 {offsets = [4, 0], sizes = [1, 1], strides = [1, 1]} : vector<8x1xf32> to vector<1x1xf32>
    %gt3A_1903 = arith.constant 0.000000e+00 : f32
    %gt3A_1904 = vector.broadcast %gt3A_1903 : f32 to vector<1x1xf32>
    %gt3A_1905 = arith.cmpf ogt, %slice3A_1901, %gt3A_1904 : vector<1x1xf32>
    %gt3A_1906 = arith.constant 0.000000e+00 : f32
    %gt3A_1907 = vector.broadcast %gt3A_1906 : f32 to vector<1x1xf32>
    %gt3A_1908 = arith.cmpf ogt, %slice3A_1902, %gt3A_1907 : vector<1x1xf32>
    %and3A_1909 = arith.andi %gt3A_1905, %gt3A_1908 : vector<1x1xi1>
    %jit3A_1910 = arith.constant 0.000000e+00 : f32
    %broadcast_in_dim3A_1911 = vector.broadcast %jit3A_1910 : f32 to vector<1x1xf32>
    %select_n3A_1912 = arith.select %and3A_1909, %sqrt3A_1900, %broadcast_in_dim3A_1911 : vector<1x1xi1>, vector<1x1xf32>
    %add3A_1913 = arith.addf %add3A_1889, %select_n3A_1912 : vector<1x1xf32>
    %slice3A_1914 = vector.extract_strided_slice %div3A_992 {offsets = [6, 0], sizes = [1, 256], strides = [1, 1]} : vector<8x256xf32> to vector<1x256xf32>
    %slice3A_1915 = vector.extract_strided_slice %div3A_1153 {offsets = [5, 0], sizes = [1, 256], strides = [1, 1]} : vector<8x256xf32> to vector<1x256xf32>
    %sub3A_1916 = arith.subf %slice3A_1914, %slice3A_1915 : vector<1x256xf32>
    %add3A_1917 = arith.constant 9.99999997E-7 : f32
    %add3A_1918 = vector.broadcast %add3A_1917 : f32 to vector<1x256xf32>
    %add3A_1919 = arith.addf %sub3A_1916, %add3A_1918 : vector<1x256xf32>
    %mul3A_1920 = arith.mulf %add3A_1919, %add3A_1919 : vector<1x256xf32>
    %reduce_sum3A_1921 = arith.constant dense<0.000000e+00> : vector<1xf32>
    %reduce_sum3A_1922 = vector.multi_reduction <add>, %mul3A_1920, %reduce_sum3A_1921 [1] : vector<1x256xf32> to vector<1xf32>
    %broadcast_in_dim3A_1923 = vector.shape_cast %reduce_sum3A_1922 : vector<1xf32> to vector<1x1xf32>
    %sqrt3A_1924 = math.sqrt %broadcast_in_dim3A_1923 : vector<1x1xf32>
    %slice3A_1925 = vector.extract_strided_slice %broadcast_in_dim3A_985 {offsets = [6, 0], sizes = [1, 1], strides = [1, 1]} : vector<8x1xf32> to vector<1x1xf32>
    %slice3A_1926 = vector.extract_strided_slice %broadcast_in_dim3A_1146 {offsets = [5, 0], sizes = [1, 1], strides = [1, 1]} : vector<8x1xf32> to vector<1x1xf32>
    %gt3A_1927 = arith.constant 0.000000e+00 : f32
    %gt3A_1928 = vector.broadcast %gt3A_1927 : f32 to vector<1x1xf32>
    %gt3A_1929 = arith.cmpf ogt, %slice3A_1925, %gt3A_1928 : vector<1x1xf32>
    %gt3A_1930 = arith.constant 0.000000e+00 : f32
    %gt3A_1931 = vector.broadcast %gt3A_1930 : f32 to vector<1x1xf32>
    %gt3A_1932 = arith.cmpf ogt, %slice3A_1926, %gt3A_1931 : vector<1x1xf32>
    %and3A_1933 = arith.andi %gt3A_1929, %gt3A_1932 : vector<1x1xi1>
    %jit3A_1934 = arith.constant 0.000000e+00 : f32
    %broadcast_in_dim3A_1935 = vector.broadcast %jit3A_1934 : f32 to vector<1x1xf32>
    %select_n3A_1936 = arith.select %and3A_1933, %sqrt3A_1924, %broadcast_in_dim3A_1935 : vector<1x1xi1>, vector<1x1xf32>
    %add3A_1937 = arith.addf %add3A_1913, %select_n3A_1936 : vector<1x1xf32>
    %slice3A_1938 = vector.extract_strided_slice %div3A_992 {offsets = [7, 0], sizes = [1, 256], strides = [1, 1]} : vector<8x256xf32> to vector<1x256xf32>
    %slice3A_1939 = vector.extract_strided_slice %div3A_1314 {offsets = [5, 0], sizes = [1, 256], strides = [1, 1]} : vector<8x256xf32> to vector<1x256xf32>
    %sub3A_1940 = arith.subf %slice3A_1938, %slice3A_1939 : vector<1x256xf32>
    %add3A_1941 = arith.constant 9.99999997E-7 : f32
    %add3A_1942 = vector.broadcast %add3A_1941 : f32 to vector<1x256xf32>
    %add3A_1943 = arith.addf %sub3A_1940, %add3A_1942 : vector<1x256xf32>
    %mul3A_1944 = arith.mulf %add3A_1943, %add3A_1943 : vector<1x256xf32>
    %reduce_sum3A_1945 = arith.constant dense<0.000000e+00> : vector<1xf32>
    %reduce_sum3A_1946 = vector.multi_reduction <add>, %mul3A_1944, %reduce_sum3A_1945 [1] : vector<1x256xf32> to vector<1xf32>
    %broadcast_in_dim3A_1947 = vector.shape_cast %reduce_sum3A_1946 : vector<1xf32> to vector<1x1xf32>
    %sqrt3A_1948 = math.sqrt %broadcast_in_dim3A_1947 : vector<1x1xf32>
    %slice3A_1949 = vector.extract_strided_slice %broadcast_in_dim3A_985 {offsets = [7, 0], sizes = [1, 1], strides = [1, 1]} : vector<8x1xf32> to vector<1x1xf32>
    %slice3A_1950 = vector.extract_strided_slice %broadcast_in_dim3A_1307 {offsets = [5, 0], sizes = [1, 1], strides = [1, 1]} : vector<8x1xf32> to vector<1x1xf32>
    %gt3A_1951 = arith.constant 0.000000e+00 : f32
    %gt3A_1952 = vector.broadcast %gt3A_1951 : f32 to vector<1x1xf32>
    %gt3A_1953 = arith.cmpf ogt, %slice3A_1949, %gt3A_1952 : vector<1x1xf32>
    %gt3A_1954 = arith.constant 0.000000e+00 : f32
    %gt3A_1955 = vector.broadcast %gt3A_1954 : f32 to vector<1x1xf32>
    %gt3A_1956 = arith.cmpf ogt, %slice3A_1950, %gt3A_1955 : vector<1x1xf32>
    %and3A_1957 = arith.andi %gt3A_1953, %gt3A_1956 : vector<1x1xi1>
    %jit3A_1958 = arith.constant 0.000000e+00 : f32
    %broadcast_in_dim3A_1959 = vector.broadcast %jit3A_1958 : f32 to vector<1x1xf32>
    %select_n3A_1960 = arith.select %and3A_1957, %sqrt3A_1948, %broadcast_in_dim3A_1959 : vector<1x1xi1>, vector<1x1xf32>
    %add3A_1961 = arith.addf %add3A_1937, %select_n3A_1960 : vector<1x1xf32>
    %slice3A_1962 = vector.extract_strided_slice %div3A_1153 {offsets = [7, 0], sizes = [1, 256], strides = [1, 1]} : vector<8x256xf32> to vector<1x256xf32>
    %slice3A_1963 = vector.extract_strided_slice %div3A_1314 {offsets = [6, 0], sizes = [1, 256], strides = [1, 1]} : vector<8x256xf32> to vector<1x256xf32>
    %sub3A_1964 = arith.subf %slice3A_1962, %slice3A_1963 : vector<1x256xf32>
    %add3A_1965 = arith.constant 9.99999997E-7 : f32
    %add3A_1966 = vector.broadcast %add3A_1965 : f32 to vector<1x256xf32>
    %add3A_1967 = arith.addf %sub3A_1964, %add3A_1966 : vector<1x256xf32>
    %mul3A_1968 = arith.mulf %add3A_1967, %add3A_1967 : vector<1x256xf32>
    %reduce_sum3A_1969 = arith.constant dense<0.000000e+00> : vector<1xf32>
    %reduce_sum3A_1970 = vector.multi_reduction <add>, %mul3A_1968, %reduce_sum3A_1969 [1] : vector<1x256xf32> to vector<1xf32>
    %broadcast_in_dim3A_1971 = vector.shape_cast %reduce_sum3A_1970 : vector<1xf32> to vector<1x1xf32>
    %sqrt3A_1972 = math.sqrt %broadcast_in_dim3A_1971 : vector<1x1xf32>
    %slice3A_1973 = vector.extract_strided_slice %broadcast_in_dim3A_1146 {offsets = [7, 0], sizes = [1, 1], strides = [1, 1]} : vector<8x1xf32> to vector<1x1xf32>
    %slice3A_1974 = vector.extract_strided_slice %broadcast_in_dim3A_1307 {offsets = [6, 0], sizes = [1, 1], strides = [1, 1]} : vector<8x1xf32> to vector<1x1xf32>
    %gt3A_1975 = arith.constant 0.000000e+00 : f32
    %gt3A_1976 = vector.broadcast %gt3A_1975 : f32 to vector<1x1xf32>
    %gt3A_1977 = arith.cmpf ogt, %slice3A_1973, %gt3A_1976 : vector<1x1xf32>
    %gt3A_1978 = arith.constant 0.000000e+00 : f32
    %gt3A_1979 = vector.broadcast %gt3A_1978 : f32 to vector<1x1xf32>
    %gt3A_1980 = arith.cmpf ogt, %slice3A_1974, %gt3A_1979 : vector<1x1xf32>
    %and3A_1981 = arith.andi %gt3A_1977, %gt3A_1980 : vector<1x1xi1>
    %jit3A_1982 = arith.constant 0.000000e+00 : f32
    %broadcast_in_dim3A_1983 = vector.broadcast %jit3A_1982 : f32 to vector<1x1xf32>
    %select_n3A_1984 = arith.select %and3A_1981, %sqrt3A_1972, %broadcast_in_dim3A_1983 : vector<1x1xi1>, vector<1x1xf32>
    %add3A_1985 = arith.addf %add3A_1961, %select_n3A_1984 : vector<1x1xf32>
    %sub3A_1986 = arith.subf %add3A, %add3A_1985 : vector<1x1xf32>
    %swap3A = arith.constant 0 : index
    %swap3A_1987 = arith.constant 0 : index
    %swap3A_1988 = vector.load %arg6[%swap3A, %swap3A_1987] : memref<1x1xf32, #tpu.memory_space<vmem>>, vector<1x1xf32>
    tpu.vector_store %arg6[%swap3A, %swap3A_1987], %sub3A_1986 {strides = array<i32>} : memref<1x1xf32, #tpu.memory_space<vmem>>, vector<1x1xf32>,
    return
  }
}

</mosaic_0001>

<sc_bundles>
// kernel: kernel.5.cloned.1.call-start
scs
__scs_entry_jumppad:
0x0: {  	(pc) =	sbr.rel $0x88, $3  }
0x1: {  	(tag) =	ssettag $0x0;
	lr =	simm.s32 $0x1  }
0x2: {  	[smem:$0x3F9B] =	sst lr;
	_ =	strace $0xD0000000  }
0x3: {  	_ = 	snop  }
0x4: {  	_ = 	snop  }
0x5: {  	_ = 	snop  }
0x6: {  	_ = 	snop  }
0x7: {  	_ = 	snop  }
__scs_overlays_trampoline_lowered:
0x8: {  	[smem:$0x3FAA] =	sst s0  }
0x9: {  	[smem:$0x3FAB] =	sst s1  }
0xa: {  	[smem:$0x3FAC] =	sst s2  }
0xb: {  	[smem:$0x3FAD] =	sst s3  }
0xc: {  	[smem:$0x3FAE] =	sst s4  }
0xd: {  	[smem:$0x3FAF] =	sst s5  }
0xe: {  	[smem:$0x3FB0] =	sst s6  }
0xf: {  	[smem:$0x3FB1] =	sst s7  }
0x10: {  	[smem:$0x3FB2] =	sst s8  }
0x11: {  	[smem:$0x3FB3] =	sst s9;
	s0 =	simm.s32 @!p0 $0x0  }
0x12: {  	s1 =	sld [smem:$0x3F99];
	s0 =	simm.s32 @p0 $0x1  }
0x13: {  	[smem:$0x3FB4] =	sst s0;
	s0 =	simm.s32 @!p1 $0x0  }
0x14: {  	s2 =	sld [smem:$0x3F98];
	s0 =	simm.s32 @p1 $0x1  }
0x15: {  	[smem:$0x3FB5] =	sst s0;
	s0 =	simm.s32 @!p2 $0x0  }
0x16: {  	s3 =	sld [smem:$0x3FDB];
	s0 =	simm.s32 @p2 $0x1  }
0x17: {  	s4 =	simm.s32 $0x1BF5;
	[smem:$0x3FB7] =	sst s0  }
0x18: {  	s0 =	sld [smem:$0x3F9A];
	_ =	swait.ge [sflag:s4], $0x0  }
0x19: {  	s7 =	sld [smem:$0x3F9B]  }
0x1a: {  	s8 =	sadd.s32 $0xFFFFE003, lr  }
0x1b: {  	s9 =	sadd.s32 $0xFFFFFEF7, lr;
	s5 =	simm.s32 $0xFFFFFFFF;
	p2 =	slt.u32 s8, $0xFFFFF086  }
0x1c: {  	p1 =	slt.u32 s9, $0xF7A;
	s5 =	simm.s32 @!p2 $0x0  }
0x1d: {  	s5 =	simm.s32 @p1 $0x1;
	p0 =	seq.s32 s7, s2  }
0x1e: {  	s7 =	smul.u32 @!p0 $0xF7A, s2;
	p2 =	seq.s32 @!p0 s5, $0x0  }
0x1f: {  	s9 =	smul.u32 $0xF7A, s1;
	s8 =	simm.s32 @!p0 $0x1BF5;
	p2 =	por !p2, p0  }
0x20: {  	[sflag:s8] =	ssyncset.s32 @!p0 $0xFFFFF086;
	s6 =	sadd.s32 @!p0 s3, s7;
	s7 =	simm.s32 @!p0 $0x108  }
0x21: {  	s3 =	sadd.s32 s3, s9;
	s6 =	sadd.s32 @!p0 $0x88, s6;
	s7 =	simm.s32 @p2 $0x1082  }
0x22: {  	[simem:s7], [sflag:s8] =	dma.local @!p0 [hbm:s6], $0xF7A  }
0x23: {  	s9 =	sor.u32 $0xD0000000, s2;
	s6 =	simm.s32 $0x108;
	_ =	swait.ge @!p0 [sflag:s8], $0x0  }
0x24: {  	s3 =	sadd.s32 $0x88, s3;
	s6 =	simm.s32 @!p1 $0x1082;
	[sflag:s4] =	ssyncset.s32 $0xFFFFF086  }
0x25: {  	[simem:s6], [sflag:s4] =	dma.local [hbm:s3], $0xF7A  }
0x26: {  	[smem:$0x3F9B] =	sst s1;
	(tag) =	ssettag s2;
	_ =	strace s9  }
0x27: {  	s1 =	sld [smem:$0x3FAB]  }
0x28: {  	s2 =	sld [smem:$0x3FAC]  }
0x29: {  	s4 =	sld [smem:$0x3FAE]  }
0x2a: {  	p0 =	seq.s32 s5, $0x0;
	s5 =	sld [smem:$0x3FAF]  }
0x2b: {  	s6 =	sld [smem:$0x3FB0]  }
0x2c: {  	s7 =	sld [smem:$0x3FB1]  }
0x2d: {  	s3 =	simm.s32 $0x108;
	s8 =	sld [smem:$0x3FB2]  }
0x2e: {  	s3 =	simm.s32 @!p0 $0x1082;
	s9 =	sld [smem:$0x3FB3]  }
0x2f: {  	lr =	sadd.s32 s0, s3;
	s0 =	sld [smem:$0x3FAA]  }
0x30: {  	s3 =	sld [smem:$0x3FAD]  }
0x31: {  	[smem:$0x3FB6] =	sst s10  }
0x32: {  	s10 =	sld [smem:$0x3FB4];
	_ =	sdelay $0x3  }
0x33: {  	p0 =	seq.s32 s10, $0x1;
	s10 =	sld [smem:$0x3FB6];
	_ =	sdelay $0x3  }
0x34: {  	[smem:$0x3FB6] =	sst s10  }
0x35: {  	s10 =	sld [smem:$0x3FB5];
	_ =	sdelay $0x3  }
0x36: {  	p1 =	seq.s32 s10, $0x1;
	s10 =	sld [smem:$0x3FB6];
	_ =	sdelay $0x3  }
0x37: {  	[smem:$0x3FB6] =	sst s10  }
0x38: {  	s10 =	sld [smem:$0x3FB7]  }
0x39: {  	_ = 	snop;
	(pc) =	sbr.ind lr, $3  }
0x3a: {  	_ = 	snop  }
0x3b: {  	_ = 	snop  }
0x3c: {  	p2 =	seq.s32 s10, $0x1;
	s10 =	sld [smem:$0x3FB6]  }
0x3d: {  	_ =	shalt  }
0x3e: {  	_ =	shalt  }
0x3f: {  	_ =	shalt  }
0x40: {  	_ =	shalt  }
0x41: {  	_ =	shalt  }
0x42: {  	_ =	shalt  }
0x43: {  	_ =	shalt  }
0x44: {  	_ =	shalt  }
0x45: {  	_ =	shalt  }
0x46: {  	_ =	shalt  }
0x47: {  	_ =	shalt  }
0x48: {  	_ =	shalt  }
0x49: {  	_ =	shalt  }
0x4a: {  	_ =	shalt  }
0x4b: {  	_ =	shalt  }
0x4c: {  	_ =	shalt  }
0x4d: {  	_ =	shalt  }
0x4e: {  	_ =	shalt  }
0x4f: {  	_ =	shalt  }
0x50: {  	_ =	shalt  }
0x51: {  	_ =	shalt  }
0x52: {  	_ =	shalt  }
0x53: {  	_ =	shalt  }
0x54: {  	_ =	shalt  }
0x55: {  	_ =	shalt  }
0x56: {  	_ =	shalt  }
0x57: {  	_ =	shalt  }
0x58: {  	_ =	shalt  }
0x59: {  	_ =	shalt  }
0x5a: {  	_ =	shalt  }
0x5b: {  	_ =	shalt  }
0x5c: {  	_ =	shalt  }
0x5d: {  	_ =	shalt  }
0x5e: {  	_ =	shalt  }
0x5f: {  	_ =	shalt  }
0x60: {  	_ =	shalt  }
0x61: {  	_ =	shalt  }
0x62: {  	_ =	shalt  }
0x63: {  	_ =	shalt  }
0x64: {  	_ =	shalt  }
0x65: {  	_ =	shalt  }
0x66: {  	_ =	shalt  }
0x67: {  	_ =	shalt  }
0x68: {  	_ =	shalt  }
0x69: {  	_ =	shalt  }
0x6a: {  	_ =	shalt  }
0x6b: {  	_ =	shalt  }
0x6c: {  	_ =	shalt  }
0x6d: {  	_ =	shalt  }
0x6e: {  	_ =	shalt  }
0x6f: {  	_ =	shalt  }
0x70: {  	_ =	shalt  }
0x71: {  	_ =	shalt  }
0x72: {  	_ =	shalt  }
0x73: {  	_ =	shalt  }
0x74: {  	_ =	shalt  }
0x75: {  	_ =	shalt  }
0x76: {  	_ =	shalt  }
0x77: {  	_ =	shalt  }
0x78: {  	_ =	shalt  }
0x79: {  	_ =	shalt  }
0x7a: {  	_ =	shalt  }
0x7b: {  	_ =	shalt  }
0x7c: {  	_ =	shalt  }
0x7d: {  	_ =	shalt  }
0x7e: {  	_ =	shalt  }
0x7f: {  	_ =	shalt  }
0x80: {  	_ =	shalt  }
0x81: {  	_ =	shalt  }
0x82: {  	_ =	shalt  }
0x83: {  	_ =	shalt  }
0x84: {  	_ =	shalt  }
0x85: {  	_ =	shalt  }
0x86: {  	_ =	shalt  }
0x87: {  	_ =	shalt  }
.Lfunc_end0:
.L_simem_size_0:
called_computation_lowered:
.L_overlay_start_0:
0x88: {  	s2 =	sld [smem:$0x3FD9]  }
0x89: {  	s3 =	sld [smem:$0x3FFE];
	_ =	sdelay $0x1  }
0x8a: {  	s1 =	srdreg.scid  }
0x8b: {  	s0 =	sand.u32 $0x1, s1  }
0x8c: {  	s17 =	sshll.u32 s0, $0xA;
	s2 =	sadd.s32 s3, s2  }
0x8d: {  	s2 =	sadd.s32 s2, s17  }
0x8e: {  	[smem:$0x3FC2] =	sst s2  }
0x8f: {  	_ = 	snop  }
0x90: {  	s2 =	sld [smem:$0x3FC9];
	(tm) =	ssettm $0x1  }
0x91: {  	s18 =	sld [smem:$0x3FFB];
	_ =	sdelay $0x3  }
0x92: {  	_ =	strace s18  }
0x93: {  	s3 =	sld [smem:$0x3FFC];
	_ =	sdelay $0x3  }
0x94: {  	_ =	strace s3  }
0x95: {  	s3 =	sld [smem:$0x3FFD];
	_ =	sdelay $0x3  }
0x96: {  	_ =	strace s3  }
0x97: {  	_ =	strace $0x8FFFFFFF  }
0x98: {  	s19 =	sld [smem:$0x3FDB];
	_ =	sdelay $0x1  }
0x99: {  	s4 =	simm.s32 $_scs_section_size  }
0x9a: {  	s5 =	simm.s32 $_size__tile_overlayer_lowered;
	s6 =	simm.s32 $_tile_overlayer_lowered  }
0x9b: {  	s22 =	simm.s32 $0x1BFF;
	s21 =	sshll.u32 s6, $0x1;
	s3 =	sadd.s32 s4, s19  }
0x9c: {  	s7 =	simm.s32 $0x0;
	s20 =	sshll.u32 s5, $0x1;
	s5 =	sadd.s32 s21, s3  }
0x9d: {  	[timem:s7], [sflag:s22] =	dma.local [hbm:s5], s20  }
0x9e: {  	_ =	swait.ge [sflag:s22], s20  }
0x9f: {  	s4 =	ssub.s32 $0x0, s20;
	[sflag:s22] =	ssyncset.done $0x0  }
0xa0: {  	[sflag:s22] =	ssyncadd.s32 s4;
	_ =	sdelay $0x1  }
0xa1: {  	s23 =	simm.s32 $0x1B8B  }
0xa2: {  	_ =	swait.ge [sflag:s23], $0x1  }
0xa3: {  	[sflag:s23] =	ssyncset.done $0x0  }
0xa4: {  	s25 =	simm.s32 $0x1B8E;
	s24 =	sld [smem:$0x3FFE];
	[sflag:s23] =	ssyncadd.s32 $0xFFFFFFFF  }
0xa5: {  	s26 =	simm.s32 $execute0_lowered;
	[smem:$0x3FD2] =	sst s25  }
0xa6: {  	s5 =	sshll.u32 s26, $0x1;
	_ =	strace $0x80000046;
	[dreg:$0x1] =	wrdreg $0xFFFFFFFF  }
0xa7: {  	s28 =	simm.s32 $_size_execute0_lowered;
	s3 =	sadd.s32 s3, s5;
	[dreg:$0x0] =	wrdreg $0x0  }
0xa8: {  	s5 =	sshll.u32 s28, $0x1;
	[dreg:$0x2] =	wrdreg s3  }
0xa9: {  	[dreg:$0x3] =	wrdreg s5  }
0xaa: {  	[dreg:$0x4] =	wrdreg $0xC0  }
0xab: {  	_ =	task [dreg:s7], $0x5FFFF  }
0xac: {  	[dreg:$0x1] =	wrdreg $0xFFFFFFFF  }
0xad: {  	[dreg:$0x0] =	wrdreg $0x60  }
0xae: {  	[dreg:$0x2] =	wrdreg s2  }
0xaf: {  	[dreg:$0x3] =	wrdreg s24  }
0xb0: {  	[dreg:$0x4] =	wrdreg $0x9  }
0xb1: {  	_ =	task.clear_ibuf [dreg:s7], $0x5FFFF;
	_ =	strace $0x90000046  }
0xb2: {  	s29 =	simm.s32 $0x9;
	_ =	strace $0x80000048  }
0xb3: {  	_ =	swait.ge [sflag:s29], $0x1  }
0xb4: {  	[sflag:s29] =	ssyncadd.s32 $0xFFFFFFFF  }
0xb5: {  	_ =	strace $0x90000048  }
0xb6: {  	_ =	sfence  }
0xb7: {  	s30 =	sld [smem:$0x0];
	_ =	sdelay $0x2  }
0xb8: {  	s31 =	sshll.u32 s1, $0xD;
	s1 =	sshrl.u32 s1, $0x2  }
0xb9: {  	s3 =	sand.u32 $0x4000, s31;
	s1 =	sadd.s32 s1, s30  }
0xba: {  	s0 =	sor.u32 s3, s0;
	s1 =	sshll.u32 s1, $0x11  }
0xbb: {  	s0 =	sor.u32 s1, s0  }
0xbc: {  	s0 =	sadd.s32 $0x8F2B, s0  }
0xbd: {  	[sflag:s0] =	ssyncadd.remote.s32 $0x1  }
0xbe: {  	_ =	sfence.sel $0xFFFF  }
0xbf: {  	[dreg:$0x0] =	wrdreg $0xFFFFFFFF;
	(pc) =	sbr.abs _section_cstart, $3  }
0xc0: {  	[dreg:$0x1] =	wrdreg $0xFFFFFFFF  }
0xc1: {  	_ =	task.clear_ibuf [dreg:s7], $0x2FFFF;
	_ =	strace $0x9FFFFFFF  }
0xc2: {  	(tm) =	ssettm $0x7FFFFFFF  }
0xc3: {  	_ =	shalt  }
tec
execute0_lowered:
.L_overlay_start_1:
0x0: {  	(tag) =	ssettag $0x1  }
0x1: {  	s2 =	rddreg [dreg:$0x0]  }
0x2: {  	s7 =	rddreg [dreg:$0x1]  }
0x3: {  	s0 =	rddreg [dreg:$0x2];
	s4 =	srdreg.scid  }
0x4: {  	s1 =	stileid.u32;
	s3 =	simm.s32 $0x0;
	s11 =	simm.s32 $0x880  }
0x5: {  	s12 =	simm.s32 $0x1080;
	s13 =	simm.s32 $0x1880;
	s14 =	simm.s32 $0x1  }
0x6: {  	s15 =	simm.s32 $0x4880;
	s16 =	simm.s32 $0x2080;
	s17 =	simm.s32 $0x0  }
0x7: {  	s4 =	sand.u32 $0x1, s4;
	s5 =	sshll.u32 s1, $0x1;
	[smem:$0x7FF] =	sst s3  }
0x8: {  	s9 =	sor.u32 s4, s5;
	_ =	strace $0x80000047;
	s8 =	ssub.s32 $0x2, s4  }
.Ltmp0:
0x9: {  	s4 =	sadd.s32 $0x9A00, s7;
	s5 =	sshll.u32 s9, $0x2;
	(pc) =	sbr.rel .LBB2_1-.Ltmp0, $4  }
0xa: {  	s6 =	sshll.u32 s9, $0xA;
	s10 =	sshrl.u32 s8, $0x1;
	p0 =	sne.s32 s9, $0x1  }
0xb: {  	v2 =	vlaneseq.u32;
	vm0 =	vmmov $0xffff;
	s9 =	simm.s32 $0x2;
	s5 =	sadd.s32 s5, s7;
	s6 =	sadd.s32 s6, s7  }
0xc: {  	v3 =	vimm.f32 $0.0e+00;
	v4 =	vimm.f32 $1.000000000e+00;
	v1 =	vshrl.u32 v2, $0x3;
	s8 =	ssub.s32 s8, s10;
	s7 =	sadd.s32 $0x1480, s7;
	s10 =	simm.s32 $0x80  }
0xd: {  	v0 =	vand.u32 $0x7, v2;
	v2 =	vor.u32 $0x8, v2;
	v1 =	vmul.u32 $0x8, v1;
	s5 =	sadd.s32 $0x1400, s5;
	s6 =	sadd.s32 $0x1A00, s6;
	s8 =	smax.u32 s8, $0x1  }
.LBB2_6:
0xe: {  	v5 =	vld [tilespmem:s19+$0x4880];
	_ =	sdelay $0x7  }
0xf: {  	[tilespmem:v5+s16+$0x0] =	vst.idx.msk $0xffff, v4  }
0x10: {  	[hbm4b:s4+s3] =	stream.linear.scatter [tilespmem:s16], [sflag:$0x2], $0x2800, $0x38;
	[tilespmem:$0x4C80] =	vst v63  }
0x11: {  	_ =	swait.ge [sflag:s9], $0x2800  }
0x12: {  	[sflag:s9] =	ssyncset.done $0x0  }
0x13: {  	[sflag:s9] =	ssyncadd.s32 $0xFFFFD800  }
.LBB2_7:
0x14: {  	s17 =	sadd.s32 $0x1, s17  }
0x15: {  	p1 =	sne.s32 s17, s8  }
.Ltmp1:
0x16: {  	_ = 	snop;
	(pc) =	sbr.rel @!p1 .LBB2_8-.Ltmp1, $1  }
0x17: {  	_ =	sdelay $0x3  }
.LBB2_1:
0x18: {  	[tilespmem:s3], [sflag:$0x2] =	stream.linear.gather [hbm4b:s5+s3], $0x20, $0x38;
	[tilespmem:$0x4C80] =	vst v63  }
0x19: {  	_ =	swait.ge [sflag:s9], $0x20  }
0x1a: {  	[sflag:s9] =	ssyncset.done $0x0  }
0x1b: {  	[sflag:s9] =	ssyncadd.s32 $0xFFFFFFE0  }
0x1c: {  	v5 =	vld [tilespmem:$0x0];
	_ =	sdelay $0x4  }
0x1d: {  	v6 =	vshll.u32 v5, $0x1  }
0x1e: {  	v5 =	vand.u32 $0x7, v5;
	v6 =	vand.u32 $0xFFFFFFF0, v6  }
0x1f: {  	v5 =	vor.u32 v5, v6  }
0x20: {  	v6 =	vperm.xlane v5, v0;
	_ =	sdelay $0x1  }
0x21: {  	v5 =	vperm.xlane v5, v2;
	v6 =	vadd.s32 v1, v6;
	_ =	sdelay $0x1  }
0x22: {  	v5 =	vadd.s32 v1, v5;
	_ =	sdelay $0x2  }
0x23: {  	[tilespmem:s10], [sflag:$0x1] =	stream.indirect_vreg.gather [hbm4b:s2+s3], $0x80, v6, vm0, $0xb8;
	[tilespmem:$0x4C80] =	vst v63  }
0x24: {  	_ = 	snop  }
0x25: {  	[tilespmem:s11], [sflag:$0x1] =	stream.indirect_vreg.gather [hbm4b:s2+s3], $0x80, v5, vm0, $0xb8;
	[tilespmem:$0x4C80] =	vst v63  }
0x26: {  	v5 =	vld [tilespmem:$0x10];
	_ =	sdelay $0x4  }
0x27: {  	v6 =	vshll.u32 v5, $0x1  }
0x28: {  	v5 =	vand.u32 $0x7, v5;
	v6 =	vand.u32 $0xFFFFFFF0, v6  }
0x29: {  	v5 =	vor.u32 v5, v6  }
0x2a: {  	v6 =	vperm.xlane v5, v0;
	_ =	sdelay $0x1  }
0x2b: {  	v5 =	vperm.xlane v5, v2;
	v6 =	vadd.s32 v1, v6;
	_ =	sdelay $0x1  }
0x2c: {  	v5 =	vadd.s32 v1, v5;
	_ =	sdelay $0x2  }
0x2d: {  	[tilespmem:s12], [sflag:$0x1] =	stream.indirect_vreg.gather [hbm4b:s2+s3], $0x80, v6, vm0, $0xb8;
	[tilespmem:$0x4C80] =	vst v63  }
0x2e: {  	_ = 	snop  }
0x2f: {  	[tilespmem:s13], [sflag:$0x1] =	stream.indirect_vreg.gather [hbm4b:s2+s3], $0x80, v5, vm0, $0xb8;
	[tilespmem:$0x4C80] =	vst v63  }
0x30: {  	_ =	swait.ge [sflag:s14], $0x2000  }
0x31: {  	[sflag:s14] =	ssyncset.done $0x0  }
.Ltmp2:
0x32: {  	[sflag:s14] =	ssyncadd.s32 $0xFFFFE000;
	(pc) =	sbr.rel @p0 .LBB2_7-.Ltmp2, $4  }
0x33: {  	[hbm4b:s6+s3] =	stream.linear.scatter [tilespmem:s10], [sflag:$0x2], $0x2000, $0x38;
	[tilespmem:$0x4C80] =	vst v63  }
0x34: {  	_ =	swait.ge [sflag:s9], $0x2000  }
0x35: {  	[sflag:s9] =	ssyncset.done $0x0  }
0x36: {  	[sflag:s9] =	ssyncadd.s32 $0xFFFFE000  }
0x37: {  	s18 =	simm.s32 $0x40;
	s19 =	simm.s32 $0x0  }
.LBB2_3:
0x38: {  	p1 =	sne.s32 s18, $0x9FC0;
	[tilespmem:s19+$0x2080] =	vst v3;
	s19 =	smov.u32 s18;
	s18 =	sadd.s32 $0x40, s18  }
.Ltmp3:
0x39: {  	(pc) =	sbr.rel @p1 .LBB2_3-.Ltmp3, $2  }
0x3a: {  	_ =	sdelay $0x2  }
0x3b: {  	s19 =	sshra.s32 s19, $0x2  }
0x3c: {  	[tilespmem:s19+$0x2080] =	vst v3;
	s18 =	simm.s32 $0x0  }
0x3d: {  	[tilespmem:s15], [sflag:$0x2] =	stream.linear.gather [hbm4b:s7+s18], $0x400, $0x38;
	[tilespmem:$0x4C80] =	vst v63  }
0x3e: {  	_ =	swait.ge [sflag:s9], $0x400  }
0x3f: {  	[sflag:s9] =	ssyncset.done $0x0  }
0x40: {  	s19 =	simm.s32 $0x0;
	s18 =	simm.s32 $0x40;
	[sflag:s9] =	ssyncadd.s32 $0xFFFFFC00  }
.LBB2_5:
0x41: {  	p1 =	sne.s32 s18, $0xFC0;
	v5 =	vld [tilespmem:s19+$0x4880];
	_ =	sdelay $0x3  }
.Ltmp4:
0x42: {  	(pc) =	sbr.rel @p1 .LBB2_5-.Ltmp4, $2  }
0x43: {  	_ =	sdelay $0x2  }
0x44: {  	s19 =	sshra.s32 s18, $0x2;
	s18 =	sadd.s32 $0x40, s18;
	[tilespmem:v5+s16+$0x0] =	vst.idx.msk $0xffff, v4  }
.Ltmp5:
0x45: {  	_ = 	snop;
	(pc) =	sbr.rel .LBB2_6-.Ltmp5, $1  }
0x46: {  	_ =	sdelay $0x3  }
.LBB2_8:
0x47: {  	_ =	sfence.sel $0x180000  }
0x48: {  	[bflag:$0x0] =	sbarrier.arrive $0xFFFF  }
0x49: {  	p0 =	sne.s32 s1, $0x0;
	_ =	strace $0x90000047  }
0x4a: {  	s0 =	sadd.s32 @!p0 $0x100000, s0;
	[bflag:$0x2] =	sbarrier.arrive $0xFFFF  }
0x4b: {  	[sflag:s0] =	ssyncadd.tile.s32 @!p0 $0x1;
	_ =	shalt  }
.Lfunc_end2:
_tile_overlayer_lowered:
.L_overlay_start_2:
0x4c: {  	(tag) =	ssettag $0x2  }
0x4d: {  	s0 =	rddreg [dreg:$0x0];
	s2 =	stileid.u32  }
0x4e: {  	s1 =	rddreg [dreg:$0x1];
	p0 =	sne.s32 s2, $0x0  }
0x4f: {  	s3 =	rddreg [dreg:$0x2];
	[bflag:$0x3] =	sbarrier.arrive $0xFFFF;
	s2 =	simm.s32 @!p0 $0x1C02  }
0x50: {  	[timem:s3], [sflag:s2] =	dma.local @!p0 [hbm:s0], s1  }
0x51: {  	s0 =	simm.s32 @!p0 $0x2  }
0x52: {  	_ =	swait.ge @!p0 [sflag:s0], s1  }
0x53: {  	s1 =	ssub.s32 @!p0 $0x0, s1;
	[sflag:s0] =	ssyncset.done @!p0 $0x0  }
0x54: {  	[sflag:s0] =	ssyncadd.s32 @!p0 s1  }
0x55: {  	[bflag:$0x3] =	sbarrier.arrive $0xFFFF  }
0x56: {  	_ =	shalt  }

</sc_bundles>
